<compile_context>
chip_gen: v7x
topology: tpu7x:2x2x1
jax: 0.10.2.dev20260603
libtpu: 0.0.44.dev20260713+nightly
codegen_flags: <defaults>
</compile_context>

<pallas_src>
import functools

import jax
import jax.numpy as jnp
from jax import lax
from jax.experimental import pallas as pl
from jax.experimental.pallas import tpu as pltpu
from jax.experimental.pallas import tpu_sc as plsc

N_NODES = 10000
D = 128
DH = D // 2
NC = 2
NS = 16
L = 16
CHUNK = 128
NB = 4
SB = NB * CHUNK
ACC_ROWS = 10112
CNT_ROWS = 80
ROWS_PER_SUB = ACC_ROWS // NS
WB_OFFS = (0, 128, 256, 384, ROWS_PER_SUB - CHUNK)


def _sc_aggregate(x, src2, dst2, n_sb):
    mesh = plsc.VectorSubcoreMesh(core_axis_name="c", subcore_axis_name="s")

    @functools.partial(
        pl.kernel,
        out_type=(
            jax.ShapeDtypeStruct((NC, ACC_ROWS, DH), jnp.float32),
            jax.ShapeDtypeStruct((NC, CNT_ROWS, D), jnp.float32),
        ),
        mesh=mesh,
        compiler_params=pltpu.CompilerParams(use_tc_tiling_on_sc=False,
                                             needs_layout_passes=False),
        scratch_types=[
            pltpu.VMEM((2, NB, CHUNK), jnp.int32),
            pltpu.VMEM((2, NB, CHUNK), jnp.int32),
            pltpu.VMEM((NB, CHUNK, DH), jnp.float32),
            pltpu.VMEM((CNT_ROWS, D), jnp.float32),
            pltpu.VMEM((CNT_ROWS,), jnp.int32),
            pltpu.VMEM_SHARED((N_NODES, DH), jnp.float32),
            pltpu.VMEM_SHARED((ACC_ROWS, DH), jnp.float32),
            pltpu.VMEM_SHARED((CNT_ROWS, D), jnp.float32),
            pltpu.SemaphoreType.DMA((NB,)),
            pltpu.SemaphoreType.DMA((NB,)),
            pltpu.SemaphoreType.DMA((2,)),
        ],
    )
    def k(x_hbm, src_hbm, dst_hbm, part_hbm, cnt_hbm,
          sidx_v, didx_v, rows_v, hist_v, iota_v, xsp_sh, acc_sh, cntacc_sh,
          gsem, ssem, isem):
        cid = lax.axis_index("c")
        sid = lax.axis_index("s")
        sub_row0 = sid * ROWS_PER_SUB
        half = (n_sb + 1) // 2

        def fill(i, _):
            for c in range(DH // L):
                rows_v[0, i, pl.ds(c * L, L)] = jnp.zeros((L,), jnp.float32)
            return 0

        lax.fori_loop(0, CHUNK, fill, 0)

        def fill2(i, _):
            for c in range(D // L):
                hist_v[i, pl.ds(c * L, L)] = jnp.zeros((L,), jnp.float32)
            return 0

        lax.fori_loop(0, CNT_ROWS, fill2, 0)
        for c in range(CNT_ROWS // L):
            iota_v[pl.ds(c * L, L)] = lax.iota(jnp.int32, L) + (c * L)

        for woff in WB_OFFS:
            pltpu.sync_copy(rows_v.at[0],
                            acc_sh.at[pl.ds(sub_row0 + woff, CHUNK)])
        rpc = CNT_ROWS // NS
        pltpu.sync_copy(hist_v.at[pl.ds(0, rpc)],
                        cntacc_sh.at[pl.ds(sid * rpc, rpc)])
        xrows = N_NODES // NS
        pltpu.sync_copy(x_hbm.at[pl.ds(sid * xrows, xrows),
                                 pl.ds(cid * DH, DH)],
                        xsp_sh.at[pl.ds(sid * xrows, xrows)])
        plsc.subcore_barrier()

        def prefetch(b, slot):
            sb = sid * n_sb + b
            pltpu.async_copy(src_hbm.at[sb], sidx_v.at[slot], isem.at[slot])
            pltpu.async_copy(dst_hbm.at[sb], didx_v.at[slot], isem.at[slot])

        def wait_idx(slot):
            pltpu.make_async_copy(src_hbm.at[0], sidx_v.at[slot],
                                  isem.at[slot]).wait()
            pltpu.make_async_copy(dst_hbm.at[0], didx_v.at[slot],
                                  isem.at[slot]).wait()

        def drain_rows(slot):
            for j in range(NB):
                pltpu.make_async_copy(rows_v.at[j],
                                      acc_sh.at[didx_v.at[slot, j]],
                                      ssem.at[j]).wait()

        def counts_at(b):
            return lax.select(cid == 0, b < half, b >= half)

        prefetch(0, 0)

        def step(b, _):
            slot = lax.rem(b, 2)
            @pl.when(b > 0)
            def _():
                drain_rows(1 - slot)
            wait_idx(slot)

            @pl.when(b + 1 < n_sb)
            def _():
                prefetch(b + 1, 1 - slot)

            for j in range(NB):
                pltpu.async_copy(xsp_sh.at[sidx_v.at[slot, j]], rows_v.at[j],
                                 gsem.at[j])
            for j in range(NB):
                pltpu.make_async_copy(xsp_sh.at[sidx_v.at[slot, j]],
                                      rows_v.at[j], gsem.at[j]).wait()
                pltpu.async_copy(rows_v.at[j], acc_sh.at[didx_v.at[slot, j]],
                                 ssem.at[j], add=True)

            @pl.when(counts_at(b))
            def _():
                for j in range(NB):
                    for g in range(CHUNK // L):
                        d = didx_v[slot, j, pl.ds(g * L, L)]
                        cnts, last = plsc.scan_count(d)
                        plsc.addupdate_scatter(
                            hist_v,
                            [lax.shift_right_logical(d, 7),
                             lax.bitwise_and(d, 127)],
                            cnts.astype(jnp.float32), mask=last)
            return 0

        lax.fori_loop(0, n_sb, step, 0)
        drain_rows((n_sb - 1) % 2)
        pltpu.sync_copy(hist_v, cntacc_sh.at[iota_v], add=True)
        plsc.subcore_barrier()

        for woff in WB_OFFS:
            r0 = sub_row0 + woff
            pltpu.sync_copy(acc_sh.at[pl.ds(r0, CHUNK)], rows_v.at[0])
            pltpu.sync_copy(rows_v.at[0], part_hbm.at[cid, pl.ds(r0, CHUNK)])

        @pl.when(sid == 0)
        def _():
            pltpu.sync_copy(cntacc_sh, hist_v)
            pltpu.sync_copy(hist_v, cnt_hbm.at[cid])

    return k(x, src2, dst2)


def _tc_finish_body(p_ref, c_ref, x_ref, w_ref, o_ref):
    cnt = c_ref[0] + c_ref[1]
    inv_col = (1.0 / jnp.maximum(cnt, 1.0)).reshape(D, 1)
    y_lo = p_ref[0] * inv_col + x_ref[:, :DH]
    y_hi = p_ref[1] * inv_col + x_ref[:, DH:]
    o_ref[...] = lax.dot_general(
        y_lo, w_ref[:, :DH], (((1,), (1,)), ((), ())),
        preferred_element_type=jnp.float32) + lax.dot_general(
        y_hi, w_ref[:, DH:], (((1,), (1,)), ((), ())),
        preferred_element_type=jnp.float32)


def _tc_finish(part, cnt, x, w_r):
    grid = (ACC_ROWS // CHUNK,)
    return pl.pallas_call(
        _tc_finish_body,
        grid=grid,
        in_specs=[
            pl.BlockSpec((NC, CHUNK, DH), lambda i: (0, i, 0)),
            pl.BlockSpec((NC, D), lambda i: (0, i)),
            pl.BlockSpec((CHUNK, D), lambda i: (i, 0)),
            pl.BlockSpec((D, D), lambda i: (0, 0)),
        ],
        out_specs=pl.BlockSpec((CHUNK, D), lambda i: (i, 0)),
        out_shape=jax.ShapeDtypeStruct((N_NODES, D), jnp.float32),
    )(part, cnt, x, w_r)


@jax.jit
def kernel(x, edge_index, W_r):
    e = edge_index.shape[1]
    n_sb = -(-e // (NS * SB))
    e_pad = NS * n_sb * SB
    dst = edge_index[0].astype(jnp.int32)
    src = edge_index[1].astype(jnp.int32)
    pad = e_pad - e
    if pad:
        src = jnp.concatenate([src, jnp.zeros((pad,), jnp.int32)])
        dst = jnp.concatenate([dst, jnp.full((pad,), N_NODES, jnp.int32)])
    src2 = src.reshape(NS * n_sb, NB, CHUNK)
    dst2 = dst.reshape(NS * n_sb, NB, CHUNK)
    part, cnt = _sc_aggregate(x, src2, dst2, n_sb)
    cnt = cnt.reshape(NC, CNT_ROWS * D)
    return _tc_finish(part, cnt, x, W_r)

# --- scband reference (transcript-rebuilt; emitter-appended) ---
"""Pipeline reference for scband-gikt-pyg-15152644620331 (READ-ONLY COPY).

The authoritative reference and input builder live on the scoring server;
editing this copy changes nothing except your own understanding.
"""

import jax, jax.numpy as jnp
import numpy as np

N_NODES = 10000
N_EDGES = 320000
D = 128

def setup_inputs(seed: int = 0) -> dict:
    key = jax.random.key(seed)
    k1, k2, k3 = jax.random.split(key, 3)
    x = jax.random.normal(k1, (N_NODES, D), dtype=jnp.float32)
    edge_index = jax.random.randint(k2, (2, N_EDGES), 0, N_NODES, dtype=jnp.int64)
    # lin_r: Linear(in_channels, out_channels, bias=False); torch stores weight [out, in]
    lim = 1.0 / np.sqrt(D)
    W_r = jax.random.uniform(k3, (D, D), dtype=jnp.float32, minval=-lim, maxval=lim)
    return {"x": x, "edge_index": edge_index, "W_r": W_r}

def reference(x, edge_index, W_r):
    # SAGEConv4GIKT forward (eval mode), aggr='mean', flow='target_to_source':
    # messages flow from edge_index[1] (j) to edge_index[0] (i).
    j = edge_index[1]
    i = edge_index[0]
    msg = jnp.take(x, j, axis=0)                      # gather x_j  [E, D]
    summed = jax.ops.segment_sum(msg, i, num_segments=N_NODES)
    cnt = jax.ops.segment_sum(jnp.ones((msg.shape[0],), dtype=x.dtype), i, num_segments=N_NODES)
    mean_aggr = summed / jnp.clip(cnt, 1.0, None)[:, None]
    # root_weight path: out = lin_r(out + x_r)  (no dropout in eval; lin_l unused in forward)
    out = (mean_aggr + x) @ W_r.T
    return out

if __name__ == "__main__":
    import jax
    _d = setup_inputs()
    print(jax.jit(kernel)(*tuple(_d.values())))

</pallas_src>

<mosaic_0001>
#map = affine_map<(d0, d1) -> (0, 0)>
#map1 = affine_map<(d0, d1) -> (0, 0, 0)>
module attributes {stable_mosaic.version = 14 : i64} {
  func.func @k(%arg0: i32, %arg1: i32, %arg2: memref<10000x128xf32, #tpu.memory_space<hbm>>, %arg3: memref<640x4x128xi32, #tpu.memory_space<hbm>>, %arg4: memref<640x4x128xi32, #tpu.memory_space<hbm>>, %arg5: memref<2x10112x64xf32, #tpu.memory_space<hbm>>, %arg6: memref<2x80x128xf32, #tpu.memory_space<hbm>>, %arg7: memref<2x4x128xi32, #tpu.memory_space<vmem>>, %arg8: memref<2x4x128xi32, #tpu.memory_space<vmem>>, %arg9: memref<4x128x64xf32, #tpu.memory_space<vmem>>, %arg10: memref<80x128xf32, #tpu.memory_space<vmem>>, %arg11: memref<80xi32, #tpu.memory_space<vmem>>, %arg12: memref<10000x64xf32, #tpu.memory_space<vmem_shared>>, %arg13: memref<10112x64xf32, #tpu.memory_space<vmem_shared>>, %arg14: memref<80x128xf32, #tpu.memory_space<vmem_shared>>, %arg15: memref<4x!tpu.dma_semaphore, #tpu.memory_space<semaphore_mem>>, %arg16: memref<4x!tpu.dma_semaphore, #tpu.memory_space<semaphore_mem>>, %arg17: memref<2x!tpu.dma_semaphore, #tpu.memory_space<semaphore_mem>>) attributes {dimension_semantics = [#tpu.dimension_semantics<core_parallel>, #tpu.dimension_semantics<subcore_parallel>], iteration_bounds = array<i64: 2, 16>, scalar_prefetch = 0 : i64, scratch_operands = 11 : i64, tpu.core_type = #tpu.core_type<sc_vector_subcore>, window_params = [{transform_indices = #map}, {transform_indices = #map1}, {transform_indices = #map1}, {transform_indices = #map1}, {transform_indices = #map1}]} {
    %mul3A = arith.constant 632 : i32
    %mul3A_0 = arith.muli %arg1, %mul3A : i32
    %scan3A = arith.constant 0 : i32
    %scan3A_1 = arith.constant 0 : i32
    %scan3A_2 = arith.constant 128 : i32
    %scan3A_3 = arith.addi %scan3A_1, %scan3A_2 : i32
    %scan3A_4 = arith.constant 1 : i32
    %scan3A_5 = scf.for %scan3A_199 = %scan3A_1 to %scan3A_3 step %scan3A_4 iter_args(%scan3A_200 = %scan3A) -> (i32)  : i32 {
      %broadcast_in_dim3A = arith.constant 0.000000e+00 : f32
      %broadcast_in_dim3A_201 = vector.broadcast %broadcast_in_dim3A : f32 to vector<16xf32>
      %swap3A_202 = arith.constant 0 : i32
      %swap3A_203 = arith.index_cast %swap3A_202 : i32 to index
      %swap3A_204 = arith.index_cast %scan3A_199 : i32 to index
      %swap3A_205 = arith.constant 0 : index
      %swap3A_206 = tpu.vector_load %arg9[%swap3A_203, %swap3A_204, %swap3A_205] {strides = array<i32>} : memref<4x128x64xf32, #tpu.memory_space<vmem>>, vector<16xf32>,
      tpu.vector_store %arg9[%swap3A_203, %swap3A_204, %swap3A_205], %broadcast_in_dim3A_201 {strides = array<i32>} : memref<4x128x64xf32, #tpu.memory_space<vmem>>, vector<16xf32>,
      %broadcast_in_dim3A_207 = arith.constant 0.000000e+00 : f32
      %broadcast_in_dim3A_208 = vector.broadcast %broadcast_in_dim3A_207 : f32 to vector<16xf32>
      %swap3A_209 = arith.constant 0 : i32
      %swap3A_210 = arith.index_cast %swap3A_209 : i32 to index
      %swap3A_211 = arith.index_cast %scan3A_199 : i32 to index
      %swap3A_212 = arith.constant 16 : index
      %swap3A_213 = tpu.vector_load %arg9[%swap3A_210, %swap3A_211, %swap3A_212] {strides = array<i32>} : memref<4x128x64xf32, #tpu.memory_space<vmem>>, vector<16xf32>,
      tpu.vector_store %arg9[%swap3A_210, %swap3A_211, %swap3A_212], %broadcast_in_dim3A_208 {strides = array<i32>} : memref<4x128x64xf32, #tpu.memory_space<vmem>>, vector<16xf32>,
      %broadcast_in_dim3A_214 = arith.constant 0.000000e+00 : f32
      %broadcast_in_dim3A_215 = vector.broadcast %broadcast_in_dim3A_214 : f32 to vector<16xf32>
      %swap3A_216 = arith.constant 0 : i32
      %swap3A_217 = arith.index_cast %swap3A_216 : i32 to index
      %swap3A_218 = arith.index_cast %scan3A_199 : i32 to index
      %swap3A_219 = arith.constant 32 : index
      %swap3A_220 = tpu.vector_load %arg9[%swap3A_217, %swap3A_218, %swap3A_219] {strides = array<i32>} : memref<4x128x64xf32, #tpu.memory_space<vmem>>, vector<16xf32>,
      tpu.vector_store %arg9[%swap3A_217, %swap3A_218, %swap3A_219], %broadcast_in_dim3A_215 {strides = array<i32>} : memref<4x128x64xf32, #tpu.memory_space<vmem>>, vector<16xf32>,
      %broadcast_in_dim3A_221 = arith.constant 0.000000e+00 : f32
      %broadcast_in_dim3A_222 = vector.broadcast %broadcast_in_dim3A_221 : f32 to vector<16xf32>
      %swap3A_223 = arith.constant 0 : i32
      %swap3A_224 = arith.index_cast %swap3A_223 : i32 to index
      %swap3A_225 = arith.index_cast %scan3A_199 : i32 to index
      %swap3A_226 = arith.constant 48 : index
      %swap3A_227 = tpu.vector_load %arg9[%swap3A_224, %swap3A_225, %swap3A_226] {strides = array<i32>} : memref<4x128x64xf32, #tpu.memory_space<vmem>>, vector<16xf32>,
      tpu.vector_store %arg9[%swap3A_224, %swap3A_225, %swap3A_226], %broadcast_in_dim3A_222 {strides = array<i32>} : memref<4x128x64xf32, #tpu.memory_space<vmem>>, vector<16xf32>,
      %scan3A_228 = arith.constant 0 : i32
      scf.yield %scan3A_228 : i32
    }
    %scan3A_6 = arith.constant 128 : i32
    %scan3A_7 = arith.constant 0 : i32
    %scan3A_8 = arith.constant 0 : i32
    %scan3A_9 = arith.constant 80 : i32
    %scan3A_10 = arith.addi %scan3A_8, %scan3A_9 : i32
    %scan3A_11 = arith.constant 1 : i32
    %scan3A_12 = scf.for %scan3A_199 = %scan3A_8 to %scan3A_10 step %scan3A_11 iter_args(%scan3A_200 = %scan3A_7) -> (i32)  : i32 {
      %broadcast_in_dim3A = arith.constant 0.000000e+00 : f32
      %broadcast_in_dim3A_201 = vector.broadcast %broadcast_in_dim3A : f32 to vector<16xf32>
      %swap3A_202 = arith.index_cast %scan3A_199 : i32 to index
      %swap3A_203 = arith.constant 0 : index
      %swap3A_204 = tpu.vector_load %arg10[%swap3A_202, %swap3A_203] {strides = array<i32>} : memref<80x128xf32, #tpu.memory_space<vmem>>, vector<16xf32>,
      tpu.vector_store %arg10[%swap3A_202, %swap3A_203], %broadcast_in_dim3A_201 {strides = array<i32>} : memref<80x128xf32, #tpu.memory_space<vmem>>, vector<16xf32>,
      %broadcast_in_dim3A_205 = arith.constant 0.000000e+00 : f32
      %broadcast_in_dim3A_206 = vector.broadcast %broadcast_in_dim3A_205 : f32 to vector<16xf32>
      %swap3A_207 = arith.index_cast %scan3A_199 : i32 to index
      %swap3A_208 = arith.constant 16 : index
      %swap3A_209 = tpu.vector_load %arg10[%swap3A_207, %swap3A_208] {strides = array<i32>} : memref<80x128xf32, #tpu.memory_space<vmem>>, vector<16xf32>,
      tpu.vector_store %arg10[%swap3A_207, %swap3A_208], %broadcast_in_dim3A_206 {strides = array<i32>} : memref<80x128xf32, #tpu.memory_space<vmem>>, vector<16xf32>,
      %broadcast_in_dim3A_210 = arith.constant 0.000000e+00 : f32
      %broadcast_in_dim3A_211 = vector.broadcast %broadcast_in_dim3A_210 : f32 to vector<16xf32>
      %swap3A_212 = arith.index_cast %scan3A_199 : i32 to index
      %swap3A_213 = arith.constant 32 : index
      %swap3A_214 = tpu.vector_load %arg10[%swap3A_212, %swap3A_213] {strides = array<i32>} : memref<80x128xf32, #tpu.memory_space<vmem>>, vector<16xf32>,
      tpu.vector_store %arg10[%swap3A_212, %swap3A_213], %broadcast_in_dim3A_211 {strides = array<i32>} : memref<80x128xf32, #tpu.memory_space<vmem>>, vector<16xf32>,
      %broadcast_in_dim3A_215 = arith.constant 0.000000e+00 : f32
      %broadcast_in_dim3A_216 = vector.broadcast %broadcast_in_dim3A_215 : f32 to vector<16xf32>
      %swap3A_217 = arith.index_cast %scan3A_199 : i32 to index
      %swap3A_218 = arith.constant 48 : index
      %swap3A_219 = tpu.vector_load %arg10[%swap3A_217, %swap3A_218] {strides = array<i32>} : memref<80x128xf32, #tpu.memory_space<vmem>>, vector<16xf32>,
      tpu.vector_store %arg10[%swap3A_217, %swap3A_218], %broadcast_in_dim3A_216 {strides = array<i32>} : memref<80x128xf32, #tpu.memory_space<vmem>>, vector<16xf32>,
      %broadcast_in_dim3A_220 = arith.constant 0.000000e+00 : f32
      %broadcast_in_dim3A_221 = vector.broadcast %broadcast_in_dim3A_220 : f32 to vector<16xf32>
      %swap3A_222 = arith.index_cast %scan3A_199 : i32 to index
      %swap3A_223 = arith.constant 64 : index
      %swap3A_224 = tpu.vector_load %arg10[%swap3A_222, %swap3A_223] {strides = array<i32>} : memref<80x128xf32, #tpu.memory_space<vmem>>, vector<16xf32>,
      tpu.vector_store %arg10[%swap3A_222, %swap3A_223], %broadcast_in_dim3A_221 {strides = array<i32>} : memref<80x128xf32, #tpu.memory_space<vmem>>, vector<16xf32>,
      %broadcast_in_dim3A_225 = arith.constant 0.000000e+00 : f32
      %broadcast_in_dim3A_226 = vector.broadcast %broadcast_in_dim3A_225 : f32 to vector<16xf32>
      %swap3A_227 = arith.index_cast %scan3A_199 : i32 to index
      %swap3A_228 = arith.constant 80 : index
      %swap3A_229 = tpu.vector_load %arg10[%swap3A_227, %swap3A_228] {strides = array<i32>} : memref<80x128xf32, #tpu.memory_space<vmem>>, vector<16xf32>,
      tpu.vector_store %arg10[%swap3A_227, %swap3A_228], %broadcast_in_dim3A_226 {strides = array<i32>} : memref<80x128xf32, #tpu.memory_space<vmem>>, vector<16xf32>,
      %broadcast_in_dim3A_230 = arith.constant 0.000000e+00 : f32
      %broadcast_in_dim3A_231 = vector.broadcast %broadcast_in_dim3A_230 : f32 to vector<16xf32>
      %swap3A_232 = arith.index_cast %scan3A_199 : i32 to index
      %swap3A_233 = arith.constant 96 : index
      %swap3A_234 = tpu.vector_load %arg10[%swap3A_232, %swap3A_233] {strides = array<i32>} : memref<80x128xf32, #tpu.memory_space<vmem>>, vector<16xf32>,
      tpu.vector_store %arg10[%swap3A_232, %swap3A_233], %broadcast_in_dim3A_231 {strides = array<i32>} : memref<80x128xf32, #tpu.memory_space<vmem>>, vector<16xf32>,
      %broadcast_in_dim3A_235 = arith.constant 0.000000e+00 : f32
      %broadcast_in_dim3A_236 = vector.broadcast %broadcast_in_dim3A_235 : f32 to vector<16xf32>
      %swap3A_237 = arith.index_cast %scan3A_199 : i32 to index
      %swap3A_238 = arith.constant 112 : index
      %swap3A_239 = tpu.vector_load %arg10[%swap3A_237, %swap3A_238] {strides = array<i32>} : memref<80x128xf32, #tpu.memory_space<vmem>>, vector<16xf32>,
      tpu.vector_store %arg10[%swap3A_237, %swap3A_238], %broadcast_in_dim3A_236 {strides = array<i32>} : memref<80x128xf32, #tpu.memory_space<vmem>>, vector<16xf32>,
      %scan3A_240 = arith.constant 0 : i32
      scf.yield %scan3A_240 : i32
    }
    %scan3A_13 = arith.constant 80 : i32
    %iota3A = tpu.iota {dimensions = array<i32: 0>} : vector<16xi32>
    %add3A = arith.constant 0 : i32
    %add3A_14 = vector.broadcast %add3A : i32 to vector<16xi32>
    %add3A_15 = arith.addi %iota3A, %add3A_14 : vector<16xi32>
    %swap3A = arith.constant 0 : index
    %swap3A_16 = tpu.vector_load %arg11[%swap3A] {strides = array<i32>} : memref<80xi32, #tpu.memory_space<vmem>>, vector<16xi32>,
    tpu.vector_store %arg11[%swap3A], %add3A_15 {strides = array<i32>} : memref<80xi32, #tpu.memory_space<vmem>>, vector<16xi32>,
    %iota3A_17 = tpu.iota {dimensions = array<i32: 0>} : vector<16xi32>
    %add3A_18 = arith.constant 16 : i32
    %add3A_19 = vector.broadcast %add3A_18 : i32 to vector<16xi32>
    %add3A_20 = arith.addi %iota3A_17, %add3A_19 : vector<16xi32>
    %swap3A_21 = arith.constant 16 : index
    %swap3A_22 = tpu.vector_load %arg11[%swap3A_21] {strides = array<i32>} : memref<80xi32, #tpu.memory_space<vmem>>, vector<16xi32>,
    tpu.vector_store %arg11[%swap3A_21], %add3A_20 {strides = array<i32>} : memref<80xi32, #tpu.memory_space<vmem>>, vector<16xi32>,
    %iota3A_23 = tpu.iota {dimensions = array<i32: 0>} : vector<16xi32>
    %add3A_24 = arith.constant 32 : i32
    %add3A_25 = vector.broadcast %add3A_24 : i32 to vector<16xi32>
    %add3A_26 = arith.addi %iota3A_23, %add3A_25 : vector<16xi32>
    %swap3A_27 = arith.constant 32 : index
    %swap3A_28 = tpu.vector_load %arg11[%swap3A_27] {strides = array<i32>} : memref<80xi32, #tpu.memory_space<vmem>>, vector<16xi32>,
    tpu.vector_store %arg11[%swap3A_27], %add3A_26 {strides = array<i32>} : memref<80xi32, #tpu.memory_space<vmem>>, vector<16xi32>,
    %iota3A_29 = tpu.iota {dimensions = array<i32: 0>} : vector<16xi32>
    %add3A_30 = arith.constant 48 : i32
    %add3A_31 = vector.broadcast %add3A_30 : i32 to vector<16xi32>
    %add3A_32 = arith.addi %iota3A_29, %add3A_31 : vector<16xi32>
    %swap3A_33 = arith.constant 48 : index
    %swap3A_34 = tpu.vector_load %arg11[%swap3A_33] {strides = array<i32>} : memref<80xi32, #tpu.memory_space<vmem>>, vector<16xi32>,
    tpu.vector_store %arg11[%swap3A_33], %add3A_32 {strides = array<i32>} : memref<80xi32, #tpu.memory_space<vmem>>, vector<16xi32>,
    %iota3A_35 = tpu.iota {dimensions = array<i32: 0>} : vector<16xi32>
    %add3A_36 = arith.constant 64 : i32
    %add3A_37 = vector.broadcast %add3A_36 : i32 to vector<16xi32>
    %add3A_38 = arith.addi %iota3A_35, %add3A_37 : vector<16xi32>
    %swap3A_39 = arith.constant 64 : index
    %swap3A_40 = tpu.vector_load %arg11[%swap3A_39] {strides = array<i32>} : memref<80xi32, #tpu.memory_space<vmem>>, vector<16xi32>,
    tpu.vector_store %arg11[%swap3A_39], %add3A_38 {strides = array<i32>} : memref<80xi32, #tpu.memory_space<vmem>>, vector<16xi32>,
    %add3A_41 = arith.constant 0 : i32
    %add3A_42 = arith.addi %mul3A_0, %add3A_41 : i32
    %run_scoped3A = arith.constant 0 : i32
    "tpu.region"() ({
      %run_scoped3A_199 = tpu.sem_alloc : memref<!tpu.dma_semaphore, #tpu.memory_space<semaphore_mem>>
      %dma_start3A_200 = arith.constant 0 : i32
      %dma_start3A_201 = arith.constant 0 : i32
      %dma_start3A_202 = tpu.memref_slice %arg9[%run_scoped3A, %dma_start3A_200, %dma_start3A_201] : memref<4x128x64xf32, #tpu.memory_space<vmem>> -> memref<1x128x64xf32, #tpu.memory_space<vmem>>
      %dma_start3A_203 = tpu.memref_squeeze %dma_start3A_202 : memref<1x128x64xf32, #tpu.memory_space<vmem>> -> memref<128x64xf32, #tpu.memory_space<vmem>>
      %dma_start3A_204 = arith.constant 0 : i32
      %dma_start3A_205 = tpu.memref_slice %arg13[%add3A_42, %dma_start3A_204] : memref<10112x64xf32, #tpu.memory_space<vmem_shared>> -> memref<128x64xf32, #tpu.memory_space<vmem_shared>>
      %dma_start3A_206 = arith.constant 0 : i32
      %dma_start3A_207 = tpu.memref_slice %arg13[%add3A_42, %dma_start3A_206] : memref<10112x64xf32, #tpu.memory_space<vmem_shared>> -> memref<128x64xf32, #tpu.memory_space<vmem_shared>>
      %dma_start3A_208 = arith.constant 0 : i32
      %dma_start3A_209 = arith.constant 0 : i32
      %dma_start3A_210 = tpu.memref_slice %arg9[%run_scoped3A, %dma_start3A_208, %dma_start3A_209] : memref<4x128x64xf32, #tpu.memory_space<vmem>> -> memref<1x128x64xf32, #tpu.memory_space<vmem>>
      %dma_start3A_211 = tpu.memref_squeeze %dma_start3A_210 : memref<1x128x64xf32, #tpu.memory_space<vmem>> -> memref<128x64xf32, #tpu.memory_space<vmem>>
      tpu.enqueue_dma source(%dma_start3A_211 : memref<128x64xf32, #tpu.memory_space<vmem>>) target(%dma_start3A_207 : memref<128x64xf32, #tpu.memory_space<vmem_shared>>) target_semaphore(%run_scoped3A_199 : memref<!tpu.dma_semaphore, #tpu.memory_space<semaphore_mem>>)
      %dma_wait3A_212 = arith.constant 0 : i32
      %dma_wait3A_213 = arith.constant 0 : i32
      %dma_wait3A_214 = tpu.memref_slice %arg9[%run_scoped3A, %dma_wait3A_212, %dma_wait3A_213] : memref<4x128x64xf32, #tpu.memory_space<vmem>> -> memref<1x128x64xf32, #tpu.memory_space<vmem>>
      %dma_wait3A_215 = tpu.memref_squeeze %dma_wait3A_214 : memref<1x128x64xf32, #tpu.memory_space<vmem>> -> memref<128x64xf32, #tpu.memory_space<vmem>>
      %dma_wait3A_216 = arith.constant 0 : i32
      %dma_wait3A_217 = tpu.memref_slice %arg13[%add3A_42, %dma_wait3A_216] : memref<10112x64xf32, #tpu.memory_space<vmem_shared>> -> memref<128x64xf32, #tpu.memory_space<vmem_shared>>
      %dma_wait3A_218 = arith.constant 0 : i32
      %dma_wait3A_219 = tpu.memref_slice %arg13[%add3A_42, %dma_wait3A_218] : memref<10112x64xf32, #tpu.memory_space<vmem_shared>> -> memref<128x64xf32, #tpu.memory_space<vmem_shared>>
      %dma_wait3A_220 = arith.constant 0 : i32
      %dma_wait3A_221 = arith.constant 0 : i32
      %dma_wait3A_222 = tpu.memref_slice %arg9[%run_scoped3A, %dma_wait3A_220, %dma_wait3A_221] : memref<4x128x64xf32, #tpu.memory_space<vmem>> -> memref<1x128x64xf32, #tpu.memory_space<vmem>>
      %dma_wait3A_223 = tpu.memref_squeeze %dma_wait3A_222 : memref<1x128x64xf32, #tpu.memory_space<vmem>> -> memref<128x64xf32, #tpu.memory_space<vmem>>
      tpu.wait_dma2 semaphore(%run_scoped3A_199 : memref<!tpu.dma_semaphore, #tpu.memory_space<semaphore_mem>>) src(%dma_wait3A_223 : memref<128x64xf32, #tpu.memory_space<vmem>>) dst(%dma_wait3A_219 : memref<128x64xf32, #tpu.memory_space<vmem_shared>>)
      tpu.yield
    }) : () -> ()
    %add3A_43 = arith.constant 128 : i32
    %add3A_44 = arith.addi %mul3A_0, %add3A_43 : i32
    %run_scoped3A_45 = arith.constant 0 : i32
    "tpu.region"() ({
      %run_scoped3A_199 = tpu.sem_alloc : memref<!tpu.dma_semaphore, #tpu.memory_space<semaphore_mem>>
      %dma_start3A_200 = arith.constant 0 : i32
      %dma_start3A_201 = arith.constant 0 : i32
      %dma_start3A_202 = tpu.memref_slice %arg9[%run_scoped3A_45, %dma_start3A_200, %dma_start3A_201] : memref<4x128x64xf32, #tpu.memory_space<vmem>> -> memref<1x128x64xf32, #tpu.memory_space<vmem>>
      %dma_start3A_203 = tpu.memref_squeeze %dma_start3A_202 : memref<1x128x64xf32, #tpu.memory_space<vmem>> -> memref<128x64xf32, #tpu.memory_space<vmem>>
      %dma_start3A_204 = arith.constant 0 : i32
      %dma_start3A_205 = tpu.memref_slice %arg13[%add3A_44, %dma_start3A_204] : memref<10112x64xf32, #tpu.memory_space<vmem_shared>> -> memref<128x64xf32, #tpu.memory_space<vmem_shared>>
      %dma_start3A_206 = arith.constant 0 : i32
      %dma_start3A_207 = tpu.memref_slice %arg13[%add3A_44, %dma_start3A_206] : memref<10112x64xf32, #tpu.memory_space<vmem_shared>> -> memref<128x64xf32, #tpu.memory_space<vmem_shared>>
      %dma_start3A_208 = arith.constant 0 : i32
      %dma_start3A_209 = arith.constant 0 : i32
      %dma_start3A_210 = tpu.memref_slice %arg9[%run_scoped3A_45, %dma_start3A_208, %dma_start3A_209] : memref<4x128x64xf32, #tpu.memory_space<vmem>> -> memref<1x128x64xf32, #tpu.memory_space<vmem>>
      %dma_start3A_211 = tpu.memref_squeeze %dma_start3A_210 : memref<1x128x64xf32, #tpu.memory_space<vmem>> -> memref<128x64xf32, #tpu.memory_space<vmem>>
      tpu.enqueue_dma source(%dma_start3A_211 : memref<128x64xf32, #tpu.memory_space<vmem>>) target(%dma_start3A_207 : memref<128x64xf32, #tpu.memory_space<vmem_shared>>) target_semaphore(%run_scoped3A_199 : memref<!tpu.dma_semaphore, #tpu.memory_space<semaphore_mem>>)
      %dma_wait3A_212 = arith.constant 0 : i32
      %dma_wait3A_213 = arith.constant 0 : i32
      %dma_wait3A_214 = tpu.memref_slice %arg9[%run_scoped3A_45, %dma_wait3A_212, %dma_wait3A_213] : memref<4x128x64xf32, #tpu.memory_space<vmem>> -> memref<1x128x64xf32, #tpu.memory_space<vmem>>
      %dma_wait3A_215 = tpu.memref_squeeze %dma_wait3A_214 : memref<1x128x64xf32, #tpu.memory_space<vmem>> -> memref<128x64xf32, #tpu.memory_space<vmem>>
      %dma_wait3A_216 = arith.constant 0 : i32
      %dma_wait3A_217 = tpu.memref_slice %arg13[%add3A_44, %dma_wait3A_216] : memref<10112x64xf32, #tpu.memory_space<vmem_shared>> -> memref<128x64xf32, #tpu.memory_space<vmem_shared>>
      %dma_wait3A_218 = arith.constant 0 : i32
      %dma_wait3A_219 = tpu.memref_slice %arg13[%add3A_44, %dma_wait3A_218] : memref<10112x64xf32, #tpu.memory_space<vmem_shared>> -> memref<128x64xf32, #tpu.memory_space<vmem_shared>>
      %dma_wait3A_220 = arith.constant 0 : i32
      %dma_wait3A_221 = arith.constant 0 : i32
      %dma_wait3A_222 = tpu.memref_slice %arg9[%run_scoped3A_45, %dma_wait3A_220, %dma_wait3A_221] : memref<4x128x64xf32, #tpu.memory_space<vmem>> -> memref<1x128x64xf32, #tpu.memory_space<vmem>>
      %dma_wait3A_223 = tpu.memref_squeeze %dma_wait3A_222 : memref<1x128x64xf32, #tpu.memory_space<vmem>> -> memref<128x64xf32, #tpu.memory_space<vmem>>
      tpu.wait_dma2 semaphore(%run_scoped3A_199 : memref<!tpu.dma_semaphore, #tpu.memory_space<semaphore_mem>>) src(%dma_wait3A_223 : memref<128x64xf32, #tpu.memory_space<vmem>>) dst(%dma_wait3A_219 : memref<128x64xf32, #tpu.memory_space<vmem_shared>>)
      tpu.yield
    }) : () -> ()
    %add3A_46 = arith.constant 256 : i32
    %add3A_47 = arith.addi %mul3A_0, %add3A_46 : i32
    %run_scoped3A_48 = arith.constant 0 : i32
    "tpu.region"() ({
      %run_scoped3A_199 = tpu.sem_alloc : memref<!tpu.dma_semaphore, #tpu.memory_space<semaphore_mem>>
      %dma_start3A_200 = arith.constant 0 : i32
      %dma_start3A_201 = arith.constant 0 : i32
      %dma_start3A_202 = tpu.memref_slice %arg9[%run_scoped3A_48, %dma_start3A_200, %dma_start3A_201] : memref<4x128x64xf32, #tpu.memory_space<vmem>> -> memref<1x128x64xf32, #tpu.memory_space<vmem>>
      %dma_start3A_203 = tpu.memref_squeeze %dma_start3A_202 : memref<1x128x64xf32, #tpu.memory_space<vmem>> -> memref<128x64xf32, #tpu.memory_space<vmem>>
      %dma_start3A_204 = arith.constant 0 : i32
      %dma_start3A_205 = tpu.memref_slice %arg13[%add3A_47, %dma_start3A_204] : memref<10112x64xf32, #tpu.memory_space<vmem_shared>> -> memref<128x64xf32, #tpu.memory_space<vmem_shared>>
      %dma_start3A_206 = arith.constant 0 : i32
      %dma_start3A_207 = tpu.memref_slice %arg13[%add3A_47, %dma_start3A_206] : memref<10112x64xf32, #tpu.memory_space<vmem_shared>> -> memref<128x64xf32, #tpu.memory_space<vmem_shared>>
      %dma_start3A_208 = arith.constant 0 : i32
      %dma_start3A_209 = arith.constant 0 : i32
      %dma_start3A_210 = tpu.memref_slice %arg9[%run_scoped3A_48, %dma_start3A_208, %dma_start3A_209] : memref<4x128x64xf32, #tpu.memory_space<vmem>> -> memref<1x128x64xf32, #tpu.memory_space<vmem>>
      %dma_start3A_211 = tpu.memref_squeeze %dma_start3A_210 : memref<1x128x64xf32, #tpu.memory_space<vmem>> -> memref<128x64xf32, #tpu.memory_space<vmem>>
      tpu.enqueue_dma source(%dma_start3A_211 : memref<128x64xf32, #tpu.memory_space<vmem>>) target(%dma_start3A_207 : memref<128x64xf32, #tpu.memory_space<vmem_shared>>) target_semaphore(%run_scoped3A_199 : memref<!tpu.dma_semaphore, #tpu.memory_space<semaphore_mem>>)
      %dma_wait3A_212 = arith.constant 0 : i32
      %dma_wait3A_213 = arith.constant 0 : i32
      %dma_wait3A_214 = tpu.memref_slice %arg9[%run_scoped3A_48, %dma_wait3A_212, %dma_wait3A_213] : memref<4x128x64xf32, #tpu.memory_space<vmem>> -> memref<1x128x64xf32, #tpu.memory_space<vmem>>
      %dma_wait3A_215 = tpu.memref_squeeze %dma_wait3A_214 : memref<1x128x64xf32, #tpu.memory_space<vmem>> -> memref<128x64xf32, #tpu.memory_space<vmem>>
      %dma_wait3A_216 = arith.constant 0 : i32
      %dma_wait3A_217 = tpu.memref_slice %arg13[%add3A_47, %dma_wait3A_216] : memref<10112x64xf32, #tpu.memory_space<vmem_shared>> -> memref<128x64xf32, #tpu.memory_space<vmem_shared>>
      %dma_wait3A_218 = arith.constant 0 : i32
      %dma_wait3A_219 = tpu.memref_slice %arg13[%add3A_47, %dma_wait3A_218] : memref<10112x64xf32, #tpu.memory_space<vmem_shared>> -> memref<128x64xf32, #tpu.memory_space<vmem_shared>>
      %dma_wait3A_220 = arith.constant 0 : i32
      %dma_wait3A_221 = arith.constant 0 : i32
      %dma_wait3A_222 = tpu.memref_slice %arg9[%run_scoped3A_48, %dma_wait3A_220, %dma_wait3A_221] : memref<4x128x64xf32, #tpu.memory_space<vmem>> -> memref<1x128x64xf32, #tpu.memory_space<vmem>>
      %dma_wait3A_223 = tpu.memref_squeeze %dma_wait3A_222 : memref<1x128x64xf32, #tpu.memory_space<vmem>> -> memref<128x64xf32, #tpu.memory_space<vmem>>
      tpu.wait_dma2 semaphore(%run_scoped3A_199 : memref<!tpu.dma_semaphore, #tpu.memory_space<semaphore_mem>>) src(%dma_wait3A_223 : memref<128x64xf32, #tpu.memory_space<vmem>>) dst(%dma_wait3A_219 : memref<128x64xf32, #tpu.memory_space<vmem_shared>>)
      tpu.yield
    }) : () -> ()
    %add3A_49 = arith.constant 384 : i32
    %add3A_50 = arith.addi %mul3A_0, %add3A_49 : i32
    %run_scoped3A_51 = arith.constant 0 : i32
    "tpu.region"() ({
      %run_scoped3A_199 = tpu.sem_alloc : memref<!tpu.dma_semaphore, #tpu.memory_space<semaphore_mem>>
      %dma_start3A_200 = arith.constant 0 : i32
      %dma_start3A_201 = arith.constant 0 : i32
      %dma_start3A_202 = tpu.memref_slice %arg9[%run_scoped3A_51, %dma_start3A_200, %dma_start3A_201] : memref<4x128x64xf32, #tpu.memory_space<vmem>> -> memref<1x128x64xf32, #tpu.memory_space<vmem>>
      %dma_start3A_203 = tpu.memref_squeeze %dma_start3A_202 : memref<1x128x64xf32, #tpu.memory_space<vmem>> -> memref<128x64xf32, #tpu.memory_space<vmem>>
      %dma_start3A_204 = arith.constant 0 : i32
      %dma_start3A_205 = tpu.memref_slice %arg13[%add3A_50, %dma_start3A_204] : memref<10112x64xf32, #tpu.memory_space<vmem_shared>> -> memref<128x64xf32, #tpu.memory_space<vmem_shared>>
      %dma_start3A_206 = arith.constant 0 : i32
      %dma_start3A_207 = tpu.memref_slice %arg13[%add3A_50, %dma_start3A_206] : memref<10112x64xf32, #tpu.memory_space<vmem_shared>> -> memref<128x64xf32, #tpu.memory_space<vmem_shared>>
      %dma_start3A_208 = arith.constant 0 : i32
      %dma_start3A_209 = arith.constant 0 : i32
      %dma_start3A_210 = tpu.memref_slice %arg9[%run_scoped3A_51, %dma_start3A_208, %dma_start3A_209] : memref<4x128x64xf32, #tpu.memory_space<vmem>> -> memref<1x128x64xf32, #tpu.memory_space<vmem>>
      %dma_start3A_211 = tpu.memref_squeeze %dma_start3A_210 : memref<1x128x64xf32, #tpu.memory_space<vmem>> -> memref<128x64xf32, #tpu.memory_space<vmem>>
      tpu.enqueue_dma source(%dma_start3A_211 : memref<128x64xf32, #tpu.memory_space<vmem>>) target(%dma_start3A_207 : memref<128x64xf32, #tpu.memory_space<vmem_shared>>) target_semaphore(%run_scoped3A_199 : memref<!tpu.dma_semaphore, #tpu.memory_space<semaphore_mem>>)
      %dma_wait3A_212 = arith.constant 0 : i32
      %dma_wait3A_213 = arith.constant 0 : i32
      %dma_wait3A_214 = tpu.memref_slice %arg9[%run_scoped3A_51, %dma_wait3A_212, %dma_wait3A_213] : memref<4x128x64xf32, #tpu.memory_space<vmem>> -> memref<1x128x64xf32, #tpu.memory_space<vmem>>
      %dma_wait3A_215 = tpu.memref_squeeze %dma_wait3A_214 : memref<1x128x64xf32, #tpu.memory_space<vmem>> -> memref<128x64xf32, #tpu.memory_space<vmem>>
      %dma_wait3A_216 = arith.constant 0 : i32
      %dma_wait3A_217 = tpu.memref_slice %arg13[%add3A_50, %dma_wait3A_216] : memref<10112x64xf32, #tpu.memory_space<vmem_shared>> -> memref<128x64xf32, #tpu.memory_space<vmem_shared>>
      %dma_wait3A_218 = arith.constant 0 : i32
      %dma_wait3A_219 = tpu.memref_slice %arg13[%add3A_50, %dma_wait3A_218] : memref<10112x64xf32, #tpu.memory_space<vmem_shared>> -> memref<128x64xf32, #tpu.memory_space<vmem_shared>>
      %dma_wait3A_220 = arith.constant 0 : i32
      %dma_wait3A_221 = arith.constant 0 : i32
      %dma_wait3A_222 = tpu.memref_slice %arg9[%run_scoped3A_51, %dma_wait3A_220, %dma_wait3A_221] : memref<4x128x64xf32, #tpu.memory_space<vmem>> -> memref<1x128x64xf32, #tpu.memory_space<vmem>>
      %dma_wait3A_223 = tpu.memref_squeeze %dma_wait3A_222 : memref<1x128x64xf32, #tpu.memory_space<vmem>> -> memref<128x64xf32, #tpu.memory_space<vmem>>
      tpu.wait_dma2 semaphore(%run_scoped3A_199 : memref<!tpu.dma_semaphore, #tpu.memory_space<semaphore_mem>>) src(%dma_wait3A_223 : memref<128x64xf32, #tpu.memory_space<vmem>>) dst(%dma_wait3A_219 : memref<128x64xf32, #tpu.memory_space<vmem_shared>>)
      tpu.yield
    }) : () -> ()
    %add3A_52 = arith.constant 504 : i32
    %add3A_53 = arith.addi %mul3A_0, %add3A_52 : i32
    %run_scoped3A_54 = arith.constant 0 : i32
    "tpu.region"() ({
      %run_scoped3A_199 = tpu.sem_alloc : memref<!tpu.dma_semaphore, #tpu.memory_space<semaphore_mem>>
      %dma_start3A_200 = arith.constant 0 : i32
      %dma_start3A_201 = arith.constant 0 : i32
      %dma_start3A_202 = tpu.memref_slice %arg9[%run_scoped3A_54, %dma_start3A_200, %dma_start3A_201] : memref<4x128x64xf32, #tpu.memory_space<vmem>> -> memref<1x128x64xf32, #tpu.memory_space<vmem>>
      %dma_start3A_203 = tpu.memref_squeeze %dma_start3A_202 : memref<1x128x64xf32, #tpu.memory_space<vmem>> -> memref<128x64xf32, #tpu.memory_space<vmem>>
      %dma_start3A_204 = arith.constant 0 : i32
      %dma_start3A_205 = tpu.memref_slice %arg13[%add3A_53, %dma_start3A_204] : memref<10112x64xf32, #tpu.memory_space<vmem_shared>> -> memref<128x64xf32, #tpu.memory_space<vmem_shared>>
      %dma_start3A_206 = arith.constant 0 : i32
      %dma_start3A_207 = tpu.memref_slice %arg13[%add3A_53, %dma_start3A_206] : memref<10112x64xf32, #tpu.memory_space<vmem_shared>> -> memref<128x64xf32, #tpu.memory_space<vmem_shared>>
      %dma_start3A_208 = arith.constant 0 : i32
      %dma_start3A_209 = arith.constant 0 : i32
      %dma_start3A_210 = tpu.memref_slice %arg9[%run_scoped3A_54, %dma_start3A_208, %dma_start3A_209] : memref<4x128x64xf32, #tpu.memory_space<vmem>> -> memref<1x128x64xf32, #tpu.memory_space<vmem>>
      %dma_start3A_211 = tpu.memref_squeeze %dma_start3A_210 : memref<1x128x64xf32, #tpu.memory_space<vmem>> -> memref<128x64xf32, #tpu.memory_space<vmem>>
      tpu.enqueue_dma source(%dma_start3A_211 : memref<128x64xf32, #tpu.memory_space<vmem>>) target(%dma_start3A_207 : memref<128x64xf32, #tpu.memory_space<vmem_shared>>) target_semaphore(%run_scoped3A_199 : memref<!tpu.dma_semaphore, #tpu.memory_space<semaphore_mem>>)
      %dma_wait3A_212 = arith.constant 0 : i32
      %dma_wait3A_213 = arith.constant 0 : i32
      %dma_wait3A_214 = tpu.memref_slice %arg9[%run_scoped3A_54, %dma_wait3A_212, %dma_wait3A_213] : memref<4x128x64xf32, #tpu.memory_space<vmem>> -> memref<1x128x64xf32, #tpu.memory_space<vmem>>
      %dma_wait3A_215 = tpu.memref_squeeze %dma_wait3A_214 : memref<1x128x64xf32, #tpu.memory_space<vmem>> -> memref<128x64xf32, #tpu.memory_space<vmem>>
      %dma_wait3A_216 = arith.constant 0 : i32
      %dma_wait3A_217 = tpu.memref_slice %arg13[%add3A_53, %dma_wait3A_216] : memref<10112x64xf32, #tpu.memory_space<vmem_shared>> -> memref<128x64xf32, #tpu.memory_space<vmem_shared>>
      %dma_wait3A_218 = arith.constant 0 : i32
      %dma_wait3A_219 = tpu.memref_slice %arg13[%add3A_53, %dma_wait3A_218] : memref<10112x64xf32, #tpu.memory_space<vmem_shared>> -> memref<128x64xf32, #tpu.memory_space<vmem_shared>>
      %dma_wait3A_220 = arith.constant 0 : i32
      %dma_wait3A_221 = arith.constant 0 : i32
      %dma_wait3A_222 = tpu.memref_slice %arg9[%run_scoped3A_54, %dma_wait3A_220, %dma_wait3A_221] : memref<4x128x64xf32, #tpu.memory_space<vmem>> -> memref<1x128x64xf32, #tpu.memory_space<vmem>>
      %dma_wait3A_223 = tpu.memref_squeeze %dma_wait3A_222 : memref<1x128x64xf32, #tpu.memory_space<vmem>> -> memref<128x64xf32, #tpu.memory_space<vmem>>
      tpu.wait_dma2 semaphore(%run_scoped3A_199 : memref<!tpu.dma_semaphore, #tpu.memory_space<semaphore_mem>>) src(%dma_wait3A_223 : memref<128x64xf32, #tpu.memory_space<vmem>>) dst(%dma_wait3A_219 : memref<128x64xf32, #tpu.memory_space<vmem_shared>>)
      tpu.yield
    }) : () -> ()
    %mul3A_55 = arith.constant 5 : i32
    %mul3A_56 = arith.muli %arg1, %mul3A_55 : i32
    "tpu.region"() ({
      %run_scoped3A_199 = tpu.sem_alloc : memref<!tpu.dma_semaphore, #tpu.memory_space<semaphore_mem>>
      %dma_start3A_200 = arith.constant 0 : i32
      %dma_start3A_201 = arith.constant 0 : i32
      %dma_start3A_202 = tpu.memref_slice %arg10[%dma_start3A_200, %dma_start3A_201] : memref<80x128xf32, #tpu.memory_space<vmem>> -> memref<5x128xf32, #tpu.memory_space<vmem>>
      %dma_start3A_203 = arith.constant 0 : i32
      %dma_start3A_204 = tpu.memref_slice %arg14[%mul3A_56, %dma_start3A_203] : memref<80x128xf32, #tpu.memory_space<vmem_shared>> -> memref<5x128xf32, #tpu.memory_space<vmem_shared>>
      %dma_start3A_205 = arith.constant 0 : i32
      %dma_start3A_206 = tpu.memref_slice %arg14[%mul3A_56, %dma_start3A_205] : memref<80x128xf32, #tpu.memory_space<vmem_shared>> -> memref<5x128xf32, #tpu.memory_space<vmem_shared>>
      %dma_start3A_207 = arith.constant 0 : i32
      %dma_start3A_208 = arith.constant 0 : i32
      %dma_start3A_209 = tpu.memref_slice %arg10[%dma_start3A_207, %dma_start3A_208] : memref<80x128xf32, #tpu.memory_space<vmem>> -> memref<5x128xf32, #tpu.memory_space<vmem>>
      tpu.enqueue_dma source(%dma_start3A_209 : memref<5x128xf32, #tpu.memory_space<vmem>>) target(%dma_start3A_206 : memref<5x128xf32, #tpu.memory_space<vmem_shared>>) target_semaphore(%run_scoped3A_199 : memref<!tpu.dma_semaphore, #tpu.memory_space<semaphore_mem>>)
      %dma_wait3A_210 = arith.constant 0 : i32
      %dma_wait3A_211 = arith.constant 0 : i32
      %dma_wait3A_212 = tpu.memref_slice %arg10[%dma_wait3A_210, %dma_wait3A_211] : memref<80x128xf32, #tpu.memory_space<vmem>> -> memref<5x128xf32, #tpu.memory_space<vmem>>
      %dma_wait3A_213 = arith.constant 0 : i32
      %dma_wait3A_214 = tpu.memref_slice %arg14[%mul3A_56, %dma_wait3A_213] : memref<80x128xf32, #tpu.memory_space<vmem_shared>> -> memref<5x128xf32, #tpu.memory_space<vmem_shared>>
      %dma_wait3A_215 = arith.constant 0 : i32
      %dma_wait3A_216 = tpu.memref_slice %arg14[%mul3A_56, %dma_wait3A_215] : memref<80x128xf32, #tpu.memory_space<vmem_shared>> -> memref<5x128xf32, #tpu.memory_space<vmem_shared>>
      %dma_wait3A_217 = arith.constant 0 : i32
      %dma_wait3A_218 = arith.constant 0 : i32
      %dma_wait3A_219 = tpu.memref_slice %arg10[%dma_wait3A_217, %dma_wait3A_218] : memref<80x128xf32, #tpu.memory_space<vmem>> -> memref<5x128xf32, #tpu.memory_space<vmem>>
      tpu.wait_dma2 semaphore(%run_scoped3A_199 : memref<!tpu.dma_semaphore, #tpu.memory_space<semaphore_mem>>) src(%dma_wait3A_219 : memref<5x128xf32, #tpu.memory_space<vmem>>) dst(%dma_wait3A_216 : memref<5x128xf32, #tpu.memory_space<vmem_shared>>)
      tpu.yield
    }) : () -> ()
    %mul3A_57 = arith.constant 625 : i32
    %mul3A_58 = arith.muli %arg1, %mul3A_57 : i32
    %mul3A_59 = arith.constant 64 : i32
    %mul3A_60 = arith.muli %arg0, %mul3A_59 : i32
    %mul3A_61 = arith.constant 625 : i32
    %mul3A_62 = arith.muli %arg1, %mul3A_61 : i32
    "tpu.region"() ({
      %run_scoped3A_199 = tpu.sem_alloc : memref<!tpu.dma_semaphore, #tpu.memory_space<semaphore_mem>>
      %dma_start3A_200 = arith.constant 0 : i32
      %dma_start3A_201 = tpu.memref_slice %arg12[%mul3A_62, %dma_start3A_200] : memref<10000x64xf32, #tpu.memory_space<vmem_shared>> -> memref<625x64xf32, #tpu.memory_space<vmem_shared>>
      %dma_start3A_202 = tpu.memref_slice %arg2[%mul3A_58, %mul3A_60] : memref<10000x128xf32, #tpu.memory_space<hbm>> -> memref<625x64xf32, #tpu.memory_space<hbm>>
      tpu.enqueue_dma source(%dma_start3A_202 : memref<625x64xf32, #tpu.memory_space<hbm>>) target(%dma_start3A_201 : memref<625x64xf32, #tpu.memory_space<vmem_shared>>) target_semaphore(%run_scoped3A_199 : memref<!tpu.dma_semaphore, #tpu.memory_space<semaphore_mem>>)
      %dma_wait3A_203 = arith.constant 0 : i32
      %dma_wait3A_204 = tpu.memref_slice %arg12[%mul3A_62, %dma_wait3A_203] : memref<10000x64xf32, #tpu.memory_space<vmem_shared>> -> memref<625x64xf32, #tpu.memory_space<vmem_shared>>
      %dma_wait3A_205 = tpu.memref_slice %arg2[%mul3A_58, %mul3A_60] : memref<10000x128xf32, #tpu.memory_space<hbm>> -> memref<625x64xf32, #tpu.memory_space<hbm>>
      tpu.wait_dma2 semaphore(%run_scoped3A_199 : memref<!tpu.dma_semaphore, #tpu.memory_space<semaphore_mem>>) src(%dma_wait3A_205 : memref<625x64xf32, #tpu.memory_space<hbm>>) dst(%dma_wait3A_204 : memref<625x64xf32, #tpu.memory_space<vmem_shared>>)
      tpu.yield
    }) : () -> ()
    %barrier3A = arith.constant 0 : index
    tpu.barrier barrier_id(%barrier3A)
    %mul3A_63 = arith.constant 40 : i32
    %mul3A_64 = arith.muli %arg1, %mul3A_63 : i32
    %add3A_65 = arith.constant 0 : i32
    %add3A_66 = arith.addi %mul3A_64, %add3A_65 : i32
    %dma_start3A = arith.constant 0 : i32
    %dma_start3A_67 = arith.constant 0 : i32
    %dma_start3A_68 = arith.constant 0 : i32
    %dma_start3A_69 = arith.constant 0 : i32
    %dma_start3A_70 = tpu.memref_slice %arg7[%dma_start3A, %dma_start3A_68, %dma_start3A_69] : memref<2x4x128xi32, #tpu.memory_space<vmem>> -> memref<1x4x128xi32, #tpu.memory_space<vmem>>
    %dma_start3A_71 = tpu.memref_squeeze %dma_start3A_70 : memref<1x4x128xi32, #tpu.memory_space<vmem>> -> memref<4x128xi32, #tpu.memory_space<vmem>>
    %dma_start3A_72 = arith.constant 0 : i32
    %dma_start3A_73 = arith.constant 0 : i32
    %dma_start3A_74 = tpu.memref_slice %arg3[%add3A_66, %dma_start3A_72, %dma_start3A_73] : memref<640x4x128xi32, #tpu.memory_space<hbm>> -> memref<1x4x128xi32, #tpu.memory_space<hbm>>
    %dma_start3A_75 = tpu.memref_squeeze %dma_start3A_74 : memref<1x4x128xi32, #tpu.memory_space<hbm>> -> memref<4x128xi32, #tpu.memory_space<hbm>>
    %dma_start3A_76 = tpu.memref_slice %arg17[%dma_start3A_67] : memref<2x!tpu.dma_semaphore, #tpu.memory_space<semaphore_mem>> -> memref<1x!tpu.dma_semaphore, #tpu.memory_space<semaphore_mem>>
    %dma_start3A_77 = tpu.memref_squeeze %dma_start3A_76 : memref<1x!tpu.dma_semaphore, #tpu.memory_space<semaphore_mem>> -> memref<!tpu.dma_semaphore, #tpu.memory_space<semaphore_mem>>
    %dma_start3A_78 = arith.constant 0 : i32
    %dma_start3A_79 = arith.constant 0 : i32
    %dma_start3A_80 = tpu.memref_slice %arg7[%dma_start3A, %dma_start3A_78, %dma_start3A_79] : memref<2x4x128xi32, #tpu.memory_space<vmem>> -> memref<1x4x128xi32, #tpu.memory_space<vmem>>
    %dma_start3A_81 = tpu.memref_squeeze %dma_start3A_80 : memref<1x4x128xi32, #tpu.memory_space<vmem>> -> memref<4x128xi32, #tpu.memory_space<vmem>>
    %dma_start3A_82 = arith.constant 0 : i32
    %dma_start3A_83 = arith.constant 0 : i32
    %dma_start3A_84 = tpu.memref_slice %arg3[%add3A_66, %dma_start3A_82, %dma_start3A_83] : memref<640x4x128xi32, #tpu.memory_space<hbm>> -> memref<1x4x128xi32, #tpu.memory_space<hbm>>
    %dma_start3A_85 = tpu.memref_squeeze %dma_start3A_84 : memref<1x4x128xi32, #tpu.memory_space<hbm>> -> memref<4x128xi32, #tpu.memory_space<hbm>>
    tpu.enqueue_dma source(%dma_start3A_85 : memref<4x128xi32, #tpu.memory_space<hbm>>) target(%dma_start3A_81 : memref<4x128xi32, #tpu.memory_space<vmem>>) target_semaphore(%dma_start3A_77 : memref<!tpu.dma_semaphore, #tpu.memory_space<semaphore_mem>>)
    %dma_start3A_86 = arith.constant 0 : i32
    %dma_start3A_87 = arith.constant 0 : i32
    %dma_start3A_88 = arith.constant 0 : i32
    %dma_start3A_89 = arith.constant 0 : i32
    %dma_start3A_90 = tpu.memref_slice %arg8[%dma_start3A_86, %dma_start3A_88, %dma_start3A_89] : memref<2x4x128xi32, #tpu.memory_space<vmem>> -> memref<1x4x128xi32, #tpu.memory_space<vmem>>
    %dma_start3A_91 = tpu.memref_squeeze %dma_start3A_90 : memref<1x4x128xi32, #tpu.memory_space<vmem>> -> memref<4x128xi32, #tpu.memory_space<vmem>>
    %dma_start3A_92 = arith.constant 0 : i32
    %dma_start3A_93 = arith.constant 0 : i32
    %dma_start3A_94 = tpu.memref_slice %arg4[%add3A_66, %dma_start3A_92, %dma_start3A_93] : memref<640x4x128xi32, #tpu.memory_space<hbm>> -> memref<1x4x128xi32, #tpu.memory_space<hbm>>
    %dma_start3A_95 = tpu.memref_squeeze %dma_start3A_94 : memref<1x4x128xi32, #tpu.memory_space<hbm>> -> memref<4x128xi32, #tpu.memory_space<hbm>>
    %dma_start3A_96 = tpu.memref_slice %arg17[%dma_start3A_87] : memref<2x!tpu.dma_semaphore, #tpu.memory_space<semaphore_mem>> -> memref<1x!tpu.dma_semaphore, #tpu.memory_space<semaphore_mem>>
    %dma_start3A_97 = tpu.memref_squeeze %dma_start3A_96 : memref<1x!tpu.dma_semaphore, #tpu.memory_space<semaphore_mem>> -> memref<!tpu.dma_semaphore, #tpu.memory_space<semaphore_mem>>
    %dma_start3A_98 = arith.constant 0 : i32
    %dma_start3A_99 = arith.constant 0 : i32
    %dma_start3A_100 = tpu.memref_slice %arg8[%dma_start3A_86, %dma_start3A_98, %dma_start3A_99] : memref<2x4x128xi32, #tpu.memory_space<vmem>> -> memref<1x4x128xi32, #tpu.memory_space<vmem>>
    %dma_start3A_101 = tpu.memref_squeeze %dma_start3A_100 : memref<1x4x128xi32, #tpu.memory_space<vmem>> -> memref<4x128xi32, #tpu.memory_space<vmem>>
    %dma_start3A_102 = arith.constant 0 : i32
    %dma_start3A_103 = arith.constant 0 : i32
    %dma_start3A_104 = tpu.memref_slice %arg4[%add3A_66, %dma_start3A_102, %dma_start3A_103] : memref<640x4x128xi32, #tpu.memory_space<hbm>> -> memref<1x4x128xi32, #tpu.memory_space<hbm>>
    %dma_start3A_105 = tpu.memref_squeeze %dma_start3A_104 : memref<1x4x128xi32, #tpu.memory_space<hbm>> -> memref<4x128xi32, #tpu.memory_space<hbm>>
    tpu.enqueue_dma source(%dma_start3A_105 : memref<4x128xi32, #tpu.memory_space<hbm>>) target(%dma_start3A_101 : memref<4x128xi32, #tpu.memory_space<vmem>>) target_semaphore(%dma_start3A_97 : memref<!tpu.dma_semaphore, #tpu.memory_space<semaphore_mem>>)
    %scan3A_106 = arith.constant 0 : i32
    %scan3A_107 = arith.constant 0 : i32
    %scan3A_108 = arith.constant 40 : i32
    %scan3A_109 = arith.addi %scan3A_107, %scan3A_108 : i32
    %scan3A_110 = arith.constant 1 : i32
    %scan3A_111 = scf.for %scan3A_199 = %scan3A_107 to %scan3A_109 step %scan3A_110 iter_args(%scan3A_200 = %scan3A_106) -> (i32)  : i32 {
      %rem3A = arith.constant 2 : i32
      %rem3A_201 = arith.remsi %scan3A_199, %rem3A : i32
      %gt3A = arith.constant 0 : i32
      %gt3A_202 = arith.cmpi sgt, %scan3A_199, %gt3A : i32
      %convert_element_type3A_203 = arith.extui %gt3A_202 : i1 to i32
      %cond3A_204 = arith.constant 0 : i32
      %cond3A_205 = arith.cmpi ne, %convert_element_type3A_203, %cond3A_204 : i32
      scf.if %cond3A_205 {
        %sub3A = arith.constant 1 : i32
        %sub3A_439 = arith.subi %sub3A, %rem3A_201 : i32
        %dma_wait3A_440 = arith.constant 0 : i32
        %dma_wait3A_441 = arith.constant 0 : i32
        %dma_wait3A_442 = arith.constant 0 : i32
        %dma_wait3A_443 = arith.constant 0 : i32
        %dma_wait3A_444 = arith.constant 0 : i32
        %dma_wait3A_445 = tpu.memref_slice %arg9[%dma_wait3A_440, %dma_wait3A_443, %dma_wait3A_444] : memref<4x128x64xf32, #tpu.memory_space<vmem>> -> memref<1x128x64xf32, #tpu.memory_space<vmem>>
        %dma_wait3A_446 = tpu.memref_squeeze %dma_wait3A_445 : memref<1x128x64xf32, #tpu.memory_space<vmem>> -> memref<128x64xf32, #tpu.memory_space<vmem>>
        %dma_wait3A_447 = arith.constant 0 : i32
        %dma_wait3A_448 = tpu.memref_slice %arg8[%sub3A_439, %dma_wait3A_441, %dma_wait3A_447] : memref<2x4x128xi32, #tpu.memory_space<vmem>> -> memref<1x1x128xi32, #tpu.memory_space<vmem>>
        %dma_wait3A_449 = tpu.memref_squeeze %dma_wait3A_448 : memref<1x1x128xi32, #tpu.memory_space<vmem>> -> memref<128xi32, #tpu.memory_space<vmem>>
        %dma_wait3A_450 = arith.constant 0 : i32
        %dma_wait3A_451 = arith.constant 0 : i32
        %dma_wait3A_452 = tpu.memref_slice %arg13[%dma_wait3A_450, %dma_wait3A_451] : memref<10112x64xf32, #tpu.memory_space<vmem_shared>> -> memref<10112x64xf32, #tpu.memory_space<vmem_shared>>
        %dma_wait3A_453 = tpu.memref_slice %arg16[%dma_wait3A_442] : memref<4x!tpu.dma_semaphore, #tpu.memory_space<semaphore_mem>> -> memref<1x!tpu.dma_semaphore, #tpu.memory_space<semaphore_mem>>
        %dma_wait3A_454 = tpu.memref_squeeze %dma_wait3A_453 : memref<1x!tpu.dma_semaphore, #tpu.memory_space<semaphore_mem>> -> memref<!tpu.dma_semaphore, #tpu.memory_space<semaphore_mem>>
        tpu.wait_indirect_dma semaphore(%dma_wait3A_454 : memref<!tpu.dma_semaphore, #tpu.memory_space<semaphore_mem>>) src(%dma_wait3A_446 : memref<128x64xf32, #tpu.memory_space<vmem>>) dst(%dma_wait3A_452 : memref<10112x64xf32, #tpu.memory_space<vmem_shared>>)
        %dma_wait3A_455 = arith.constant 1 : i32
        %dma_wait3A_456 = arith.constant 1 : i32
        %dma_wait3A_457 = arith.constant 1 : i32
        %dma_wait3A_458 = arith.constant 0 : i32
        %dma_wait3A_459 = arith.constant 0 : i32
        %dma_wait3A_460 = tpu.memref_slice %arg9[%dma_wait3A_455, %dma_wait3A_458, %dma_wait3A_459] : memref<4x128x64xf32, #tpu.memory_space<vmem>> -> memref<1x128x64xf32, #tpu.memory_space<vmem>>
        %dma_wait3A_461 = tpu.memref_squeeze %dma_wait3A_460 : memref<1x128x64xf32, #tpu.memory_space<vmem>> -> memref<128x64xf32, #tpu.memory_space<vmem>>
        %dma_wait3A_462 = arith.constant 0 : i32
        %dma_wait3A_463 = tpu.memref_slice %arg8[%sub3A_439, %dma_wait3A_456, %dma_wait3A_462] : memref<2x4x128xi32, #tpu.memory_space<vmem>> -> memref<1x1x128xi32, #tpu.memory_space<vmem>>
        %dma_wait3A_464 = tpu.memref_squeeze %dma_wait3A_463 : memref<1x1x128xi32, #tpu.memory_space<vmem>> -> memref<128xi32, #tpu.memory_space<vmem>>
        %dma_wait3A_465 = arith.constant 0 : i32
        %dma_wait3A_466 = arith.constant 0 : i32
        %dma_wait3A_467 = tpu.memref_slice %arg13[%dma_wait3A_465, %dma_wait3A_466] : memref<10112x64xf32, #tpu.memory_space<vmem_shared>> -> memref<10112x64xf32, #tpu.memory_space<vmem_shared>>
        %dma_wait3A_468 = tpu.memref_slice %arg16[%dma_wait3A_457] : memref<4x!tpu.dma_semaphore, #tpu.memory_space<semaphore_mem>> -> memref<1x!tpu.dma_semaphore, #tpu.memory_space<semaphore_mem>>
        %dma_wait3A_469 = tpu.memref_squeeze %dma_wait3A_468 : memref<1x!tpu.dma_semaphore, #tpu.memory_space<semaphore_mem>> -> memref<!tpu.dma_semaphore, #tpu.memory_space<semaphore_mem>>
        tpu.wait_indirect_dma semaphore(%dma_wait3A_469 : memref<!tpu.dma_semaphore, #tpu.memory_space<semaphore_mem>>) src(%dma_wait3A_461 : memref<128x64xf32, #tpu.memory_space<vmem>>) dst(%dma_wait3A_467 : memref<10112x64xf32, #tpu.memory_space<vmem_shared>>)
        %dma_wait3A_470 = arith.constant 2 : i32
        %dma_wait3A_471 = arith.constant 2 : i32
        %dma_wait3A_472 = arith.constant 2 : i32
        %dma_wait3A_473 = arith.constant 0 : i32
        %dma_wait3A_474 = arith.constant 0 : i32
        %dma_wait3A_475 = tpu.memref_slice %arg9[%dma_wait3A_470, %dma_wait3A_473, %dma_wait3A_474] : memref<4x128x64xf32, #tpu.memory_space<vmem>> -> memref<1x128x64xf32, #tpu.memory_space<vmem>>
        %dma_wait3A_476 = tpu.memref_squeeze %dma_wait3A_475 : memref<1x128x64xf32, #tpu.memory_space<vmem>> -> memref<128x64xf32, #tpu.memory_space<vmem>>
        %dma_wait3A_477 = arith.constant 0 : i32
        %dma_wait3A_478 = tpu.memref_slice %arg8[%sub3A_439, %dma_wait3A_471, %dma_wait3A_477] : memref<2x4x128xi32, #tpu.memory_space<vmem>> -> memref<1x1x128xi32, #tpu.memory_space<vmem>>
        %dma_wait3A_479 = tpu.memref_squeeze %dma_wait3A_478 : memref<1x1x128xi32, #tpu.memory_space<vmem>> -> memref<128xi32, #tpu.memory_space<vmem>>
        %dma_wait3A_480 = arith.constant 0 : i32
        %dma_wait3A_481 = arith.constant 0 : i32
        %dma_wait3A_482 = tpu.memref_slice %arg13[%dma_wait3A_480, %dma_wait3A_481] : memref<10112x64xf32, #tpu.memory_space<vmem_shared>> -> memref<10112x64xf32, #tpu.memory_space<vmem_shared>>
        %dma_wait3A_483 = tpu.memref_slice %arg16[%dma_wait3A_472] : memref<4x!tpu.dma_semaphore, #tpu.memory_space<semaphore_mem>> -> memref<1x!tpu.dma_semaphore, #tpu.memory_space<semaphore_mem>>
        %dma_wait3A_484 = tpu.memref_squeeze %dma_wait3A_483 : memref<1x!tpu.dma_semaphore, #tpu.memory_space<semaphore_mem>> -> memref<!tpu.dma_semaphore, #tpu.memory_space<semaphore_mem>>
        tpu.wait_indirect_dma semaphore(%dma_wait3A_484 : memref<!tpu.dma_semaphore, #tpu.memory_space<semaphore_mem>>) src(%dma_wait3A_476 : memref<128x64xf32, #tpu.memory_space<vmem>>) dst(%dma_wait3A_482 : memref<10112x64xf32, #tpu.memory_space<vmem_shared>>)
        %dma_wait3A_485 = arith.constant 3 : i32
        %dma_wait3A_486 = arith.constant 3 : i32
        %dma_wait3A_487 = arith.constant 3 : i32
        %dma_wait3A_488 = arith.constant 0 : i32
        %dma_wait3A_489 = arith.constant 0 : i32
        %dma_wait3A_490 = tpu.memref_slice %arg9[%dma_wait3A_485, %dma_wait3A_488, %dma_wait3A_489] : memref<4x128x64xf32, #tpu.memory_space<vmem>> -> memref<1x128x64xf32, #tpu.memory_space<vmem>>
        %dma_wait3A_491 = tpu.memref_squeeze %dma_wait3A_490 : memref<1x128x64xf32, #tpu.memory_space<vmem>> -> memref<128x64xf32, #tpu.memory_space<vmem>>
        %dma_wait3A_492 = arith.constant 0 : i32
        %dma_wait3A_493 = tpu.memref_slice %arg8[%sub3A_439, %dma_wait3A_486, %dma_wait3A_492] : memref<2x4x128xi32, #tpu.memory_space<vmem>> -> memref<1x1x128xi32, #tpu.memory_space<vmem>>
        %dma_wait3A_494 = tpu.memref_squeeze %dma_wait3A_493 : memref<1x1x128xi32, #tpu.memory_space<vmem>> -> memref<128xi32, #tpu.memory_space<vmem>>
        %dma_wait3A_495 = arith.constant 0 : i32
        %dma_wait3A_496 = arith.constant 0 : i32
        %dma_wait3A_497 = tpu.memref_slice %arg13[%dma_wait3A_495, %dma_wait3A_496] : memref<10112x64xf32, #tpu.memory_space<vmem_shared>> -> memref<10112x64xf32, #tpu.memory_space<vmem_shared>>
        %dma_wait3A_498 = tpu.memref_slice %arg16[%dma_wait3A_487] : memref<4x!tpu.dma_semaphore, #tpu.memory_space<semaphore_mem>> -> memref<1x!tpu.dma_semaphore, #tpu.memory_space<semaphore_mem>>
        %dma_wait3A_499 = tpu.memref_squeeze %dma_wait3A_498 : memref<1x!tpu.dma_semaphore, #tpu.memory_space<semaphore_mem>> -> memref<!tpu.dma_semaphore, #tpu.memory_space<semaphore_mem>>
        tpu.wait_indirect_dma semaphore(%dma_wait3A_499 : memref<!tpu.dma_semaphore, #tpu.memory_space<semaphore_mem>>) src(%dma_wait3A_491 : memref<128x64xf32, #tpu.memory_space<vmem>>) dst(%dma_wait3A_497 : memref<10112x64xf32, #tpu.memory_space<vmem_shared>>)
      } else {
      }
      %dma_wait3A_206 = arith.constant 0 : i32
      %dma_wait3A_207 = arith.constant 0 : i32
      %dma_wait3A_208 = arith.constant 0 : i32
      %dma_wait3A_209 = tpu.memref_slice %arg7[%rem3A_201, %dma_wait3A_207, %dma_wait3A_208] : memref<2x4x128xi32, #tpu.memory_space<vmem>> -> memref<1x4x128xi32, #tpu.memory_space<vmem>>
      %dma_wait3A_210 = tpu.memref_squeeze %dma_wait3A_209 : memref<1x4x128xi32, #tpu.memory_space<vmem>> -> memref<4x128xi32, #tpu.memory_space<vmem>>
      %dma_wait3A_211 = arith.constant 0 : i32
      %dma_wait3A_212 = arith.constant 0 : i32
      %dma_wait3A_213 = tpu.memref_slice %arg3[%dma_wait3A_206, %dma_wait3A_211, %dma_wait3A_212] : memref<640x4x128xi32, #tpu.memory_space<hbm>> -> memref<1x4x128xi32, #tpu.memory_space<hbm>>
      %dma_wait3A_214 = tpu.memref_squeeze %dma_wait3A_213 : memref<1x4x128xi32, #tpu.memory_space<hbm>> -> memref<4x128xi32, #tpu.memory_space<hbm>>
      %dma_wait3A_215 = tpu.memref_slice %arg17[%rem3A_201] : memref<2x!tpu.dma_semaphore, #tpu.memory_space<semaphore_mem>> -> memref<1x!tpu.dma_semaphore, #tpu.memory_space<semaphore_mem>>
      %dma_wait3A_216 = tpu.memref_squeeze %dma_wait3A_215 : memref<1x!tpu.dma_semaphore, #tpu.memory_space<semaphore_mem>> -> memref<!tpu.dma_semaphore, #tpu.memory_space<semaphore_mem>>
      %dma_wait3A_217 = arith.constant 0 : i32
      %dma_wait3A_218 = arith.constant 0 : i32
      %dma_wait3A_219 = tpu.memref_slice %arg7[%rem3A_201, %dma_wait3A_217, %dma_wait3A_218] : memref<2x4x128xi32, #tpu.memory_space<vmem>> -> memref<1x4x128xi32, #tpu.memory_space<vmem>>
      %dma_wait3A_220 = tpu.memref_squeeze %dma_wait3A_219 : memref<1x4x128xi32, #tpu.memory_space<vmem>> -> memref<4x128xi32, #tpu.memory_space<vmem>>
      %dma_wait3A_221 = arith.constant 0 : i32
      %dma_wait3A_222 = arith.constant 0 : i32
      %dma_wait3A_223 = tpu.memref_slice %arg3[%dma_wait3A_206, %dma_wait3A_221, %dma_wait3A_222] : memref<640x4x128xi32, #tpu.memory_space<hbm>> -> memref<1x4x128xi32, #tpu.memory_space<hbm>>
      %dma_wait3A_224 = tpu.memref_squeeze %dma_wait3A_223 : memref<1x4x128xi32, #tpu.memory_space<hbm>> -> memref<4x128xi32, #tpu.memory_space<hbm>>
      tpu.wait_dma2 semaphore(%dma_wait3A_216 : memref<!tpu.dma_semaphore, #tpu.memory_space<semaphore_mem>>) src(%dma_wait3A_224 : memref<4x128xi32, #tpu.memory_space<hbm>>) dst(%dma_wait3A_220 : memref<4x128xi32, #tpu.memory_space<vmem>>)
      %dma_wait3A_225 = arith.constant 0 : i32
      %dma_wait3A_226 = arith.constant 0 : i32
      %dma_wait3A_227 = arith.constant 0 : i32
      %dma_wait3A_228 = tpu.memref_slice %arg8[%rem3A_201, %dma_wait3A_226, %dma_wait3A_227] : memref<2x4x128xi32, #tpu.memory_space<vmem>> -> memref<1x4x128xi32, #tpu.memory_space<vmem>>
      %dma_wait3A_229 = tpu.memref_squeeze %dma_wait3A_228 : memref<1x4x128xi32, #tpu.memory_space<vmem>> -> memref<4x128xi32, #tpu.memory_space<vmem>>
      %dma_wait3A_230 = arith.constant 0 : i32
      %dma_wait3A_231 = arith.constant 0 : i32
      %dma_wait3A_232 = tpu.memref_slice %arg4[%dma_wait3A_225, %dma_wait3A_230, %dma_wait3A_231] : memref<640x4x128xi32, #tpu.memory_space<hbm>> -> memref<1x4x128xi32, #tpu.memory_space<hbm>>
      %dma_wait3A_233 = tpu.memref_squeeze %dma_wait3A_232 : memref<1x4x128xi32, #tpu.memory_space<hbm>> -> memref<4x128xi32, #tpu.memory_space<hbm>>
      %dma_wait3A_234 = tpu.memref_slice %arg17[%rem3A_201] : memref<2x!tpu.dma_semaphore, #tpu.memory_space<semaphore_mem>> -> memref<1x!tpu.dma_semaphore, #tpu.memory_space<semaphore_mem>>
      %dma_wait3A_235 = tpu.memref_squeeze %dma_wait3A_234 : memref<1x!tpu.dma_semaphore, #tpu.memory_space<semaphore_mem>> -> memref<!tpu.dma_semaphore, #tpu.memory_space<semaphore_mem>>
      %dma_wait3A_236 = arith.constant 0 : i32
      %dma_wait3A_237 = arith.constant 0 : i32
      %dma_wait3A_238 = tpu.memref_slice %arg8[%rem3A_201, %dma_wait3A_236, %dma_wait3A_237] : memref<2x4x128xi32, #tpu.memory_space<vmem>> -> memref<1x4x128xi32, #tpu.memory_space<vmem>>
      %dma_wait3A_239 = tpu.memref_squeeze %dma_wait3A_238 : memref<1x4x128xi32, #tpu.memory_space<vmem>> -> memref<4x128xi32, #tpu.memory_space<vmem>>
      %dma_wait3A_240 = arith.constant 0 : i32
      %dma_wait3A_241 = arith.constant 0 : i32
      %dma_wait3A_242 = tpu.memref_slice %arg4[%dma_wait3A_225, %dma_wait3A_240, %dma_wait3A_241] : memref<640x4x128xi32, #tpu.memory_space<hbm>> -> memref<1x4x128xi32, #tpu.memory_space<hbm>>
      %dma_wait3A_243 = tpu.memref_squeeze %dma_wait3A_242 : memref<1x4x128xi32, #tpu.memory_space<hbm>> -> memref<4x128xi32, #tpu.memory_space<hbm>>
      tpu.wait_dma2 semaphore(%dma_wait3A_235 : memref<!tpu.dma_semaphore, #tpu.memory_space<semaphore_mem>>) src(%dma_wait3A_243 : memref<4x128xi32, #tpu.memory_space<hbm>>) dst(%dma_wait3A_239 : memref<4x128xi32, #tpu.memory_space<vmem>>)
      %add3A_244 = arith.constant 1 : i32
      %add3A_245 = arith.addi %scan3A_199, %add3A_244 : i32
      %lt3A = arith.constant 40 : i32
      %lt3A_246 = arith.cmpi slt, %add3A_245, %lt3A : i32
      %convert_element_type3A_247 = arith.extui %lt3A_246 : i1 to i32
      %cond3A_248 = arith.constant 0 : i32
      %cond3A_249 = arith.cmpi ne, %convert_element_type3A_247, %cond3A_248 : i32
      scf.if %cond3A_249 {
        %add3A_439 = arith.constant 1 : i32
        %add3A_440 = arith.addi %scan3A_199, %add3A_439 : i32
        %sub3A = arith.constant 1 : i32
        %sub3A_441 = arith.subi %sub3A, %rem3A_201 : i32
        %mul3A_442 = arith.constant 40 : i32
        %mul3A_443 = arith.muli %arg1, %mul3A_442 : i32
        %add3A_444 = arith.addi %mul3A_443, %add3A_440 : i32
        %dma_start3A_445 = arith.constant 0 : i32
        %dma_start3A_446 = arith.constant 0 : i32
        %dma_start3A_447 = tpu.memref_slice %arg7[%sub3A_441, %dma_start3A_445, %dma_start3A_446] : memref<2x4x128xi32, #tpu.memory_space<vmem>> -> memref<1x4x128xi32, #tpu.memory_space<vmem>>
        %dma_start3A_448 = tpu.memref_squeeze %dma_start3A_447 : memref<1x4x128xi32, #tpu.memory_space<vmem>> -> memref<4x128xi32, #tpu.memory_space<vmem>>
        %dma_start3A_449 = arith.constant 0 : i32
        %dma_start3A_450 = arith.constant 0 : i32
        %dma_start3A_451 = tpu.memref_slice %arg3[%add3A_444, %dma_start3A_449, %dma_start3A_450] : memref<640x4x128xi32, #tpu.memory_space<hbm>> -> memref<1x4x128xi32, #tpu.memory_space<hbm>>
        %dma_start3A_452 = tpu.memref_squeeze %dma_start3A_451 : memref<1x4x128xi32, #tpu.memory_space<hbm>> -> memref<4x128xi32, #tpu.memory_space<hbm>>
        %dma_start3A_453 = tpu.memref_slice %arg17[%sub3A_441] : memref<2x!tpu.dma_semaphore, #tpu.memory_space<semaphore_mem>> -> memref<1x!tpu.dma_semaphore, #tpu.memory_space<semaphore_mem>>
        %dma_start3A_454 = tpu.memref_squeeze %dma_start3A_453 : memref<1x!tpu.dma_semaphore, #tpu.memory_space<semaphore_mem>> -> memref<!tpu.dma_semaphore, #tpu.memory_space<semaphore_mem>>
        %dma_start3A_455 = arith.constant 0 : i32
        %dma_start3A_456 = arith.constant 0 : i32
        %dma_start3A_457 = tpu.memref_slice %arg7[%sub3A_441, %dma_start3A_455, %dma_start3A_456] : memref<2x4x128xi32, #tpu.memory_space<vmem>> -> memref<1x4x128xi32, #tpu.memory_space<vmem>>
        %dma_start3A_458 = tpu.memref_squeeze %dma_start3A_457 : memref<1x4x128xi32, #tpu.memory_space<vmem>> -> memref<4x128xi32, #tpu.memory_space<vmem>>
        %dma_start3A_459 = arith.constant 0 : i32
        %dma_start3A_460 = arith.constant 0 : i32
        %dma_start3A_461 = tpu.memref_slice %arg3[%add3A_444, %dma_start3A_459, %dma_start3A_460] : memref<640x4x128xi32, #tpu.memory_space<hbm>> -> memref<1x4x128xi32, #tpu.memory_space<hbm>>
        %dma_start3A_462 = tpu.memref_squeeze %dma_start3A_461 : memref<1x4x128xi32, #tpu.memory_space<hbm>> -> memref<4x128xi32, #tpu.memory_space<hbm>>
        tpu.enqueue_dma source(%dma_start3A_462 : memref<4x128xi32, #tpu.memory_space<hbm>>) target(%dma_start3A_458 : memref<4x128xi32, #tpu.memory_space<vmem>>) target_semaphore(%dma_start3A_454 : memref<!tpu.dma_semaphore, #tpu.memory_space<semaphore_mem>>)
        %dma_start3A_463 = arith.constant 0 : i32
        %dma_start3A_464 = arith.constant 0 : i32
        %dma_start3A_465 = tpu.memref_slice %arg8[%sub3A_441, %dma_start3A_463, %dma_start3A_464] : memref<2x4x128xi32, #tpu.memory_space<vmem>> -> memref<1x4x128xi32, #tpu.memory_space<vmem>>
        %dma_start3A_466 = tpu.memref_squeeze %dma_start3A_465 : memref<1x4x128xi32, #tpu.memory_space<vmem>> -> memref<4x128xi32, #tpu.memory_space<vmem>>
        %dma_start3A_467 = arith.constant 0 : i32
        %dma_start3A_468 = arith.constant 0 : i32
        %dma_start3A_469 = tpu.memref_slice %arg4[%add3A_444, %dma_start3A_467, %dma_start3A_468] : memref<640x4x128xi32, #tpu.memory_space<hbm>> -> memref<1x4x128xi32, #tpu.memory_space<hbm>>
        %dma_start3A_470 = tpu.memref_squeeze %dma_start3A_469 : memref<1x4x128xi32, #tpu.memory_space<hbm>> -> memref<4x128xi32, #tpu.memory_space<hbm>>
        %dma_start3A_471 = tpu.memref_slice %arg17[%sub3A_441] : memref<2x!tpu.dma_semaphore, #tpu.memory_space<semaphore_mem>> -> memref<1x!tpu.dma_semaphore, #tpu.memory_space<semaphore_mem>>
        %dma_start3A_472 = tpu.memref_squeeze %dma_start3A_471 : memref<1x!tpu.dma_semaphore, #tpu.memory_space<semaphore_mem>> -> memref<!tpu.dma_semaphore, #tpu.memory_space<semaphore_mem>>
        %dma_start3A_473 = arith.constant 0 : i32
        %dma_start3A_474 = arith.constant 0 : i32
        %dma_start3A_475 = tpu.memref_slice %arg8[%sub3A_441, %dma_start3A_473, %dma_start3A_474] : memref<2x4x128xi32, #tpu.memory_space<vmem>> -> memref<1x4x128xi32, #tpu.memory_space<vmem>>
        %dma_start3A_476 = tpu.memref_squeeze %dma_start3A_475 : memref<1x4x128xi32, #tpu.memory_space<vmem>> -> memref<4x128xi32, #tpu.memory_space<vmem>>
        %dma_start3A_477 = arith.constant 0 : i32
        %dma_start3A_478 = arith.constant 0 : i32
        %dma_start3A_479 = tpu.memref_slice %arg4[%add3A_444, %dma_start3A_477, %dma_start3A_478] : memref<640x4x128xi32, #tpu.memory_space<hbm>> -> memref<1x4x128xi32, #tpu.memory_space<hbm>>
        %dma_start3A_480 = tpu.memref_squeeze %dma_start3A_479 : memref<1x4x128xi32, #tpu.memory_space<hbm>> -> memref<4x128xi32, #tpu.memory_space<hbm>>
        tpu.enqueue_dma source(%dma_start3A_480 : memref<4x128xi32, #tpu.memory_space<hbm>>) target(%dma_start3A_476 : memref<4x128xi32, #tpu.memory_space<vmem>>) target_semaphore(%dma_start3A_472 : memref<!tpu.dma_semaphore, #tpu.memory_space<semaphore_mem>>)
      } else {
      }
      %dma_start3A_250 = arith.constant 0 : i32
      %dma_start3A_251 = arith.constant 0 : i32
      %dma_start3A_252 = arith.constant 0 : i32
      %dma_start3A_253 = arith.constant 0 : i32
      %dma_start3A_254 = arith.constant 0 : i32
      %dma_start3A_255 = tpu.memref_slice %arg9[%dma_start3A_251, %dma_start3A_253, %dma_start3A_254] : memref<4x128x64xf32, #tpu.memory_space<vmem>> -> memref<1x128x64xf32, #tpu.memory_space<vmem>>
      %dma_start3A_256 = tpu.memref_squeeze %dma_start3A_255 : memref<1x128x64xf32, #tpu.memory_space<vmem>> -> memref<128x64xf32, #tpu.memory_space<vmem>>
      %dma_start3A_257 = arith.constant 0 : i32
      %dma_start3A_258 = tpu.memref_slice %arg7[%rem3A_201, %dma_start3A_250, %dma_start3A_257] : memref<2x4x128xi32, #tpu.memory_space<vmem>> -> memref<1x1x128xi32, #tpu.memory_space<vmem>>
      %dma_start3A_259 = tpu.memref_squeeze %dma_start3A_258 : memref<1x1x128xi32, #tpu.memory_space<vmem>> -> memref<128xi32, #tpu.memory_space<vmem>>
      %dma_start3A_260 = arith.constant 0 : i32
      %dma_start3A_261 = arith.constant 0 : i32
      %dma_start3A_262 = tpu.memref_slice %arg12[%dma_start3A_260, %dma_start3A_261] : memref<10000x64xf32, #tpu.memory_space<vmem_shared>> -> memref<10000x64xf32, #tpu.memory_space<vmem_shared>>
      %dma_start3A_263 = tpu.memref_slice %arg15[%dma_start3A_252] : memref<4x!tpu.dma_semaphore, #tpu.memory_space<semaphore_mem>> -> memref<1x!tpu.dma_semaphore, #tpu.memory_space<semaphore_mem>>
      %dma_start3A_264 = tpu.memref_squeeze %dma_start3A_263 : memref<1x!tpu.dma_semaphore, #tpu.memory_space<semaphore_mem>> -> memref<!tpu.dma_semaphore, #tpu.memory_space<semaphore_mem>>
      tpu.enqueue_indirect_dma source(%dma_start3A_262 : memref<10000x64xf32, #tpu.memory_space<vmem_shared>>) target(%dma_start3A_256 : memref<128x64xf32, #tpu.memory_space<vmem>>) offsets(%dma_start3A_259 : memref<128xi32, #tpu.memory_space<vmem>>) semaphore(%dma_start3A_264 : memref<!tpu.dma_semaphore, #tpu.memory_space<semaphore_mem>>)
      %dma_start3A_265 = arith.constant 1 : i32
      %dma_start3A_266 = arith.constant 1 : i32
      %dma_start3A_267 = arith.constant 1 : i32
      %dma_start3A_268 = arith.constant 0 : i32
      %dma_start3A_269 = arith.constant 0 : i32
      %dma_start3A_270 = tpu.memref_slice %arg9[%dma_start3A_266, %dma_start3A_268, %dma_start3A_269] : memref<4x128x64xf32, #tpu.memory_space<vmem>> -> memref<1x128x64xf32, #tpu.memory_space<vmem>>
      %dma_start3A_271 = tpu.memref_squeeze %dma_start3A_270 : memref<1x128x64xf32, #tpu.memory_space<vmem>> -> memref<128x64xf32, #tpu.memory_space<vmem>>
      %dma_start3A_272 = arith.constant 0 : i32
      %dma_start3A_273 = tpu.memref_slice %arg7[%rem3A_201, %dma_start3A_265, %dma_start3A_272] : memref<2x4x128xi32, #tpu.memory_space<vmem>> -> memref<1x1x128xi32, #tpu.memory_space<vmem>>
      %dma_start3A_274 = tpu.memref_squeeze %dma_start3A_273 : memref<1x1x128xi32, #tpu.memory_space<vmem>> -> memref<128xi32, #tpu.memory_space<vmem>>
      %dma_start3A_275 = arith.constant 0 : i32
      %dma_start3A_276 = arith.constant 0 : i32
      %dma_start3A_277 = tpu.memref_slice %arg12[%dma_start3A_275, %dma_start3A_276] : memref<10000x64xf32, #tpu.memory_space<vmem_shared>> -> memref<10000x64xf32, #tpu.memory_space<vmem_shared>>
      %dma_start3A_278 = tpu.memref_slice %arg15[%dma_start3A_267] : memref<4x!tpu.dma_semaphore, #tpu.memory_space<semaphore_mem>> -> memref<1x!tpu.dma_semaphore, #tpu.memory_space<semaphore_mem>>
      %dma_start3A_279 = tpu.memref_squeeze %dma_start3A_278 : memref<1x!tpu.dma_semaphore, #tpu.memory_space<semaphore_mem>> -> memref<!tpu.dma_semaphore, #tpu.memory_space<semaphore_mem>>
      tpu.enqueue_indirect_dma source(%dma_start3A_277 : memref<10000x64xf32, #tpu.memory_space<vmem_shared>>) target(%dma_start3A_271 : memref<128x64xf32, #tpu.memory_space<vmem>>) offsets(%dma_start3A_274 : memref<128xi32, #tpu.memory_space<vmem>>) semaphore(%dma_start3A_279 : memref<!tpu.dma_semaphore, #tpu.memory_space<semaphore_mem>>)
      %dma_start3A_280 = arith.constant 2 : i32
      %dma_start3A_281 = arith.constant 2 : i32
      %dma_start3A_282 = arith.constant 2 : i32
      %dma_start3A_283 = arith.constant 0 : i32
      %dma_start3A_284 = arith.constant 0 : i32
      %dma_start3A_285 = tpu.memref_slice %arg9[%dma_start3A_281, %dma_start3A_283, %dma_start3A_284] : memref<4x128x64xf32, #tpu.memory_space<vmem>> -> memref<1x128x64xf32, #tpu.memory_space<vmem>>
      %dma_start3A_286 = tpu.memref_squeeze %dma_start3A_285 : memref<1x128x64xf32, #tpu.memory_space<vmem>> -> memref<128x64xf32, #tpu.memory_space<vmem>>
      %dma_start3A_287 = arith.constant 0 : i32
      %dma_start3A_288 = tpu.memref_slice %arg7[%rem3A_201, %dma_start3A_280, %dma_start3A_287] : memref<2x4x128xi32, #tpu.memory_space<vmem>> -> memref<1x1x128xi32, #tpu.memory_space<vmem>>
      %dma_start3A_289 = tpu.memref_squeeze %dma_start3A_288 : memref<1x1x128xi32, #tpu.memory_space<vmem>> -> memref<128xi32, #tpu.memory_space<vmem>>
      %dma_start3A_290 = arith.constant 0 : i32
      %dma_start3A_291 = arith.constant 0 : i32
      %dma_start3A_292 = tpu.memref_slice %arg12[%dma_start3A_290, %dma_start3A_291] : memref<10000x64xf32, #tpu.memory_space<vmem_shared>> -> memref<10000x64xf32, #tpu.memory_space<vmem_shared>>
      %dma_start3A_293 = tpu.memref_slice %arg15[%dma_start3A_282] : memref<4x!tpu.dma_semaphore, #tpu.memory_space<semaphore_mem>> -> memref<1x!tpu.dma_semaphore, #tpu.memory_space<semaphore_mem>>
      %dma_start3A_294 = tpu.memref_squeeze %dma_start3A_293 : memref<1x!tpu.dma_semaphore, #tpu.memory_space<semaphore_mem>> -> memref<!tpu.dma_semaphore, #tpu.memory_space<semaphore_mem>>
      tpu.enqueue_indirect_dma source(%dma_start3A_292 : memref<10000x64xf32, #tpu.memory_space<vmem_shared>>) target(%dma_start3A_286 : memref<128x64xf32, #tpu.memory_space<vmem>>) offsets(%dma_start3A_289 : memref<128xi32, #tpu.memory_space<vmem>>) semaphore(%dma_start3A_294 : memref<!tpu.dma_semaphore, #tpu.memory_space<semaphore_mem>>)
      %dma_start3A_295 = arith.constant 3 : i32
      %dma_start3A_296 = arith.constant 3 : i32
      %dma_start3A_297 = arith.constant 3 : i32
      %dma_start3A_298 = arith.constant 0 : i32
      %dma_start3A_299 = arith.constant 0 : i32
      %dma_start3A_300 = tpu.memref_slice %arg9[%dma_start3A_296, %dma_start3A_298, %dma_start3A_299] : memref<4x128x64xf32, #tpu.memory_space<vmem>> -> memref<1x128x64xf32, #tpu.memory_space<vmem>>
      %dma_start3A_301 = tpu.memref_squeeze %dma_start3A_300 : memref<1x128x64xf32, #tpu.memory_space<vmem>> -> memref<128x64xf32, #tpu.memory_space<vmem>>
      %dma_start3A_302 = arith.constant 0 : i32
      %dma_start3A_303 = tpu.memref_slice %arg7[%rem3A_201, %dma_start3A_295, %dma_start3A_302] : memref<2x4x128xi32, #tpu.memory_space<vmem>> -> memref<1x1x128xi32, #tpu.memory_space<vmem>>
      %dma_start3A_304 = tpu.memref_squeeze %dma_start3A_303 : memref<1x1x128xi32, #tpu.memory_space<vmem>> -> memref<128xi32, #tpu.memory_space<vmem>>
      %dma_start3A_305 = arith.constant 0 : i32
      %dma_start3A_306 = arith.constant 0 : i32
      %dma_start3A_307 = tpu.memref_slice %arg12[%dma_start3A_305, %dma_start3A_306] : memref<10000x64xf32, #tpu.memory_space<vmem_shared>> -> memref<10000x64xf32, #tpu.memory_space<vmem_shared>>
      %dma_start3A_308 = tpu.memref_slice %arg15[%dma_start3A_297] : memref<4x!tpu.dma_semaphore, #tpu.memory_space<semaphore_mem>> -> memref<1x!tpu.dma_semaphore, #tpu.memory_space<semaphore_mem>>
      %dma_start3A_309 = tpu.memref_squeeze %dma_start3A_308 : memref<1x!tpu.dma_semaphore, #tpu.memory_space<semaphore_mem>> -> memref<!tpu.dma_semaphore, #tpu.memory_space<semaphore_mem>>
      tpu.enqueue_indirect_dma source(%dma_start3A_307 : memref<10000x64xf32, #tpu.memory_space<vmem_shared>>) target(%dma_start3A_301 : memref<128x64xf32, #tpu.memory_space<vmem>>) offsets(%dma_start3A_304 : memref<128xi32, #tpu.memory_space<vmem>>) semaphore(%dma_start3A_309 : memref<!tpu.dma_semaphore, #tpu.memory_space<semaphore_mem>>)
      %dma_wait3A_310 = arith.constant 0 : i32
      %dma_wait3A_311 = arith.constant 0 : i32
      %dma_wait3A_312 = arith.constant 0 : i32
      %dma_wait3A_313 = arith.constant 0 : i32
      %dma_wait3A_314 = arith.constant 0 : i32
      %dma_wait3A_315 = tpu.memref_slice %arg9[%dma_wait3A_311, %dma_wait3A_313, %dma_wait3A_314] : memref<4x128x64xf32, #tpu.memory_space<vmem>> -> memref<1x128x64xf32, #tpu.memory_space<vmem>>
      %dma_wait3A_316 = tpu.memref_squeeze %dma_wait3A_315 : memref<1x128x64xf32, #tpu.memory_space<vmem>> -> memref<128x64xf32, #tpu.memory_space<vmem>>
      %dma_wait3A_317 = arith.constant 0 : i32
      %dma_wait3A_318 = tpu.memref_slice %arg7[%rem3A_201, %dma_wait3A_310, %dma_wait3A_317] : memref<2x4x128xi32, #tpu.memory_space<vmem>> -> memref<1x1x128xi32, #tpu.memory_space<vmem>>
      %dma_wait3A_319 = tpu.memref_squeeze %dma_wait3A_318 : memref<1x1x128xi32, #tpu.memory_space<vmem>> -> memref<128xi32, #tpu.memory_space<vmem>>
      %dma_wait3A_320 = arith.constant 0 : i32
      %dma_wait3A_321 = arith.constant 0 : i32
      %dma_wait3A_322 = tpu.memref_slice %arg12[%dma_wait3A_320, %dma_wait3A_321] : memref<10000x64xf32, #tpu.memory_space<vmem_shared>> -> memref<10000x64xf32, #tpu.memory_space<vmem_shared>>
      %dma_wait3A_323 = tpu.memref_slice %arg15[%dma_wait3A_312] : memref<4x!tpu.dma_semaphore, #tpu.memory_space<semaphore_mem>> -> memref<1x!tpu.dma_semaphore, #tpu.memory_space<semaphore_mem>>
      %dma_wait3A_324 = tpu.memref_squeeze %dma_wait3A_323 : memref<1x!tpu.dma_semaphore, #tpu.memory_space<semaphore_mem>> -> memref<!tpu.dma_semaphore, #tpu.memory_space<semaphore_mem>>
      tpu.wait_indirect_dma semaphore(%dma_wait3A_324 : memref<!tpu.dma_semaphore, #tpu.memory_space<semaphore_mem>>) src(%dma_wait3A_322 : memref<10000x64xf32, #tpu.memory_space<vmem_shared>>) dst(%dma_wait3A_316 : memref<128x64xf32, #tpu.memory_space<vmem>>)
      %dma_start3A_325 = arith.constant 0 : i32
      %dma_start3A_326 = arith.constant 0 : i32
      %dma_start3A_327 = arith.constant 0 : i32
      %dma_start3A_328 = arith.constant 0 : i32
      %dma_start3A_329 = arith.constant 0 : i32
      %dma_start3A_330 = tpu.memref_slice %arg9[%dma_start3A_325, %dma_start3A_328, %dma_start3A_329] : memref<4x128x64xf32, #tpu.memory_space<vmem>> -> memref<1x128x64xf32, #tpu.memory_space<vmem>>
      %dma_start3A_331 = tpu.memref_squeeze %dma_start3A_330 : memref<1x128x64xf32, #tpu.memory_space<vmem>> -> memref<128x64xf32, #tpu.memory_space<vmem>>
      %dma_start3A_332 = arith.constant 0 : i32
      %dma_start3A_333 = tpu.memref_slice %arg8[%rem3A_201, %dma_start3A_326, %dma_start3A_332] : memref<2x4x128xi32, #tpu.memory_space<vmem>> -> memref<1x1x128xi32, #tpu.memory_space<vmem>>
      %dma_start3A_334 = tpu.memref_squeeze %dma_start3A_333 : memref<1x1x128xi32, #tpu.memory_space<vmem>> -> memref<128xi32, #tpu.memory_space<vmem>>
      %dma_start3A_335 = arith.constant 0 : i32
      %dma_start3A_336 = arith.constant 0 : i32
      %dma_start3A_337 = tpu.memref_slice %arg13[%dma_start3A_335, %dma_start3A_336] : memref<10112x64xf32, #tpu.memory_space<vmem_shared>> -> memref<10112x64xf32, #tpu.memory_space<vmem_shared>>
      %dma_start3A_338 = tpu.memref_slice %arg16[%dma_start3A_327] : memref<4x!tpu.dma_semaphore, #tpu.memory_space<semaphore_mem>> -> memref<1x!tpu.dma_semaphore, #tpu.memory_space<semaphore_mem>>
      %dma_start3A_339 = tpu.memref_squeeze %dma_start3A_338 : memref<1x!tpu.dma_semaphore, #tpu.memory_space<semaphore_mem>> -> memref<!tpu.dma_semaphore, #tpu.memory_space<semaphore_mem>>
      tpu.enqueue_indirect_dma source(%dma_start3A_331 : memref<128x64xf32, #tpu.memory_space<vmem>>) target(%dma_start3A_337 : memref<10112x64xf32, #tpu.memory_space<vmem_shared>>) offsets(%dma_start3A_334 : memref<128xi32, #tpu.memory_space<vmem>>) semaphore(%dma_start3A_339 : memref<!tpu.dma_semaphore, #tpu.memory_space<semaphore_mem>>) {add = true}
      %dma_wait3A_340 = arith.constant 1 : i32
      %dma_wait3A_341 = arith.constant 1 : i32
      %dma_wait3A_342 = arith.constant 1 : i32
      %dma_wait3A_343 = arith.constant 0 : i32
      %dma_wait3A_344 = arith.constant 0 : i32
      %dma_wait3A_345 = tpu.memref_slice %arg9[%dma_wait3A_341, %dma_wait3A_343, %dma_wait3A_344] : memref<4x128x64xf32, #tpu.memory_space<vmem>> -> memref<1x128x64xf32, #tpu.memory_space<vmem>>
      %dma_wait3A_346 = tpu.memref_squeeze %dma_wait3A_345 : memref<1x128x64xf32, #tpu.memory_space<vmem>> -> memref<128x64xf32, #tpu.memory_space<vmem>>
      %dma_wait3A_347 = arith.constant 0 : i32
      %dma_wait3A_348 = tpu.memref_slice %arg7[%rem3A_201, %dma_wait3A_340, %dma_wait3A_347] : memref<2x4x128xi32, #tpu.memory_space<vmem>> -> memref<1x1x128xi32, #tpu.memory_space<vmem>>
      %dma_wait3A_349 = tpu.memref_squeeze %dma_wait3A_348 : memref<1x1x128xi32, #tpu.memory_space<vmem>> -> memref<128xi32, #tpu.memory_space<vmem>>
      %dma_wait3A_350 = arith.constant 0 : i32
      %dma_wait3A_351 = arith.constant 0 : i32
      %dma_wait3A_352 = tpu.memref_slice %arg12[%dma_wait3A_350, %dma_wait3A_351] : memref<10000x64xf32, #tpu.memory_space<vmem_shared>> -> memref<10000x64xf32, #tpu.memory_space<vmem_shared>>
      %dma_wait3A_353 = tpu.memref_slice %arg15[%dma_wait3A_342] : memref<4x!tpu.dma_semaphore, #tpu.memory_space<semaphore_mem>> -> memref<1x!tpu.dma_semaphore, #tpu.memory_space<semaphore_mem>>
      %dma_wait3A_354 = tpu.memref_squeeze %dma_wait3A_353 : memref<1x!tpu.dma_semaphore, #tpu.memory_space<semaphore_mem>> -> memref<!tpu.dma_semaphore, #tpu.memory_space<semaphore_mem>>
      tpu.wait_indirect_dma semaphore(%dma_wait3A_354 : memref<!tpu.dma_semaphore, #tpu.memory_space<semaphore_mem>>) src(%dma_wait3A_352 : memref<10000x64xf32, #tpu.memory_space<vmem_shared>>) dst(%dma_wait3A_346 : memref<128x64xf32, #tpu.memory_space<vmem>>)
      %dma_start3A_355 = arith.constant 1 : i32
      %dma_start3A_356 = arith.constant 1 : i32
      %dma_start3A_357 = arith.constant 1 : i32
      %dma_start3A_358 = arith.constant 0 : i32
      %dma_start3A_359 = arith.constant 0 : i32
      %dma_start3A_360 = tpu.memref_slice %arg9[%dma_start3A_355, %dma_start3A_358, %dma_start3A_359] : memref<4x128x64xf32, #tpu.memory_space<vmem>> -> memref<1x128x64xf32, #tpu.memory_space<vmem>>
      %dma_start3A_361 = tpu.memref_squeeze %dma_start3A_360 : memref<1x128x64xf32, #tpu.memory_space<vmem>> -> memref<128x64xf32, #tpu.memory_space<vmem>>
      %dma_start3A_362 = arith.constant 0 : i32
      %dma_start3A_363 = tpu.memref_slice %arg8[%rem3A_201, %dma_start3A_356, %dma_start3A_362] : memref<2x4x128xi32, #tpu.memory_space<vmem>> -> memref<1x1x128xi32, #tpu.memory_space<vmem>>
      %dma_start3A_364 = tpu.memref_squeeze %dma_start3A_363 : memref<1x1x128xi32, #tpu.memory_space<vmem>> -> memref<128xi32, #tpu.memory_space<vmem>>
      %dma_start3A_365 = arith.constant 0 : i32
      %dma_start3A_366 = arith.constant 0 : i32
      %dma_start3A_367 = tpu.memref_slice %arg13[%dma_start3A_365, %dma_start3A_366] : memref<10112x64xf32, #tpu.memory_space<vmem_shared>> -> memref<10112x64xf32, #tpu.memory_space<vmem_shared>>
      %dma_start3A_368 = tpu.memref_slice %arg16[%dma_start3A_357] : memref<4x!tpu.dma_semaphore, #tpu.memory_space<semaphore_mem>> -> memref<1x!tpu.dma_semaphore, #tpu.memory_space<semaphore_mem>>
      %dma_start3A_369 = tpu.memref_squeeze %dma_start3A_368 : memref<1x!tpu.dma_semaphore, #tpu.memory_space<semaphore_mem>> -> memref<!tpu.dma_semaphore, #tpu.memory_space<semaphore_mem>>
      tpu.enqueue_indirect_dma source(%dma_start3A_361 : memref<128x64xf32, #tpu.memory_space<vmem>>) target(%dma_start3A_367 : memref<10112x64xf32, #tpu.memory_space<vmem_shared>>) offsets(%dma_start3A_364 : memref<128xi32, #tpu.memory_space<vmem>>) semaphore(%dma_start3A_369 : memref<!tpu.dma_semaphore, #tpu.memory_space<semaphore_mem>>) {add = true}
      %dma_wait3A_370 = arith.constant 2 : i32
      %dma_wait3A_371 = arith.constant 2 : i32
      %dma_wait3A_372 = arith.constant 2 : i32
      %dma_wait3A_373 = arith.constant 0 : i32
      %dma_wait3A_374 = arith.constant 0 : i32
      %dma_wait3A_375 = tpu.memref_slice %arg9[%dma_wait3A_371, %dma_wait3A_373, %dma_wait3A_374] : memref<4x128x64xf32, #tpu.memory_space<vmem>> -> memref<1x128x64xf32, #tpu.memory_space<vmem>>
      %dma_wait3A_376 = tpu.memref_squeeze %dma_wait3A_375 : memref<1x128x64xf32, #tpu.memory_space<vmem>> -> memref<128x64xf32, #tpu.memory_space<vmem>>
      %dma_wait3A_377 = arith.constant 0 : i32
      %dma_wait3A_378 = tpu.memref_slice %arg7[%rem3A_201, %dma_wait3A_370, %dma_wait3A_377] : memref<2x4x128xi32, #tpu.memory_space<vmem>> -> memref<1x1x128xi32, #tpu.memory_space<vmem>>
      %dma_wait3A_379 = tpu.memref_squeeze %dma_wait3A_378 : memref<1x1x128xi32, #tpu.memory_space<vmem>> -> memref<128xi32, #tpu.memory_space<vmem>>
      %dma_wait3A_380 = arith.constant 0 : i32
      %dma_wait3A_381 = arith.constant 0 : i32
      %dma_wait3A_382 = tpu.memref_slice %arg12[%dma_wait3A_380, %dma_wait3A_381] : memref<10000x64xf32, #tpu.memory_space<vmem_shared>> -> memref<10000x64xf32, #tpu.memory_space<vmem_shared>>
      %dma_wait3A_383 = tpu.memref_slice %arg15[%dma_wait3A_372] : memref<4x!tpu.dma_semaphore, #tpu.memory_space<semaphore_mem>> -> memref<1x!tpu.dma_semaphore, #tpu.memory_space<semaphore_mem>>
      %dma_wait3A_384 = tpu.memref_squeeze %dma_wait3A_383 : memref<1x!tpu.dma_semaphore, #tpu.memory_space<semaphore_mem>> -> memref<!tpu.dma_semaphore, #tpu.memory_space<semaphore_mem>>
      tpu.wait_indirect_dma semaphore(%dma_wait3A_384 : memref<!tpu.dma_semaphore, #tpu.memory_space<semaphore_mem>>) src(%dma_wait3A_382 : memref<10000x64xf32, #tpu.memory_space<vmem_shared>>) dst(%dma_wait3A_376 : memref<128x64xf32, #tpu.memory_space<vmem>>)
      %dma_start3A_385 = arith.constant 2 : i32
      %dma_start3A_386 = arith.constant 2 : i32
      %dma_start3A_387 = arith.constant 2 : i32
      %dma_start3A_388 = arith.constant 0 : i32
      %dma_start3A_389 = arith.constant 0 : i32
      %dma_start3A_390 = tpu.memref_slice %arg9[%dma_start3A_385, %dma_start3A_388, %dma_start3A_389] : memref<4x128x64xf32, #tpu.memory_space<vmem>> -> memref<1x128x64xf32, #tpu.memory_space<vmem>>
      %dma_start3A_391 = tpu.memref_squeeze %dma_start3A_390 : memref<1x128x64xf32, #tpu.memory_space<vmem>> -> memref<128x64xf32, #tpu.memory_space<vmem>>
      %dma_start3A_392 = arith.constant 0 : i32
      %dma_start3A_393 = tpu.memref_slice %arg8[%rem3A_201, %dma_start3A_386, %dma_start3A_392] : memref<2x4x128xi32, #tpu.memory_space<vmem>> -> memref<1x1x128xi32, #tpu.memory_space<vmem>>
      %dma_start3A_394 = tpu.memref_squeeze %dma_start3A_393 : memref<1x1x128xi32, #tpu.memory_space<vmem>> -> memref<128xi32, #tpu.memory_space<vmem>>
      %dma_start3A_395 = arith.constant 0 : i32
      %dma_start3A_396 = arith.constant 0 : i32
      %dma_start3A_397 = tpu.memref_slice %arg13[%dma_start3A_395, %dma_start3A_396] : memref<10112x64xf32, #tpu.memory_space<vmem_shared>> -> memref<10112x64xf32, #tpu.memory_space<vmem_shared>>
      %dma_start3A_398 = tpu.memref_slice %arg16[%dma_start3A_387] : memref<4x!tpu.dma_semaphore, #tpu.memory_space<semaphore_mem>> -> memref<1x!tpu.dma_semaphore, #tpu.memory_space<semaphore_mem>>
      %dma_start3A_399 = tpu.memref_squeeze %dma_start3A_398 : memref<1x!tpu.dma_semaphore, #tpu.memory_space<semaphore_mem>> -> memref<!tpu.dma_semaphore, #tpu.memory_space<semaphore_mem>>
      tpu.enqueue_indirect_dma source(%dma_start3A_391 : memref<128x64xf32, #tpu.memory_space<vmem>>) target(%dma_start3A_397 : memref<10112x64xf32, #tpu.memory_space<vmem_shared>>) offsets(%dma_start3A_394 : memref<128xi32, #tpu.memory_space<vmem>>) semaphore(%dma_start3A_399 : memref<!tpu.dma_semaphore, #tpu.memory_space<semaphore_mem>>) {add = true}
      %dma_wait3A_400 = arith.constant 3 : i32
      %dma_wait3A_401 = arith.constant 3 : i32
      %dma_wait3A_402 = arith.constant 3 : i32
      %dma_wait3A_403 = arith.constant 0 : i32
      %dma_wait3A_404 = arith.constant 0 : i32
      %dma_wait3A_405 = tpu.memref_slice %arg9[%dma_wait3A_401, %dma_wait3A_403, %dma_wait3A_404] : memref<4x128x64xf32, #tpu.memory_space<vmem>> -> memref<1x128x64xf32, #tpu.memory_space<vmem>>
      %dma_wait3A_406 = tpu.memref_squeeze %dma_wait3A_405 : memref<1x128x64xf32, #tpu.memory_space<vmem>> -> memref<128x64xf32, #tpu.memory_space<vmem>>
      %dma_wait3A_407 = arith.constant 0 : i32
      %dma_wait3A_408 = tpu.memref_slice %arg7[%rem3A_201, %dma_wait3A_400, %dma_wait3A_407] : memref<2x4x128xi32, #tpu.memory_space<vmem>> -> memref<1x1x128xi32, #tpu.memory_space<vmem>>
      %dma_wait3A_409 = tpu.memref_squeeze %dma_wait3A_408 : memref<1x1x128xi32, #tpu.memory_space<vmem>> -> memref<128xi32, #tpu.memory_space<vmem>>
      %dma_wait3A_410 = arith.constant 0 : i32
      %dma_wait3A_411 = arith.constant 0 : i32
      %dma_wait3A_412 = tpu.memref_slice %arg12[%dma_wait3A_410, %dma_wait3A_411] : memref<10000x64xf32, #tpu.memory_space<vmem_shared>> -> memref<10000x64xf32, #tpu.memory_space<vmem_shared>>
      %dma_wait3A_413 = tpu.memref_slice %arg15[%dma_wait3A_402] : memref<4x!tpu.dma_semaphore, #tpu.memory_space<semaphore_mem>> -> memref<1x!tpu.dma_semaphore, #tpu.memory_space<semaphore_mem>>
      %dma_wait3A_414 = tpu.memref_squeeze %dma_wait3A_413 : memref<1x!tpu.dma_semaphore, #tpu.memory_space<semaphore_mem>> -> memref<!tpu.dma_semaphore, #tpu.memory_space<semaphore_mem>>
      tpu.wait_indirect_dma semaphore(%dma_wait3A_414 : memref<!tpu.dma_semaphore, #tpu.memory_space<semaphore_mem>>) src(%dma_wait3A_412 : memref<10000x64xf32, #tpu.memory_space<vmem_shared>>) dst(%dma_wait3A_406 : memref<128x64xf32, #tpu.memory_space<vmem>>)
      %dma_start3A_415 = arith.constant 3 : i32
      %dma_start3A_416 = arith.constant 3 : i32
      %dma_start3A_417 = arith.constant 3 : i32
      %dma_start3A_418 = arith.constant 0 : i32
      %dma_start3A_419 = arith.constant 0 : i32
      %dma_start3A_420 = tpu.memref_slice %arg9[%dma_start3A_415, %dma_start3A_418, %dma_start3A_419] : memref<4x128x64xf32, #tpu.memory_space<vmem>> -> memref<1x128x64xf32, #tpu.memory_space<vmem>>
      %dma_start3A_421 = tpu.memref_squeeze %dma_start3A_420 : memref<1x128x64xf32, #tpu.memory_space<vmem>> -> memref<128x64xf32, #tpu.memory_space<vmem>>
      %dma_start3A_422 = arith.constant 0 : i32
      %dma_start3A_423 = tpu.memref_slice %arg8[%rem3A_201, %dma_start3A_416, %dma_start3A_422] : memref<2x4x128xi32, #tpu.memory_space<vmem>> -> memref<1x1x128xi32, #tpu.memory_space<vmem>>
      %dma_start3A_424 = tpu.memref_squeeze %dma_start3A_423 : memref<1x1x128xi32, #tpu.memory_space<vmem>> -> memref<128xi32, #tpu.memory_space<vmem>>
      %dma_start3A_425 = arith.constant 0 : i32
      %dma_start3A_426 = arith.constant 0 : i32
      %dma_start3A_427 = tpu.memref_slice %arg13[%dma_start3A_425, %dma_start3A_426] : memref<10112x64xf32, #tpu.memory_space<vmem_shared>> -> memref<10112x64xf32, #tpu.memory_space<vmem_shared>>
      %dma_start3A_428 = tpu.memref_slice %arg16[%dma_start3A_417] : memref<4x!tpu.dma_semaphore, #tpu.memory_space<semaphore_mem>> -> memref<1x!tpu.dma_semaphore, #tpu.memory_space<semaphore_mem>>
      %dma_start3A_429 = tpu.memref_squeeze %dma_start3A_428 : memref<1x!tpu.dma_semaphore, #tpu.memory_space<semaphore_mem>> -> memref<!tpu.dma_semaphore, #tpu.memory_space<semaphore_mem>>
      tpu.enqueue_indirect_dma source(%dma_start3A_421 : memref<128x64xf32, #tpu.memory_space<vmem>>) target(%dma_start3A_427 : memref<10112x64xf32, #tpu.memory_space<vmem_shared>>) offsets(%dma_start3A_424 : memref<128xi32, #tpu.memory_space<vmem>>) semaphore(%dma_start3A_429 : memref<!tpu.dma_semaphore, #tpu.memory_space<semaphore_mem>>) {add = true}
      %eq3A_430 = arith.constant 0 : i32
      %eq3A_431 = arith.cmpi eq, %arg0, %eq3A_430 : i32
      %lt3A_432 = arith.constant 20 : i32
      %lt3A_433 = arith.cmpi slt, %scan3A_199, %lt3A_432 : i32
      %ge3A = arith.constant 20 : i32
      %ge3A_434 = arith.cmpi sge, %scan3A_199, %ge3A : i32
      %select_n3A = arith.select %eq3A_431, %lt3A_433, %ge3A_434 : i1
      %convert_element_type3A_435 = arith.extui %select_n3A : i1 to i32
      %cond3A_436 = arith.constant 0 : i32
      %cond3A_437 = arith.cmpi ne, %convert_element_type3A_435, %cond3A_436 : i32
      scf.if %cond3A_437 {
        %get3A = arith.constant 0 : i32
        %get3A_439 = arith.index_cast %rem3A_201 : i32 to index
        %get3A_440 = arith.index_cast %get3A : i32 to index
        %get3A_441 = arith.constant 0 : index
        %get3A_442 = tpu.vector_load %arg8[%get3A_439, %get3A_440, %get3A_441] {strides = array<i32>} : memref<2x4x128xi32, #tpu.memory_space<vmem>>, vector<16xi32>,
        %broadcast_in_dim3A = arith.constant true
        %broadcast_in_dim3A_443 = vector.broadcast %broadcast_in_dim3A : i1 to vector<16xi1>
        %unique3A, %unique3A_444 = tpu.scan_count mask(%broadcast_in_dim3A_443 : vector<16xi1>) value(%get3A_442 : vector<16xi32>) : vector<16xi1>, vector<16xi32>
        %shift_right_logical3A = arith.constant 7 : i32
        %shift_right_logical3A_445 = vector.broadcast %shift_right_logical3A : i32 to vector<16xi32>
        %shift_right_logical3A_446 = arith.shrui %get3A_442, %shift_right_logical3A_445 : vector<16xi32>
        %and3A = arith.constant 127 : i32
        %and3A_447 = vector.broadcast %and3A : i32 to vector<16xi32>
        %and3A_448 = arith.andi %get3A_442, %and3A_447 : vector<16xi32>
        %convert_element_type3A_449 = arith.sitofp %unique3A_444 : vector<16xi32> to vector<16xf32>
        tpu.vector_store_idx %arg10[%shift_right_logical3A_446, %and3A_448], %convert_element_type3A_449 masked %unique3A {add = true} : memref<80x128xf32, #tpu.memory_space<vmem>>[vector<16xi32>, vector<16xi32>], vector<16xf32>, vector<16xi1>
        %get3A_450 = arith.constant 0 : i32
        %get3A_451 = arith.index_cast %rem3A_201 : i32 to index
        %get3A_452 = arith.index_cast %get3A_450 : i32 to index
        %get3A_453 = arith.constant 16 : index
        %get3A_454 = tpu.vector_load %arg8[%get3A_451, %get3A_452, %get3A_453] {strides = array<i32>} : memref<2x4x128xi32, #tpu.memory_space<vmem>>, vector<16xi32>,
        %broadcast_in_dim3A_455 = arith.constant true
        %broadcast_in_dim3A_456 = vector.broadcast %broadcast_in_dim3A_455 : i1 to vector<16xi1>
        %unique3A_457, %unique3A_458 = tpu.scan_count mask(%broadcast_in_dim3A_456 : vector<16xi1>) value(%get3A_454 : vector<16xi32>) : vector<16xi1>, vector<16xi32>
        %shift_right_logical3A_459 = arith.constant 7 : i32
        %shift_right_logical3A_460 = vector.broadcast %shift_right_logical3A_459 : i32 to vector<16xi32>
        %shift_right_logical3A_461 = arith.shrui %get3A_454, %shift_right_logical3A_460 : vector<16xi32>
        %and3A_462 = arith.constant 127 : i32
        %and3A_463 = vector.broadcast %and3A_462 : i32 to vector<16xi32>
        %and3A_464 = arith.andi %get3A_454, %and3A_463 : vector<16xi32>
        %convert_element_type3A_465 = arith.sitofp %unique3A_458 : vector<16xi32> to vector<16xf32>
        tpu.vector_store_idx %arg10[%shift_right_logical3A_461, %and3A_464], %convert_element_type3A_465 masked %unique3A_457 {add = true} : memref<80x128xf32, #tpu.memory_space<vmem>>[vector<16xi32>, vector<16xi32>], vector<16xf32>, vector<16xi1>
        %get3A_466 = arith.constant 0 : i32
        %get3A_467 = arith.index_cast %rem3A_201 : i32 to index
        %get3A_468 = arith.index_cast %get3A_466 : i32 to index
        %get3A_469 = arith.constant 32 : index
        %get3A_470 = tpu.vector_load %arg8[%get3A_467, %get3A_468, %get3A_469] {strides = array<i32>} : memref<2x4x128xi32, #tpu.memory_space<vmem>>, vector<16xi32>,
        %broadcast_in_dim3A_471 = arith.constant true
        %broadcast_in_dim3A_472 = vector.broadcast %broadcast_in_dim3A_471 : i1 to vector<16xi1>
        %unique3A_473, %unique3A_474 = tpu.scan_count mask(%broadcast_in_dim3A_472 : vector<16xi1>) value(%get3A_470 : vector<16xi32>) : vector<16xi1>, vector<16xi32>
        %shift_right_logical3A_475 = arith.constant 7 : i32
        %shift_right_logical3A_476 = vector.broadcast %shift_right_logical3A_475 : i32 to vector<16xi32>
        %shift_right_logical3A_477 = arith.shrui %get3A_470, %shift_right_logical3A_476 : vector<16xi32>
        %and3A_478 = arith.constant 127 : i32
        %and3A_479 = vector.broadcast %and3A_478 : i32 to vector<16xi32>
        %and3A_480 = arith.andi %get3A_470, %and3A_479 : vector<16xi32>
        %convert_element_type3A_481 = arith.sitofp %unique3A_474 : vector<16xi32> to vector<16xf32>
        tpu.vector_store_idx %arg10[%shift_right_logical3A_477, %and3A_480], %convert_element_type3A_481 masked %unique3A_473 {add = true} : memref<80x128xf32, #tpu.memory_space<vmem>>[vector<16xi32>, vector<16xi32>], vector<16xf32>, vector<16xi1>
        %get3A_482 = arith.constant 0 : i32
        %get3A_483 = arith.index_cast %rem3A_201 : i32 to index
        %get3A_484 = arith.index_cast %get3A_482 : i32 to index
        %get3A_485 = arith.constant 48 : index
        %get3A_486 = tpu.vector_load %arg8[%get3A_483, %get3A_484, %get3A_485] {strides = array<i32>} : memref<2x4x128xi32, #tpu.memory_space<vmem>>, vector<16xi32>,
        %broadcast_in_dim3A_487 = arith.constant true
        %broadcast_in_dim3A_488 = vector.broadcast %broadcast_in_dim3A_487 : i1 to vector<16xi1>
        %unique3A_489, %unique3A_490 = tpu.scan_count mask(%broadcast_in_dim3A_488 : vector<16xi1>) value(%get3A_486 : vector<16xi32>) : vector<16xi1>, vector<16xi32>
        %shift_right_logical3A_491 = arith.constant 7 : i32
        %shift_right_logical3A_492 = vector.broadcast %shift_right_logical3A_491 : i32 to vector<16xi32>
        %shift_right_logical3A_493 = arith.shrui %get3A_486, %shift_right_logical3A_492 : vector<16xi32>
        %and3A_494 = arith.constant 127 : i32
        %and3A_495 = vector.broadcast %and3A_494 : i32 to vector<16xi32>
        %and3A_496 = arith.andi %get3A_486, %and3A_495 : vector<16xi32>
        %convert_element_type3A_497 = arith.sitofp %unique3A_490 : vector<16xi32> to vector<16xf32>
        tpu.vector_store_idx %arg10[%shift_right_logical3A_493, %and3A_496], %convert_element_type3A_497 masked %unique3A_489 {add = true} : memref<80x128xf32, #tpu.memory_space<vmem>>[vector<16xi32>, vector<16xi32>], vector<16xf32>, vector<16xi1>
        %get3A_498 = arith.constant 0 : i32
        %get3A_499 = arith.index_cast %rem3A_201 : i32 to index
        %get3A_500 = arith.index_cast %get3A_498 : i32 to index
        %get3A_501 = arith.constant 64 : index
        %get3A_502 = tpu.vector_load %arg8[%get3A_499, %get3A_500, %get3A_501] {strides = array<i32>} : memref<2x4x128xi32, #tpu.memory_space<vmem>>, vector<16xi32>,
        %broadcast_in_dim3A_503 = arith.constant true
        %broadcast_in_dim3A_504 = vector.broadcast %broadcast_in_dim3A_503 : i1 to vector<16xi1>
        %unique3A_505, %unique3A_506 = tpu.scan_count mask(%broadcast_in_dim3A_504 : vector<16xi1>) value(%get3A_502 : vector<16xi32>) : vector<16xi1>, vector<16xi32>
        %shift_right_logical3A_507 = arith.constant 7 : i32
        %shift_right_logical3A_508 = vector.broadcast %shift_right_logical3A_507 : i32 to vector<16xi32>
        %shift_right_logical3A_509 = arith.shrui %get3A_502, %shift_right_logical3A_508 : vector<16xi32>
        %and3A_510 = arith.constant 127 : i32
        %and3A_511 = vector.broadcast %and3A_510 : i32 to vector<16xi32>
        %and3A_512 = arith.andi %get3A_502, %and3A_511 : vector<16xi32>
        %convert_element_type3A_513 = arith.sitofp %unique3A_506 : vector<16xi32> to vector<16xf32>
        tpu.vector_store_idx %arg10[%shift_right_logical3A_509, %and3A_512], %convert_element_type3A_513 masked %unique3A_505 {add = true} : memref<80x128xf32, #tpu.memory_space<vmem>>[vector<16xi32>, vector<16xi32>], vector<16xf32>, vector<16xi1>
        %get3A_514 = arith.constant 0 : i32
        %get3A_515 = arith.index_cast %rem3A_201 : i32 to index
        %get3A_516 = arith.index_cast %get3A_514 : i32 to index
        %get3A_517 = arith.constant 80 : index
        %get3A_518 = tpu.vector_load %arg8[%get3A_515, %get3A_516, %get3A_517] {strides = array<i32>} : memref<2x4x128xi32, #tpu.memory_space<vmem>>, vector<16xi32>,
        %broadcast_in_dim3A_519 = arith.constant true
        %broadcast_in_dim3A_520 = vector.broadcast %broadcast_in_dim3A_519 : i1 to vector<16xi1>
        %unique3A_521, %unique3A_522 = tpu.scan_count mask(%broadcast_in_dim3A_520 : vector<16xi1>) value(%get3A_518 : vector<16xi32>) : vector<16xi1>, vector<16xi32>
        %shift_right_logical3A_523 = arith.constant 7 : i32
        %shift_right_logical3A_524 = vector.broadcast %shift_right_logical3A_523 : i32 to vector<16xi32>
        %shift_right_logical3A_525 = arith.shrui %get3A_518, %shift_right_logical3A_524 : vector<16xi32>
        %and3A_526 = arith.constant 127 : i32
        %and3A_527 = vector.broadcast %and3A_526 : i32 to vector<16xi32>
        %and3A_528 = arith.andi %get3A_518, %and3A_527 : vector<16xi32>
        %convert_element_type3A_529 = arith.sitofp %unique3A_522 : vector<16xi32> to vector<16xf32>
        tpu.vector_store_idx %arg10[%shift_right_logical3A_525, %and3A_528], %convert_element_type3A_529 masked %unique3A_521 {add = true} : memref<80x128xf32, #tpu.memory_space<vmem>>[vector<16xi32>, vector<16xi32>], vector<16xf32>, vector<16xi1>
        %get3A_530 = arith.constant 0 : i32
        %get3A_531 = arith.index_cast %rem3A_201 : i32 to index
        %get3A_532 = arith.index_cast %get3A_530 : i32 to index
        %get3A_533 = arith.constant 96 : index
        %get3A_534 = tpu.vector_load %arg8[%get3A_531, %get3A_532, %get3A_533] {strides = array<i32>} : memref<2x4x128xi32, #tpu.memory_space<vmem>>, vector<16xi32>,
        %broadcast_in_dim3A_535 = arith.constant true
        %broadcast_in_dim3A_536 = vector.broadcast %broadcast_in_dim3A_535 : i1 to vector<16xi1>
        %unique3A_537, %unique3A_538 = tpu.scan_count mask(%broadcast_in_dim3A_536 : vector<16xi1>) value(%get3A_534 : vector<16xi32>) : vector<16xi1>, vector<16xi32>
        %shift_right_logical3A_539 = arith.constant 7 : i32
        %shift_right_logical3A_540 = vector.broadcast %shift_right_logical3A_539 : i32 to vector<16xi32>
        %shift_right_logical3A_541 = arith.shrui %get3A_534, %shift_right_logical3A_540 : vector<16xi32>
        %and3A_542 = arith.constant 127 : i32
        %and3A_543 = vector.broadcast %and3A_542 : i32 to vector<16xi32>
        %and3A_544 = arith.andi %get3A_534, %and3A_543 : vector<16xi32>
        %convert_element_type3A_545 = arith.sitofp %unique3A_538 : vector<16xi32> to vector<16xf32>
        tpu.vector_store_idx %arg10[%shift_right_logical3A_541, %and3A_544], %convert_element_type3A_545 masked %unique3A_537 {add = true} : memref<80x128xf32, #tpu.memory_space<vmem>>[vector<16xi32>, vector<16xi32>], vector<16xf32>, vector<16xi1>
        %get3A_546 = arith.constant 0 : i32
        %get3A_547 = arith.index_cast %rem3A_201 : i32 to index
        %get3A_548 = arith.index_cast %get3A_546 : i32 to index
        %get3A_549 = arith.constant 112 : index
        %get3A_550 = tpu.vector_load %arg8[%get3A_547, %get3A_548, %get3A_549] {strides = array<i32>} : memref<2x4x128xi32, #tpu.memory_space<vmem>>, vector<16xi32>,
        %broadcast_in_dim3A_551 = arith.constant true
        %broadcast_in_dim3A_552 = vector.broadcast %broadcast_in_dim3A_551 : i1 to vector<16xi1>
        %unique3A_553, %unique3A_554 = tpu.scan_count mask(%broadcast_in_dim3A_552 : vector<16xi1>) value(%get3A_550 : vector<16xi32>) : vector<16xi1>, vector<16xi32>
        %shift_right_logical3A_555 = arith.constant 7 : i32
        %shift_right_logical3A_556 = vector.broadcast %shift_right_logical3A_555 : i32 to vector<16xi32>
        %shift_right_logical3A_557 = arith.shrui %get3A_550, %shift_right_logical3A_556 : vector<16xi32>
        %and3A_558 = arith.constant 127 : i32
        %and3A_559 = vector.broadcast %and3A_558 : i32 to vector<16xi32>
        %and3A_560 = arith.andi %get3A_550, %and3A_559 : vector<16xi32>
        %convert_element_type3A_561 = arith.sitofp %unique3A_554 : vector<16xi32> to vector<16xf32>
        tpu.vector_store_idx %arg10[%shift_right_logical3A_557, %and3A_560], %convert_element_type3A_561 masked %unique3A_553 {add = true} : memref<80x128xf32, #tpu.memory_space<vmem>>[vector<16xi32>, vector<16xi32>], vector<16xf32>, vector<16xi1>
        %get3A_562 = arith.constant 1 : i32
        %get3A_563 = arith.index_cast %rem3A_201 : i32 to index
        %get3A_564 = arith.index_cast %get3A_562 : i32 to index
        %get3A_565 = arith.constant 0 : index
        %get3A_566 = tpu.vector_load %arg8[%get3A_563, %get3A_564, %get3A_565] {strides = array<i32>} : memref<2x4x128xi32, #tpu.memory_space<vmem>>, vector<16xi32>,
        %broadcast_in_dim3A_567 = arith.constant true
        %broadcast_in_dim3A_568 = vector.broadcast %broadcast_in_dim3A_567 : i1 to vector<16xi1>
        %unique3A_569, %unique3A_570 = tpu.scan_count mask(%broadcast_in_dim3A_568 : vector<16xi1>) value(%get3A_566 : vector<16xi32>) : vector<16xi1>, vector<16xi32>
        %shift_right_logical3A_571 = arith.constant 7 : i32
        %shift_right_logical3A_572 = vector.broadcast %shift_right_logical3A_571 : i32 to vector<16xi32>
        %shift_right_logical3A_573 = arith.shrui %get3A_566, %shift_right_logical3A_572 : vector<16xi32>
        %and3A_574 = arith.constant 127 : i32
        %and3A_575 = vector.broadcast %and3A_574 : i32 to vector<16xi32>
        %and3A_576 = arith.andi %get3A_566, %and3A_575 : vector<16xi32>
        %convert_element_type3A_577 = arith.sitofp %unique3A_570 : vector<16xi32> to vector<16xf32>
        tpu.vector_store_idx %arg10[%shift_right_logical3A_573, %and3A_576], %convert_element_type3A_577 masked %unique3A_569 {add = true} : memref<80x128xf32, #tpu.memory_space<vmem>>[vector<16xi32>, vector<16xi32>], vector<16xf32>, vector<16xi1>
        %get3A_578 = arith.constant 1 : i32
        %get3A_579 = arith.index_cast %rem3A_201 : i32 to index
        %get3A_580 = arith.index_cast %get3A_578 : i32 to index
        %get3A_581 = arith.constant 16 : index
        %get3A_582 = tpu.vector_load %arg8[%get3A_579, %get3A_580, %get3A_581] {strides = array<i32>} : memref<2x4x128xi32, #tpu.memory_space<vmem>>, vector<16xi32>,
        %broadcast_in_dim3A_583 = arith.constant true
        %broadcast_in_dim3A_584 = vector.broadcast %broadcast_in_dim3A_583 : i1 to vector<16xi1>
        %unique3A_585, %unique3A_586 = tpu.scan_count mask(%broadcast_in_dim3A_584 : vector<16xi1>) value(%get3A_582 : vector<16xi32>) : vector<16xi1>, vector<16xi32>
        %shift_right_logical3A_587 = arith.constant 7 : i32
        %shift_right_logical3A_588 = vector.broadcast %shift_right_logical3A_587 : i32 to vector<16xi32>
        %shift_right_logical3A_589 = arith.shrui %get3A_582, %shift_right_logical3A_588 : vector<16xi32>
        %and3A_590 = arith.constant 127 : i32
        %and3A_591 = vector.broadcast %and3A_590 : i32 to vector<16xi32>
        %and3A_592 = arith.andi %get3A_582, %and3A_591 : vector<16xi32>
        %convert_element_type3A_593 = arith.sitofp %unique3A_586 : vector<16xi32> to vector<16xf32>
        tpu.vector_store_idx %arg10[%shift_right_logical3A_589, %and3A_592], %convert_element_type3A_593 masked %unique3A_585 {add = true} : memref<80x128xf32, #tpu.memory_space<vmem>>[vector<16xi32>, vector<16xi32>], vector<16xf32>, vector<16xi1>
        %get3A_594 = arith.constant 1 : i32
        %get3A_595 = arith.index_cast %rem3A_201 : i32 to index
        %get3A_596 = arith.index_cast %get3A_594 : i32 to index
        %get3A_597 = arith.constant 32 : index
        %get3A_598 = tpu.vector_load %arg8[%get3A_595, %get3A_596, %get3A_597] {strides = array<i32>} : memref<2x4x128xi32, #tpu.memory_space<vmem>>, vector<16xi32>,
        %broadcast_in_dim3A_599 = arith.constant true
        %broadcast_in_dim3A_600 = vector.broadcast %broadcast_in_dim3A_599 : i1 to vector<16xi1>
        %unique3A_601, %unique3A_602 = tpu.scan_count mask(%broadcast_in_dim3A_600 : vector<16xi1>) value(%get3A_598 : vector<16xi32>) : vector<16xi1>, vector<16xi32>
        %shift_right_logical3A_603 = arith.constant 7 : i32
        %shift_right_logical3A_604 = vector.broadcast %shift_right_logical3A_603 : i32 to vector<16xi32>
        %shift_right_logical3A_605 = arith.shrui %get3A_598, %shift_right_logical3A_604 : vector<16xi32>
        %and3A_606 = arith.constant 127 : i32
        %and3A_607 = vector.broadcast %and3A_606 : i32 to vector<16xi32>
        %and3A_608 = arith.andi %get3A_598, %and3A_607 : vector<16xi32>
        %convert_element_type3A_609 = arith.sitofp %unique3A_602 : vector<16xi32> to vector<16xf32>
        tpu.vector_store_idx %arg10[%shift_right_logical3A_605, %and3A_608], %convert_element_type3A_609 masked %unique3A_601 {add = true} : memref<80x128xf32, #tpu.memory_space<vmem>>[vector<16xi32>, vector<16xi32>], vector<16xf32>, vector<16xi1>
        %get3A_610 = arith.constant 1 : i32
        %get3A_611 = arith.index_cast %rem3A_201 : i32 to index
        %get3A_612 = arith.index_cast %get3A_610 : i32 to index
        %get3A_613 = arith.constant 48 : index
        %get3A_614 = tpu.vector_load %arg8[%get3A_611, %get3A_612, %get3A_613] {strides = array<i32>} : memref<2x4x128xi32, #tpu.memory_space<vmem>>, vector<16xi32>,
        %broadcast_in_dim3A_615 = arith.constant true
        %broadcast_in_dim3A_616 = vector.broadcast %broadcast_in_dim3A_615 : i1 to vector<16xi1>
        %unique3A_617, %unique3A_618 = tpu.scan_count mask(%broadcast_in_dim3A_616 : vector<16xi1>) value(%get3A_614 : vector<16xi32>) : vector<16xi1>, vector<16xi32>
        %shift_right_logical3A_619 = arith.constant 7 : i32
        %shift_right_logical3A_620 = vector.broadcast %shift_right_logical3A_619 : i32 to vector<16xi32>
        %shift_right_logical3A_621 = arith.shrui %get3A_614, %shift_right_logical3A_620 : vector<16xi32>
        %and3A_622 = arith.constant 127 : i32
        %and3A_623 = vector.broadcast %and3A_622 : i32 to vector<16xi32>
        %and3A_624 = arith.andi %get3A_614, %and3A_623 : vector<16xi32>
        %convert_element_type3A_625 = arith.sitofp %unique3A_618 : vector<16xi32> to vector<16xf32>
        tpu.vector_store_idx %arg10[%shift_right_logical3A_621, %and3A_624], %convert_element_type3A_625 masked %unique3A_617 {add = true} : memref<80x128xf32, #tpu.memory_space<vmem>>[vector<16xi32>, vector<16xi32>], vector<16xf32>, vector<16xi1>
        %get3A_626 = arith.constant 1 : i32
        %get3A_627 = arith.index_cast %rem3A_201 : i32 to index
        %get3A_628 = arith.index_cast %get3A_626 : i32 to index
        %get3A_629 = arith.constant 64 : index
        %get3A_630 = tpu.vector_load %arg8[%get3A_627, %get3A_628, %get3A_629] {strides = array<i32>} : memref<2x4x128xi32, #tpu.memory_space<vmem>>, vector<16xi32>,
        %broadcast_in_dim3A_631 = arith.constant true
        %broadcast_in_dim3A_632 = vector.broadcast %broadcast_in_dim3A_631 : i1 to vector<16xi1>
        %unique3A_633, %unique3A_634 = tpu.scan_count mask(%broadcast_in_dim3A_632 : vector<16xi1>) value(%get3A_630 : vector<16xi32>) : vector<16xi1>, vector<16xi32>
        %shift_right_logical3A_635 = arith.constant 7 : i32
        %shift_right_logical3A_636 = vector.broadcast %shift_right_logical3A_635 : i32 to vector<16xi32>
        %shift_right_logical3A_637 = arith.shrui %get3A_630, %shift_right_logical3A_636 : vector<16xi32>
        %and3A_638 = arith.constant 127 : i32
        %and3A_639 = vector.broadcast %and3A_638 : i32 to vector<16xi32>
        %and3A_640 = arith.andi %get3A_630, %and3A_639 : vector<16xi32>
        %convert_element_type3A_641 = arith.sitofp %unique3A_634 : vector<16xi32> to vector<16xf32>
        tpu.vector_store_idx %arg10[%shift_right_logical3A_637, %and3A_640], %convert_element_type3A_641 masked %unique3A_633 {add = true} : memref<80x128xf32, #tpu.memory_space<vmem>>[vector<16xi32>, vector<16xi32>], vector<16xf32>, vector<16xi1>
        %get3A_642 = arith.constant 1 : i32
        %get3A_643 = arith.index_cast %rem3A_201 : i32 to index
        %get3A_644 = arith.index_cast %get3A_642 : i32 to index
        %get3A_645 = arith.constant 80 : index
        %get3A_646 = tpu.vector_load %arg8[%get3A_643, %get3A_644, %get3A_645] {strides = array<i32>} : memref<2x4x128xi32, #tpu.memory_space<vmem>>, vector<16xi32>,
        %broadcast_in_dim3A_647 = arith.constant true
        %broadcast_in_dim3A_648 = vector.broadcast %broadcast_in_dim3A_647 : i1 to vector<16xi1>
        %unique3A_649, %unique3A_650 = tpu.scan_count mask(%broadcast_in_dim3A_648 : vector<16xi1>) value(%get3A_646 : vector<16xi32>) : vector<16xi1>, vector<16xi32>
        %shift_right_logical3A_651 = arith.constant 7 : i32
        %shift_right_logical3A_652 = vector.broadcast %shift_right_logical3A_651 : i32 to vector<16xi32>
        %shift_right_logical3A_653 = arith.shrui %get3A_646, %shift_right_logical3A_652 : vector<16xi32>
        %and3A_654 = arith.constant 127 : i32
        %and3A_655 = vector.broadcast %and3A_654 : i32 to vector<16xi32>
        %and3A_656 = arith.andi %get3A_646, %and3A_655 : vector<16xi32>
        %convert_element_type3A_657 = arith.sitofp %unique3A_650 : vector<16xi32> to vector<16xf32>
        tpu.vector_store_idx %arg10[%shift_right_logical3A_653, %and3A_656], %convert_element_type3A_657 masked %unique3A_649 {add = true} : memref<80x128xf32, #tpu.memory_space<vmem>>[vector<16xi32>, vector<16xi32>], vector<16xf32>, vector<16xi1>
        %get3A_658 = arith.constant 1 : i32
        %get3A_659 = arith.index_cast %rem3A_201 : i32 to index
        %get3A_660 = arith.index_cast %get3A_658 : i32 to index
        %get3A_661 = arith.constant 96 : index
        %get3A_662 = tpu.vector_load %arg8[%get3A_659, %get3A_660, %get3A_661] {strides = array<i32>} : memref<2x4x128xi32, #tpu.memory_space<vmem>>, vector<16xi32>,
        %broadcast_in_dim3A_663 = arith.constant true
        %broadcast_in_dim3A_664 = vector.broadcast %broadcast_in_dim3A_663 : i1 to vector<16xi1>
        %unique3A_665, %unique3A_666 = tpu.scan_count mask(%broadcast_in_dim3A_664 : vector<16xi1>) value(%get3A_662 : vector<16xi32>) : vector<16xi1>, vector<16xi32>
        %shift_right_logical3A_667 = arith.constant 7 : i32
        %shift_right_logical3A_668 = vector.broadcast %shift_right_logical3A_667 : i32 to vector<16xi32>
        %shift_right_logical3A_669 = arith.shrui %get3A_662, %shift_right_logical3A_668 : vector<16xi32>
        %and3A_670 = arith.constant 127 : i32
        %and3A_671 = vector.broadcast %and3A_670 : i32 to vector<16xi32>
        %and3A_672 = arith.andi %get3A_662, %and3A_671 : vector<16xi32>
        %convert_element_type3A_673 = arith.sitofp %unique3A_666 : vector<16xi32> to vector<16xf32>
        tpu.vector_store_idx %arg10[%shift_right_logical3A_669, %and3A_672], %convert_element_type3A_673 masked %unique3A_665 {add = true} : memref<80x128xf32, #tpu.memory_space<vmem>>[vector<16xi32>, vector<16xi32>], vector<16xf32>, vector<16xi1>
        %get3A_674 = arith.constant 1 : i32
        %get3A_675 = arith.index_cast %rem3A_201 : i32 to index
        %get3A_676 = arith.index_cast %get3A_674 : i32 to index
        %get3A_677 = arith.constant 112 : index
        %get3A_678 = tpu.vector_load %arg8[%get3A_675, %get3A_676, %get3A_677] {strides = array<i32>} : memref<2x4x128xi32, #tpu.memory_space<vmem>>, vector<16xi32>,
        %broadcast_in_dim3A_679 = arith.constant true
        %broadcast_in_dim3A_680 = vector.broadcast %broadcast_in_dim3A_679 : i1 to vector<16xi1>
        %unique3A_681, %unique3A_682 = tpu.scan_count mask(%broadcast_in_dim3A_680 : vector<16xi1>) value(%get3A_678 : vector<16xi32>) : vector<16xi1>, vector<16xi32>
        %shift_right_logical3A_683 = arith.constant 7 : i32
        %shift_right_logical3A_684 = vector.broadcast %shift_right_logical3A_683 : i32 to vector<16xi32>
        %shift_right_logical3A_685 = arith.shrui %get3A_678, %shift_right_logical3A_684 : vector<16xi32>
        %and3A_686 = arith.constant 127 : i32
        %and3A_687 = vector.broadcast %and3A_686 : i32 to vector<16xi32>
        %and3A_688 = arith.andi %get3A_678, %and3A_687 : vector<16xi32>
        %convert_element_type3A_689 = arith.sitofp %unique3A_682 : vector<16xi32> to vector<16xf32>
        tpu.vector_store_idx %arg10[%shift_right_logical3A_685, %and3A_688], %convert_element_type3A_689 masked %unique3A_681 {add = true} : memref<80x128xf32, #tpu.memory_space<vmem>>[vector<16xi32>, vector<16xi32>], vector<16xf32>, vector<16xi1>
        %get3A_690 = arith.constant 2 : i32
        %get3A_691 = arith.index_cast %rem3A_201 : i32 to index
        %get3A_692 = arith.index_cast %get3A_690 : i32 to index
        %get3A_693 = arith.constant 0 : index
        %get3A_694 = tpu.vector_load %arg8[%get3A_691, %get3A_692, %get3A_693] {strides = array<i32>} : memref<2x4x128xi32, #tpu.memory_space<vmem>>, vector<16xi32>,
        %broadcast_in_dim3A_695 = arith.constant true
        %broadcast_in_dim3A_696 = vector.broadcast %broadcast_in_dim3A_695 : i1 to vector<16xi1>
        %unique3A_697, %unique3A_698 = tpu.scan_count mask(%broadcast_in_dim3A_696 : vector<16xi1>) value(%get3A_694 : vector<16xi32>) : vector<16xi1>, vector<16xi32>
        %shift_right_logical3A_699 = arith.constant 7 : i32
        %shift_right_logical3A_700 = vector.broadcast %shift_right_logical3A_699 : i32 to vector<16xi32>
        %shift_right_logical3A_701 = arith.shrui %get3A_694, %shift_right_logical3A_700 : vector<16xi32>
        %and3A_702 = arith.constant 127 : i32
        %and3A_703 = vector.broadcast %and3A_702 : i32 to vector<16xi32>
        %and3A_704 = arith.andi %get3A_694, %and3A_703 : vector<16xi32>
        %convert_element_type3A_705 = arith.sitofp %unique3A_698 : vector<16xi32> to vector<16xf32>
        tpu.vector_store_idx %arg10[%shift_right_logical3A_701, %and3A_704], %convert_element_type3A_705 masked %unique3A_697 {add = true} : memref<80x128xf32, #tpu.memory_space<vmem>>[vector<16xi32>, vector<16xi32>], vector<16xf32>, vector<16xi1>
        %get3A_706 = arith.constant 2 : i32
        %get3A_707 = arith.index_cast %rem3A_201 : i32 to index
        %get3A_708 = arith.index_cast %get3A_706 : i32 to index
        %get3A_709 = arith.constant 16 : index
        %get3A_710 = tpu.vector_load %arg8[%get3A_707, %get3A_708, %get3A_709] {strides = array<i32>} : memref<2x4x128xi32, #tpu.memory_space<vmem>>, vector<16xi32>,
        %broadcast_in_dim3A_711 = arith.constant true
        %broadcast_in_dim3A_712 = vector.broadcast %broadcast_in_dim3A_711 : i1 to vector<16xi1>
        %unique3A_713, %unique3A_714 = tpu.scan_count mask(%broadcast_in_dim3A_712 : vector<16xi1>) value(%get3A_710 : vector<16xi32>) : vector<16xi1>, vector<16xi32>
        %shift_right_logical3A_715 = arith.constant 7 : i32
        %shift_right_logical3A_716 = vector.broadcast %shift_right_logical3A_715 : i32 to vector<16xi32>
        %shift_right_logical3A_717 = arith.shrui %get3A_710, %shift_right_logical3A_716 : vector<16xi32>
        %and3A_718 = arith.constant 127 : i32
        %and3A_719 = vector.broadcast %and3A_718 : i32 to vector<16xi32>
        %and3A_720 = arith.andi %get3A_710, %and3A_719 : vector<16xi32>
        %convert_element_type3A_721 = arith.sitofp %unique3A_714 : vector<16xi32> to vector<16xf32>
        tpu.vector_store_idx %arg10[%shift_right_logical3A_717, %and3A_720], %convert_element_type3A_721 masked %unique3A_713 {add = true} : memref<80x128xf32, #tpu.memory_space<vmem>>[vector<16xi32>, vector<16xi32>], vector<16xf32>, vector<16xi1>
        %get3A_722 = arith.constant 2 : i32
        %get3A_723 = arith.index_cast %rem3A_201 : i32 to index
        %get3A_724 = arith.index_cast %get3A_722 : i32 to index
        %get3A_725 = arith.constant 32 : index
        %get3A_726 = tpu.vector_load %arg8[%get3A_723, %get3A_724, %get3A_725] {strides = array<i32>} : memref<2x4x128xi32, #tpu.memory_space<vmem>>, vector<16xi32>,
        %broadcast_in_dim3A_727 = arith.constant true
        %broadcast_in_dim3A_728 = vector.broadcast %broadcast_in_dim3A_727 : i1 to vector<16xi1>
        %unique3A_729, %unique3A_730 = tpu.scan_count mask(%broadcast_in_dim3A_728 : vector<16xi1>) value(%get3A_726 : vector<16xi32>) : vector<16xi1>, vector<16xi32>
        %shift_right_logical3A_731 = arith.constant 7 : i32
        %shift_right_logical3A_732 = vector.broadcast %shift_right_logical3A_731 : i32 to vector<16xi32>
        %shift_right_logical3A_733 = arith.shrui %get3A_726, %shift_right_logical3A_732 : vector<16xi32>
        %and3A_734 = arith.constant 127 : i32
        %and3A_735 = vector.broadcast %and3A_734 : i32 to vector<16xi32>
        %and3A_736 = arith.andi %get3A_726, %and3A_735 : vector<16xi32>
        %convert_element_type3A_737 = arith.sitofp %unique3A_730 : vector<16xi32> to vector<16xf32>
        tpu.vector_store_idx %arg10[%shift_right_logical3A_733, %and3A_736], %convert_element_type3A_737 masked %unique3A_729 {add = true} : memref<80x128xf32, #tpu.memory_space<vmem>>[vector<16xi32>, vector<16xi32>], vector<16xf32>, vector<16xi1>
        %get3A_738 = arith.constant 2 : i32
        %get3A_739 = arith.index_cast %rem3A_201 : i32 to index
        %get3A_740 = arith.index_cast %get3A_738 : i32 to index
        %get3A_741 = arith.constant 48 : index
        %get3A_742 = tpu.vector_load %arg8[%get3A_739, %get3A_740, %get3A_741] {strides = array<i32>} : memref<2x4x128xi32, #tpu.memory_space<vmem>>, vector<16xi32>,
        %broadcast_in_dim3A_743 = arith.constant true
        %broadcast_in_dim3A_744 = vector.broadcast %broadcast_in_dim3A_743 : i1 to vector<16xi1>
        %unique3A_745, %unique3A_746 = tpu.scan_count mask(%broadcast_in_dim3A_744 : vector<16xi1>) value(%get3A_742 : vector<16xi32>) : vector<16xi1>, vector<16xi32>
        %shift_right_logical3A_747 = arith.constant 7 : i32
        %shift_right_logical3A_748 = vector.broadcast %shift_right_logical3A_747 : i32 to vector<16xi32>
        %shift_right_logical3A_749 = arith.shrui %get3A_742, %shift_right_logical3A_748 : vector<16xi32>
        %and3A_750 = arith.constant 127 : i32
        %and3A_751 = vector.broadcast %and3A_750 : i32 to vector<16xi32>
        %and3A_752 = arith.andi %get3A_742, %and3A_751 : vector<16xi32>
        %convert_element_type3A_753 = arith.sitofp %unique3A_746 : vector<16xi32> to vector<16xf32>
        tpu.vector_store_idx %arg10[%shift_right_logical3A_749, %and3A_752], %convert_element_type3A_753 masked %unique3A_745 {add = true} : memref<80x128xf32, #tpu.memory_space<vmem>>[vector<16xi32>, vector<16xi32>], vector<16xf32>, vector<16xi1>
        %get3A_754 = arith.constant 2 : i32
        %get3A_755 = arith.index_cast %rem3A_201 : i32 to index
        %get3A_756 = arith.index_cast %get3A_754 : i32 to index
        %get3A_757 = arith.constant 64 : index
        %get3A_758 = tpu.vector_load %arg8[%get3A_755, %get3A_756, %get3A_757] {strides = array<i32>} : memref<2x4x128xi32, #tpu.memory_space<vmem>>, vector<16xi32>,
        %broadcast_in_dim3A_759 = arith.constant true
        %broadcast_in_dim3A_760 = vector.broadcast %broadcast_in_dim3A_759 : i1 to vector<16xi1>
        %unique3A_761, %unique3A_762 = tpu.scan_count mask(%broadcast_in_dim3A_760 : vector<16xi1>) value(%get3A_758 : vector<16xi32>) : vector<16xi1>, vector<16xi32>
        %shift_right_logical3A_763 = arith.constant 7 : i32
        %shift_right_logical3A_764 = vector.broadcast %shift_right_logical3A_763 : i32 to vector<16xi32>
        %shift_right_logical3A_765 = arith.shrui %get3A_758, %shift_right_logical3A_764 : vector<16xi32>
        %and3A_766 = arith.constant 127 : i32
        %and3A_767 = vector.broadcast %and3A_766 : i32 to vector<16xi32>
        %and3A_768 = arith.andi %get3A_758, %and3A_767 : vector<16xi32>
        %convert_element_type3A_769 = arith.sitofp %unique3A_762 : vector<16xi32> to vector<16xf32>
        tpu.vector_store_idx %arg10[%shift_right_logical3A_765, %and3A_768], %convert_element_type3A_769 masked %unique3A_761 {add = true} : memref<80x128xf32, #tpu.memory_space<vmem>>[vector<16xi32>, vector<16xi32>], vector<16xf32>, vector<16xi1>
        %get3A_770 = arith.constant 2 : i32
        %get3A_771 = arith.index_cast %rem3A_201 : i32 to index
        %get3A_772 = arith.index_cast %get3A_770 : i32 to index
        %get3A_773 = arith.constant 80 : index
        %get3A_774 = tpu.vector_load %arg8[%get3A_771, %get3A_772, %get3A_773] {strides = array<i32>} : memref<2x4x128xi32, #tpu.memory_space<vmem>>, vector<16xi32>,
        %broadcast_in_dim3A_775 = arith.constant true
        %broadcast_in_dim3A_776 = vector.broadcast %broadcast_in_dim3A_775 : i1 to vector<16xi1>
        %unique3A_777, %unique3A_778 = tpu.scan_count mask(%broadcast_in_dim3A_776 : vector<16xi1>) value(%get3A_774 : vector<16xi32>) : vector<16xi1>, vector<16xi32>
        %shift_right_logical3A_779 = arith.constant 7 : i32
        %shift_right_logical3A_780 = vector.broadcast %shift_right_logical3A_779 : i32 to vector<16xi32>
        %shift_right_logical3A_781 = arith.shrui %get3A_774, %shift_right_logical3A_780 : vector<16xi32>
        %and3A_782 = arith.constant 127 : i32
        %and3A_783 = vector.broadcast %and3A_782 : i32 to vector<16xi32>
        %and3A_784 = arith.andi %get3A_774, %and3A_783 : vector<16xi32>
        %convert_element_type3A_785 = arith.sitofp %unique3A_778 : vector<16xi32> to vector<16xf32>
        tpu.vector_store_idx %arg10[%shift_right_logical3A_781, %and3A_784], %convert_element_type3A_785 masked %unique3A_777 {add = true} : memref<80x128xf32, #tpu.memory_space<vmem>>[vector<16xi32>, vector<16xi32>], vector<16xf32>, vector<16xi1>
        %get3A_786 = arith.constant 2 : i32
        %get3A_787 = arith.index_cast %rem3A_201 : i32 to index
        %get3A_788 = arith.index_cast %get3A_786 : i32 to index
        %get3A_789 = arith.constant 96 : index
        %get3A_790 = tpu.vector_load %arg8[%get3A_787, %get3A_788, %get3A_789] {strides = array<i32>} : memref<2x4x128xi32, #tpu.memory_space<vmem>>, vector<16xi32>,
        %broadcast_in_dim3A_791 = arith.constant true
        %broadcast_in_dim3A_792 = vector.broadcast %broadcast_in_dim3A_791 : i1 to vector<16xi1>
        %unique3A_793, %unique3A_794 = tpu.scan_count mask(%broadcast_in_dim3A_792 : vector<16xi1>) value(%get3A_790 : vector<16xi32>) : vector<16xi1>, vector<16xi32>
        %shift_right_logical3A_795 = arith.constant 7 : i32
        %shift_right_logical3A_796 = vector.broadcast %shift_right_logical3A_795 : i32 to vector<16xi32>
        %shift_right_logical3A_797 = arith.shrui %get3A_790, %shift_right_logical3A_796 : vector<16xi32>
        %and3A_798 = arith.constant 127 : i32
        %and3A_799 = vector.broadcast %and3A_798 : i32 to vector<16xi32>
        %and3A_800 = arith.andi %get3A_790, %and3A_799 : vector<16xi32>
        %convert_element_type3A_801 = arith.sitofp %unique3A_794 : vector<16xi32> to vector<16xf32>
        tpu.vector_store_idx %arg10[%shift_right_logical3A_797, %and3A_800], %convert_element_type3A_801 masked %unique3A_793 {add = true} : memref<80x128xf32, #tpu.memory_space<vmem>>[vector<16xi32>, vector<16xi32>], vector<16xf32>, vector<16xi1>
        %get3A_802 = arith.constant 2 : i32
        %get3A_803 = arith.index_cast %rem3A_201 : i32 to index
        %get3A_804 = arith.index_cast %get3A_802 : i32 to index
        %get3A_805 = arith.constant 112 : index
        %get3A_806 = tpu.vector_load %arg8[%get3A_803, %get3A_804, %get3A_805] {strides = array<i32>} : memref<2x4x128xi32, #tpu.memory_space<vmem>>, vector<16xi32>,
        %broadcast_in_dim3A_807 = arith.constant true
        %broadcast_in_dim3A_808 = vector.broadcast %broadcast_in_dim3A_807 : i1 to vector<16xi1>
        %unique3A_809, %unique3A_810 = tpu.scan_count mask(%broadcast_in_dim3A_808 : vector<16xi1>) value(%get3A_806 : vector<16xi32>) : vector<16xi1>, vector<16xi32>
        %shift_right_logical3A_811 = arith.constant 7 : i32
        %shift_right_logical3A_812 = vector.broadcast %shift_right_logical3A_811 : i32 to vector<16xi32>
        %shift_right_logical3A_813 = arith.shrui %get3A_806, %shift_right_logical3A_812 : vector<16xi32>
        %and3A_814 = arith.constant 127 : i32
        %and3A_815 = vector.broadcast %and3A_814 : i32 to vector<16xi32>
        %and3A_816 = arith.andi %get3A_806, %and3A_815 : vector<16xi32>
        %convert_element_type3A_817 = arith.sitofp %unique3A_810 : vector<16xi32> to vector<16xf32>
        tpu.vector_store_idx %arg10[%shift_right_logical3A_813, %and3A_816], %convert_element_type3A_817 masked %unique3A_809 {add = true} : memref<80x128xf32, #tpu.memory_space<vmem>>[vector<16xi32>, vector<16xi32>], vector<16xf32>, vector<16xi1>
        %get3A_818 = arith.constant 3 : i32
        %get3A_819 = arith.index_cast %rem3A_201 : i32 to index
        %get3A_820 = arith.index_cast %get3A_818 : i32 to index
        %get3A_821 = arith.constant 0 : index
        %get3A_822 = tpu.vector_load %arg8[%get3A_819, %get3A_820, %get3A_821] {strides = array<i32>} : memref<2x4x128xi32, #tpu.memory_space<vmem>>, vector<16xi32>,
        %broadcast_in_dim3A_823 = arith.constant true
        %broadcast_in_dim3A_824 = vector.broadcast %broadcast_in_dim3A_823 : i1 to vector<16xi1>
        %unique3A_825, %unique3A_826 = tpu.scan_count mask(%broadcast_in_dim3A_824 : vector<16xi1>) value(%get3A_822 : vector<16xi32>) : vector<16xi1>, vector<16xi32>
        %shift_right_logical3A_827 = arith.constant 7 : i32
        %shift_right_logical3A_828 = vector.broadcast %shift_right_logical3A_827 : i32 to vector<16xi32>
        %shift_right_logical3A_829 = arith.shrui %get3A_822, %shift_right_logical3A_828 : vector<16xi32>
        %and3A_830 = arith.constant 127 : i32
        %and3A_831 = vector.broadcast %and3A_830 : i32 to vector<16xi32>
        %and3A_832 = arith.andi %get3A_822, %and3A_831 : vector<16xi32>
        %convert_element_type3A_833 = arith.sitofp %unique3A_826 : vector<16xi32> to vector<16xf32>
        tpu.vector_store_idx %arg10[%shift_right_logical3A_829, %and3A_832], %convert_element_type3A_833 masked %unique3A_825 {add = true} : memref<80x128xf32, #tpu.memory_space<vmem>>[vector<16xi32>, vector<16xi32>], vector<16xf32>, vector<16xi1>
        %get3A_834 = arith.constant 3 : i32
        %get3A_835 = arith.index_cast %rem3A_201 : i32 to index
        %get3A_836 = arith.index_cast %get3A_834 : i32 to index
        %get3A_837 = arith.constant 16 : index
        %get3A_838 = tpu.vector_load %arg8[%get3A_835, %get3A_836, %get3A_837] {strides = array<i32>} : memref<2x4x128xi32, #tpu.memory_space<vmem>>, vector<16xi32>,
        %broadcast_in_dim3A_839 = arith.constant true
        %broadcast_in_dim3A_840 = vector.broadcast %broadcast_in_dim3A_839 : i1 to vector<16xi1>
        %unique3A_841, %unique3A_842 = tpu.scan_count mask(%broadcast_in_dim3A_840 : vector<16xi1>) value(%get3A_838 : vector<16xi32>) : vector<16xi1>, vector<16xi32>
        %shift_right_logical3A_843 = arith.constant 7 : i32
        %shift_right_logical3A_844 = vector.broadcast %shift_right_logical3A_843 : i32 to vector<16xi32>
        %shift_right_logical3A_845 = arith.shrui %get3A_838, %shift_right_logical3A_844 : vector<16xi32>
        %and3A_846 = arith.constant 127 : i32
        %and3A_847 = vector.broadcast %and3A_846 : i32 to vector<16xi32>
        %and3A_848 = arith.andi %get3A_838, %and3A_847 : vector<16xi32>
        %convert_element_type3A_849 = arith.sitofp %unique3A_842 : vector<16xi32> to vector<16xf32>
        tpu.vector_store_idx %arg10[%shift_right_logical3A_845, %and3A_848], %convert_element_type3A_849 masked %unique3A_841 {add = true} : memref<80x128xf32, #tpu.memory_space<vmem>>[vector<16xi32>, vector<16xi32>], vector<16xf32>, vector<16xi1>
        %get3A_850 = arith.constant 3 : i32
        %get3A_851 = arith.index_cast %rem3A_201 : i32 to index
        %get3A_852 = arith.index_cast %get3A_850 : i32 to index
        %get3A_853 = arith.constant 32 : index
        %get3A_854 = tpu.vector_load %arg8[%get3A_851, %get3A_852, %get3A_853] {strides = array<i32>} : memref<2x4x128xi32, #tpu.memory_space<vmem>>, vector<16xi32>,
        %broadcast_in_dim3A_855 = arith.constant true
        %broadcast_in_dim3A_856 = vector.broadcast %broadcast_in_dim3A_855 : i1 to vector<16xi1>
        %unique3A_857, %unique3A_858 = tpu.scan_count mask(%broadcast_in_dim3A_856 : vector<16xi1>) value(%get3A_854 : vector<16xi32>) : vector<16xi1>, vector<16xi32>
        %shift_right_logical3A_859 = arith.constant 7 : i32
        %shift_right_logical3A_860 = vector.broadcast %shift_right_logical3A_859 : i32 to vector<16xi32>
        %shift_right_logical3A_861 = arith.shrui %get3A_854, %shift_right_logical3A_860 : vector<16xi32>
        %and3A_862 = arith.constant 127 : i32
        %and3A_863 = vector.broadcast %and3A_862 : i32 to vector<16xi32>
        %and3A_864 = arith.andi %get3A_854, %and3A_863 : vector<16xi32>
        %convert_element_type3A_865 = arith.sitofp %unique3A_858 : vector<16xi32> to vector<16xf32>
        tpu.vector_store_idx %arg10[%shift_right_logical3A_861, %and3A_864], %convert_element_type3A_865 masked %unique3A_857 {add = true} : memref<80x128xf32, #tpu.memory_space<vmem>>[vector<16xi32>, vector<16xi32>], vector<16xf32>, vector<16xi1>
        %get3A_866 = arith.constant 3 : i32
        %get3A_867 = arith.index_cast %rem3A_201 : i32 to index
        %get3A_868 = arith.index_cast %get3A_866 : i32 to index
        %get3A_869 = arith.constant 48 : index
        %get3A_870 = tpu.vector_load %arg8[%get3A_867, %get3A_868, %get3A_869] {strides = array<i32>} : memref<2x4x128xi32, #tpu.memory_space<vmem>>, vector<16xi32>,
        %broadcast_in_dim3A_871 = arith.constant true
        %broadcast_in_dim3A_872 = vector.broadcast %broadcast_in_dim3A_871 : i1 to vector<16xi1>
        %unique3A_873, %unique3A_874 = tpu.scan_count mask(%broadcast_in_dim3A_872 : vector<16xi1>) value(%get3A_870 : vector<16xi32>) : vector<16xi1>, vector<16xi32>
        %shift_right_logical3A_875 = arith.constant 7 : i32
        %shift_right_logical3A_876 = vector.broadcast %shift_right_logical3A_875 : i32 to vector<16xi32>
        %shift_right_logical3A_877 = arith.shrui %get3A_870, %shift_right_logical3A_876 : vector<16xi32>
        %and3A_878 = arith.constant 127 : i32
        %and3A_879 = vector.broadcast %and3A_878 : i32 to vector<16xi32>
        %and3A_880 = arith.andi %get3A_870, %and3A_879 : vector<16xi32>
        %convert_element_type3A_881 = arith.sitofp %unique3A_874 : vector<16xi32> to vector<16xf32>
        tpu.vector_store_idx %arg10[%shift_right_logical3A_877, %and3A_880], %convert_element_type3A_881 masked %unique3A_873 {add = true} : memref<80x128xf32, #tpu.memory_space<vmem>>[vector<16xi32>, vector<16xi32>], vector<16xf32>, vector<16xi1>
        %get3A_882 = arith.constant 3 : i32
        %get3A_883 = arith.index_cast %rem3A_201 : i32 to index
        %get3A_884 = arith.index_cast %get3A_882 : i32 to index
        %get3A_885 = arith.constant 64 : index
        %get3A_886 = tpu.vector_load %arg8[%get3A_883, %get3A_884, %get3A_885] {strides = array<i32>} : memref<2x4x128xi32, #tpu.memory_space<vmem>>, vector<16xi32>,
        %broadcast_in_dim3A_887 = arith.constant true
        %broadcast_in_dim3A_888 = vector.broadcast %broadcast_in_dim3A_887 : i1 to vector<16xi1>
        %unique3A_889, %unique3A_890 = tpu.scan_count mask(%broadcast_in_dim3A_888 : vector<16xi1>) value(%get3A_886 : vector<16xi32>) : vector<16xi1>, vector<16xi32>
        %shift_right_logical3A_891 = arith.constant 7 : i32
        %shift_right_logical3A_892 = vector.broadcast %shift_right_logical3A_891 : i32 to vector<16xi32>
        %shift_right_logical3A_893 = arith.shrui %get3A_886, %shift_right_logical3A_892 : vector<16xi32>
        %and3A_894 = arith.constant 127 : i32
        %and3A_895 = vector.broadcast %and3A_894 : i32 to vector<16xi32>
        %and3A_896 = arith.andi %get3A_886, %and3A_895 : vector<16xi32>
        %convert_element_type3A_897 = arith.sitofp %unique3A_890 : vector<16xi32> to vector<16xf32>
        tpu.vector_store_idx %arg10[%shift_right_logical3A_893, %and3A_896], %convert_element_type3A_897 masked %unique3A_889 {add = true} : memref<80x128xf32, #tpu.memory_space<vmem>>[vector<16xi32>, vector<16xi32>], vector<16xf32>, vector<16xi1>
        %get3A_898 = arith.constant 3 : i32
        %get3A_899 = arith.index_cast %rem3A_201 : i32 to index
        %get3A_900 = arith.index_cast %get3A_898 : i32 to index
        %get3A_901 = arith.constant 80 : index
        %get3A_902 = tpu.vector_load %arg8[%get3A_899, %get3A_900, %get3A_901] {strides = array<i32>} : memref<2x4x128xi32, #tpu.memory_space<vmem>>, vector<16xi32>,
        %broadcast_in_dim3A_903 = arith.constant true
        %broadcast_in_dim3A_904 = vector.broadcast %broadcast_in_dim3A_903 : i1 to vector<16xi1>
        %unique3A_905, %unique3A_906 = tpu.scan_count mask(%broadcast_in_dim3A_904 : vector<16xi1>) value(%get3A_902 : vector<16xi32>) : vector<16xi1>, vector<16xi32>
        %shift_right_logical3A_907 = arith.constant 7 : i32
        %shift_right_logical3A_908 = vector.broadcast %shift_right_logical3A_907 : i32 to vector<16xi32>
        %shift_right_logical3A_909 = arith.shrui %get3A_902, %shift_right_logical3A_908 : vector<16xi32>
        %and3A_910 = arith.constant 127 : i32
        %and3A_911 = vector.broadcast %and3A_910 : i32 to vector<16xi32>
        %and3A_912 = arith.andi %get3A_902, %and3A_911 : vector<16xi32>
        %convert_element_type3A_913 = arith.sitofp %unique3A_906 : vector<16xi32> to vector<16xf32>
        tpu.vector_store_idx %arg10[%shift_right_logical3A_909, %and3A_912], %convert_element_type3A_913 masked %unique3A_905 {add = true} : memref<80x128xf32, #tpu.memory_space<vmem>>[vector<16xi32>, vector<16xi32>], vector<16xf32>, vector<16xi1>
        %get3A_914 = arith.constant 3 : i32
        %get3A_915 = arith.index_cast %rem3A_201 : i32 to index
        %get3A_916 = arith.index_cast %get3A_914 : i32 to index
        %get3A_917 = arith.constant 96 : index
        %get3A_918 = tpu.vector_load %arg8[%get3A_915, %get3A_916, %get3A_917] {strides = array<i32>} : memref<2x4x128xi32, #tpu.memory_space<vmem>>, vector<16xi32>,
        %broadcast_in_dim3A_919 = arith.constant true
        %broadcast_in_dim3A_920 = vector.broadcast %broadcast_in_dim3A_919 : i1 to vector<16xi1>
        %unique3A_921, %unique3A_922 = tpu.scan_count mask(%broadcast_in_dim3A_920 : vector<16xi1>) value(%get3A_918 : vector<16xi32>) : vector<16xi1>, vector<16xi32>
        %shift_right_logical3A_923 = arith.constant 7 : i32
        %shift_right_logical3A_924 = vector.broadcast %shift_right_logical3A_923 : i32 to vector<16xi32>
        %shift_right_logical3A_925 = arith.shrui %get3A_918, %shift_right_logical3A_924 : vector<16xi32>
        %and3A_926 = arith.constant 127 : i32
        %and3A_927 = vector.broadcast %and3A_926 : i32 to vector<16xi32>
        %and3A_928 = arith.andi %get3A_918, %and3A_927 : vector<16xi32>
        %convert_element_type3A_929 = arith.sitofp %unique3A_922 : vector<16xi32> to vector<16xf32>
        tpu.vector_store_idx %arg10[%shift_right_logical3A_925, %and3A_928], %convert_element_type3A_929 masked %unique3A_921 {add = true} : memref<80x128xf32, #tpu.memory_space<vmem>>[vector<16xi32>, vector<16xi32>], vector<16xf32>, vector<16xi1>
        %get3A_930 = arith.constant 3 : i32
        %get3A_931 = arith.index_cast %rem3A_201 : i32 to index
        %get3A_932 = arith.index_cast %get3A_930 : i32 to index
        %get3A_933 = arith.constant 112 : index
        %get3A_934 = tpu.vector_load %arg8[%get3A_931, %get3A_932, %get3A_933] {strides = array<i32>} : memref<2x4x128xi32, #tpu.memory_space<vmem>>, vector<16xi32>,
        %broadcast_in_dim3A_935 = arith.constant true
        %broadcast_in_dim3A_936 = vector.broadcast %broadcast_in_dim3A_935 : i1 to vector<16xi1>
        %unique3A_937, %unique3A_938 = tpu.scan_count mask(%broadcast_in_dim3A_936 : vector<16xi1>) value(%get3A_934 : vector<16xi32>) : vector<16xi1>, vector<16xi32>
        %shift_right_logical3A_939 = arith.constant 7 : i32
        %shift_right_logical3A_940 = vector.broadcast %shift_right_logical3A_939 : i32 to vector<16xi32>
        %shift_right_logical3A_941 = arith.shrui %get3A_934, %shift_right_logical3A_940 : vector<16xi32>
        %and3A_942 = arith.constant 127 : i32
        %and3A_943 = vector.broadcast %and3A_942 : i32 to vector<16xi32>
        %and3A_944 = arith.andi %get3A_934, %and3A_943 : vector<16xi32>
        %convert_element_type3A_945 = arith.sitofp %unique3A_938 : vector<16xi32> to vector<16xf32>
        tpu.vector_store_idx %arg10[%shift_right_logical3A_941, %and3A_944], %convert_element_type3A_945 masked %unique3A_937 {add = true} : memref<80x128xf32, #tpu.memory_space<vmem>>[vector<16xi32>, vector<16xi32>], vector<16xf32>, vector<16xi1>
      } else {
      }
      %scan3A_438 = arith.constant 0 : i32
      scf.yield %scan3A_438 : i32
    }
    %scan3A_112 = arith.constant 40 : i32
    %dma_wait3A = arith.constant 0 : i32
    %dma_wait3A_113 = arith.constant 1 : i32
    %dma_wait3A_114 = arith.constant 0 : i32
    %dma_wait3A_115 = arith.constant 0 : i32
    %dma_wait3A_116 = arith.constant 0 : i32
    %dma_wait3A_117 = arith.constant 0 : i32
    %dma_wait3A_118 = tpu.memref_slice %arg9[%dma_wait3A, %dma_wait3A_116, %dma_wait3A_117] : memref<4x128x64xf32, #tpu.memory_space<vmem>> -> memref<1x128x64xf32, #tpu.memory_space<vmem>>
    %dma_wait3A_119 = tpu.memref_squeeze %dma_wait3A_118 : memref<1x128x64xf32, #tpu.memory_space<vmem>> -> memref<128x64xf32, #tpu.memory_space<vmem>>
    %dma_wait3A_120 = arith.constant 0 : i32
    %dma_wait3A_121 = tpu.memref_slice %arg8[%dma_wait3A_113, %dma_wait3A_114, %dma_wait3A_120] : memref<2x4x128xi32, #tpu.memory_space<vmem>> -> memref<1x1x128xi32, #tpu.memory_space<vmem>>
    %dma_wait3A_122 = tpu.memref_squeeze %dma_wait3A_121 : memref<1x1x128xi32, #tpu.memory_space<vmem>> -> memref<128xi32, #tpu.memory_space<vmem>>
    %dma_wait3A_123 = arith.constant 0 : i32
    %dma_wait3A_124 = arith.constant 0 : i32
    %dma_wait3A_125 = tpu.memref_slice %arg13[%dma_wait3A_123, %dma_wait3A_124] : memref<10112x64xf32, #tpu.memory_space<vmem_shared>> -> memref<10112x64xf32, #tpu.memory_space<vmem_shared>>
    %dma_wait3A_126 = tpu.memref_slice %arg16[%dma_wait3A_115] : memref<4x!tpu.dma_semaphore, #tpu.memory_space<semaphore_mem>> -> memref<1x!tpu.dma_semaphore, #tpu.memory_space<semaphore_mem>>
    %dma_wait3A_127 = tpu.memref_squeeze %dma_wait3A_126 : memref<1x!tpu.dma_semaphore, #tpu.memory_space<semaphore_mem>> -> memref<!tpu.dma_semaphore, #tpu.memory_space<semaphore_mem>>
    tpu.wait_indirect_dma semaphore(%dma_wait3A_127 : memref<!tpu.dma_semaphore, #tpu.memory_space<semaphore_mem>>) src(%dma_wait3A_119 : memref<128x64xf32, #tpu.memory_space<vmem>>) dst(%dma_wait3A_125 : memref<10112x64xf32, #tpu.memory_space<vmem_shared>>)
    %dma_wait3A_128 = arith.constant 1 : i32
    %dma_wait3A_129 = arith.constant 1 : i32
    %dma_wait3A_130 = arith.constant 1 : i32
    %dma_wait3A_131 = arith.constant 1 : i32
    %dma_wait3A_132 = arith.constant 0 : i32
    %dma_wait3A_133 = arith.constant 0 : i32
    %dma_wait3A_134 = tpu.memref_slice %arg9[%dma_wait3A_128, %dma_wait3A_132, %dma_wait3A_133] : memref<4x128x64xf32, #tpu.memory_space<vmem>> -> memref<1x128x64xf32, #tpu.memory_space<vmem>>
    %dma_wait3A_135 = tpu.memref_squeeze %dma_wait3A_134 : memref<1x128x64xf32, #tpu.memory_space<vmem>> -> memref<128x64xf32, #tpu.memory_space<vmem>>
    %dma_wait3A_136 = arith.constant 0 : i32
    %dma_wait3A_137 = tpu.memref_slice %arg8[%dma_wait3A_129, %dma_wait3A_130, %dma_wait3A_136] : memref<2x4x128xi32, #tpu.memory_space<vmem>> -> memref<1x1x128xi32, #tpu.memory_space<vmem>>
    %dma_wait3A_138 = tpu.memref_squeeze %dma_wait3A_137 : memref<1x1x128xi32, #tpu.memory_space<vmem>> -> memref<128xi32, #tpu.memory_space<vmem>>
    %dma_wait3A_139 = arith.constant 0 : i32
    %dma_wait3A_140 = arith.constant 0 : i32
    %dma_wait3A_141 = tpu.memref_slice %arg13[%dma_wait3A_139, %dma_wait3A_140] : memref<10112x64xf32, #tpu.memory_space<vmem_shared>> -> memref<10112x64xf32, #tpu.memory_space<vmem_shared>>
    %dma_wait3A_142 = tpu.memref_slice %arg16[%dma_wait3A_131] : memref<4x!tpu.dma_semaphore, #tpu.memory_space<semaphore_mem>> -> memref<1x!tpu.dma_semaphore, #tpu.memory_space<semaphore_mem>>
    %dma_wait3A_143 = tpu.memref_squeeze %dma_wait3A_142 : memref<1x!tpu.dma_semaphore, #tpu.memory_space<semaphore_mem>> -> memref<!tpu.dma_semaphore, #tpu.memory_space<semaphore_mem>>
    tpu.wait_indirect_dma semaphore(%dma_wait3A_143 : memref<!tpu.dma_semaphore, #tpu.memory_space<semaphore_mem>>) src(%dma_wait3A_135 : memref<128x64xf32, #tpu.memory_space<vmem>>) dst(%dma_wait3A_141 : memref<10112x64xf32, #tpu.memory_space<vmem_shared>>)
    %dma_wait3A_144 = arith.constant 2 : i32
    %dma_wait3A_145 = arith.constant 1 : i32
    %dma_wait3A_146 = arith.constant 2 : i32
    %dma_wait3A_147 = arith.constant 2 : i32
    %dma_wait3A_148 = arith.constant 0 : i32
    %dma_wait3A_149 = arith.constant 0 : i32
    %dma_wait3A_150 = tpu.memref_slice %arg9[%dma_wait3A_144, %dma_wait3A_148, %dma_wait3A_149] : memref<4x128x64xf32, #tpu.memory_space<vmem>> -> memref<1x128x64xf32, #tpu.memory_space<vmem>>
    %dma_wait3A_151 = tpu.memref_squeeze %dma_wait3A_150 : memref<1x128x64xf32, #tpu.memory_space<vmem>> -> memref<128x64xf32, #tpu.memory_space<vmem>>
    %dma_wait3A_152 = arith.constant 0 : i32
    %dma_wait3A_153 = tpu.memref_slice %arg8[%dma_wait3A_145, %dma_wait3A_146, %dma_wait3A_152] : memref<2x4x128xi32, #tpu.memory_space<vmem>> -> memref<1x1x128xi32, #tpu.memory_space<vmem>>
    %dma_wait3A_154 = tpu.memref_squeeze %dma_wait3A_153 : memref<1x1x128xi32, #tpu.memory_space<vmem>> -> memref<128xi32, #tpu.memory_space<vmem>>
    %dma_wait3A_155 = arith.constant 0 : i32
    %dma_wait3A_156 = arith.constant 0 : i32
    %dma_wait3A_157 = tpu.memref_slice %arg13[%dma_wait3A_155, %dma_wait3A_156] : memref<10112x64xf32, #tpu.memory_space<vmem_shared>> -> memref<10112x64xf32, #tpu.memory_space<vmem_shared>>
    %dma_wait3A_158 = tpu.memref_slice %arg16[%dma_wait3A_147] : memref<4x!tpu.dma_semaphore, #tpu.memory_space<semaphore_mem>> -> memref<1x!tpu.dma_semaphore, #tpu.memory_space<semaphore_mem>>
    %dma_wait3A_159 = tpu.memref_squeeze %dma_wait3A_158 : memref<1x!tpu.dma_semaphore, #tpu.memory_space<semaphore_mem>> -> memref<!tpu.dma_semaphore, #tpu.memory_space<semaphore_mem>>
    tpu.wait_indirect_dma semaphore(%dma_wait3A_159 : memref<!tpu.dma_semaphore, #tpu.memory_space<semaphore_mem>>) src(%dma_wait3A_151 : memref<128x64xf32, #tpu.memory_space<vmem>>) dst(%dma_wait3A_157 : memref<10112x64xf32, #tpu.memory_space<vmem_shared>>)
    %dma_wait3A_160 = arith.constant 3 : i32
    %dma_wait3A_161 = arith.constant 1 : i32
    %dma_wait3A_162 = arith.constant 3 : i32
    %dma_wait3A_163 = arith.constant 3 : i32
    %dma_wait3A_164 = arith.constant 0 : i32
    %dma_wait3A_165 = arith.constant 0 : i32
    %dma_wait3A_166 = tpu.memref_slice %arg9[%dma_wait3A_160, %dma_wait3A_164, %dma_wait3A_165] : memref<4x128x64xf32, #tpu.memory_space<vmem>> -> memref<1x128x64xf32, #tpu.memory_space<vmem>>
    %dma_wait3A_167 = tpu.memref_squeeze %dma_wait3A_166 : memref<1x128x64xf32, #tpu.memory_space<vmem>> -> memref<128x64xf32, #tpu.memory_space<vmem>>
    %dma_wait3A_168 = arith.constant 0 : i32
    %dma_wait3A_169 = tpu.memref_slice %arg8[%dma_wait3A_161, %dma_wait3A_162, %dma_wait3A_168] : memref<2x4x128xi32, #tpu.memory_space<vmem>> -> memref<1x1x128xi32, #tpu.memory_space<vmem>>
    %dma_wait3A_170 = tpu.memref_squeeze %dma_wait3A_169 : memref<1x1x128xi32, #tpu.memory_space<vmem>> -> memref<128xi32, #tpu.memory_space<vmem>>
    %dma_wait3A_171 = arith.constant 0 : i32
    %dma_wait3A_172 = arith.constant 0 : i32
    %dma_wait3A_173 = tpu.memref_slice %arg13[%dma_wait3A_171, %dma_wait3A_172] : memref<10112x64xf32, #tpu.memory_space<vmem_shared>> -> memref<10112x64xf32, #tpu.memory_space<vmem_shared>>
    %dma_wait3A_174 = tpu.memref_slice %arg16[%dma_wait3A_163] : memref<4x!tpu.dma_semaphore, #tpu.memory_space<semaphore_mem>> -> memref<1x!tpu.dma_semaphore, #tpu.memory_space<semaphore_mem>>
    %dma_wait3A_175 = tpu.memref_squeeze %dma_wait3A_174 : memref<1x!tpu.dma_semaphore, #tpu.memory_space<semaphore_mem>> -> memref<!tpu.dma_semaphore, #tpu.memory_space<semaphore_mem>>
    tpu.wait_indirect_dma semaphore(%dma_wait3A_175 : memref<!tpu.dma_semaphore, #tpu.memory_space<semaphore_mem>>) src(%dma_wait3A_167 : memref<128x64xf32, #tpu.memory_space<vmem>>) dst(%dma_wait3A_173 : memref<10112x64xf32, #tpu.memory_space<vmem_shared>>)
    "tpu.region"() ({
      %run_scoped3A_199 = tpu.sem_alloc : memref<!tpu.dma_semaphore, #tpu.memory_space<semaphore_mem>>
      %dma_start3A_200 = arith.constant 0 : i32
      %dma_start3A_201 = arith.constant 0 : i32
      %dma_start3A_202 = tpu.memref_slice %arg14[%dma_start3A_200, %dma_start3A_201] : memref<80x128xf32, #tpu.memory_space<vmem_shared>> -> memref<80x128xf32, #tpu.memory_space<vmem_shared>>
      tpu.enqueue_indirect_dma source(%arg10 : memref<80x128xf32, #tpu.memory_space<vmem>>) target(%dma_start3A_202 : memref<80x128xf32, #tpu.memory_space<vmem_shared>>) offsets(%arg11 : memref<80xi32, #tpu.memory_space<vmem>>) semaphore(%run_scoped3A_199 : memref<!tpu.dma_semaphore, #tpu.memory_space<semaphore_mem>>) {add = true}
      %dma_wait3A_203 = arith.constant 0 : i32
      %dma_wait3A_204 = arith.constant 0 : i32
      %dma_wait3A_205 = tpu.memref_slice %arg14[%dma_wait3A_203, %dma_wait3A_204] : memref<80x128xf32, #tpu.memory_space<vmem_shared>> -> memref<80x128xf32, #tpu.memory_space<vmem_shared>>
      tpu.wait_indirect_dma semaphore(%run_scoped3A_199 : memref<!tpu.dma_semaphore, #tpu.memory_space<semaphore_mem>>) src(%arg10 : memref<80x128xf32, #tpu.memory_space<vmem>>) dst(%dma_wait3A_205 : memref<80x128xf32, #tpu.memory_space<vmem_shared>>)
      tpu.yield
    }) : () -> ()
    %barrier3A_176 = arith.constant 0 : index
    tpu.barrier barrier_id(%barrier3A_176)
    %add3A_177 = arith.constant 0 : i32
    %add3A_178 = arith.addi %mul3A_0, %add3A_177 : i32
    %run_scoped3A_179 = arith.constant 0 : i32
    "tpu.region"() ({
      %run_scoped3A_199 = tpu.sem_alloc : memref<!tpu.dma_semaphore, #tpu.memory_space<semaphore_mem>>
      %dma_start3A_200 = arith.constant 0 : i32
      %dma_start3A_201 = arith.constant 0 : i32
      %dma_start3A_202 = tpu.memref_slice %arg9[%run_scoped3A_179, %dma_start3A_200, %dma_start3A_201] : memref<4x128x64xf32, #tpu.memory_space<vmem>> -> memref<1x128x64xf32, #tpu.memory_space<vmem>>
      %dma_start3A_203 = tpu.memref_squeeze %dma_start3A_202 : memref<1x128x64xf32, #tpu.memory_space<vmem>> -> memref<128x64xf32, #tpu.memory_space<vmem>>
      %dma_start3A_204 = arith.constant 0 : i32
      %dma_start3A_205 = tpu.memref_slice %arg13[%add3A_178, %dma_start3A_204] : memref<10112x64xf32, #tpu.memory_space<vmem_shared>> -> memref<128x64xf32, #tpu.memory_space<vmem_shared>>
      %dma_start3A_206 = arith.constant 0 : i32
      %dma_start3A_207 = arith.constant 0 : i32
      %dma_start3A_208 = tpu.memref_slice %arg9[%run_scoped3A_179, %dma_start3A_206, %dma_start3A_207] : memref<4x128x64xf32, #tpu.memory_space<vmem>> -> memref<1x128x64xf32, #tpu.memory_space<vmem>>
      %dma_start3A_209 = tpu.memref_squeeze %dma_start3A_208 : memref<1x128x64xf32, #tpu.memory_space<vmem>> -> memref<128x64xf32, #tpu.memory_space<vmem>>
      %dma_start3A_210 = arith.constant 0 : i32
      %dma_start3A_211 = tpu.memref_slice %arg13[%add3A_178, %dma_start3A_210] : memref<10112x64xf32, #tpu.memory_space<vmem_shared>> -> memref<128x64xf32, #tpu.memory_space<vmem_shared>>
      tpu.enqueue_dma source(%dma_start3A_211 : memref<128x64xf32, #tpu.memory_space<vmem_shared>>) target(%dma_start3A_209 : memref<128x64xf32, #tpu.memory_space<vmem>>) target_semaphore(%run_scoped3A_199 : memref<!tpu.dma_semaphore, #tpu.memory_space<semaphore_mem>>)
      %dma_wait3A_212 = arith.constant 0 : i32
      %dma_wait3A_213 = arith.constant 0 : i32
      %dma_wait3A_214 = tpu.memref_slice %arg9[%run_scoped3A_179, %dma_wait3A_212, %dma_wait3A_213] : memref<4x128x64xf32, #tpu.memory_space<vmem>> -> memref<1x128x64xf32, #tpu.memory_space<vmem>>
      %dma_wait3A_215 = tpu.memref_squeeze %dma_wait3A_214 : memref<1x128x64xf32, #tpu.memory_space<vmem>> -> memref<128x64xf32, #tpu.memory_space<vmem>>
      %dma_wait3A_216 = arith.constant 0 : i32
      %dma_wait3A_217 = tpu.memref_slice %arg13[%add3A_178, %dma_wait3A_216] : memref<10112x64xf32, #tpu.memory_space<vmem_shared>> -> memref<128x64xf32, #tpu.memory_space<vmem_shared>>
      %dma_wait3A_218 = arith.constant 0 : i32
      %dma_wait3A_219 = arith.constant 0 : i32
      %dma_wait3A_220 = tpu.memref_slice %arg9[%run_scoped3A_179, %dma_wait3A_218, %dma_wait3A_219] : memref<4x128x64xf32, #tpu.memory_space<vmem>> -> memref<1x128x64xf32, #tpu.memory_space<vmem>>
      %dma_wait3A_221 = tpu.memref_squeeze %dma_wait3A_220 : memref<1x128x64xf32, #tpu.memory_space<vmem>> -> memref<128x64xf32, #tpu.memory_space<vmem>>
      %dma_wait3A_222 = arith.constant 0 : i32
      %dma_wait3A_223 = tpu.memref_slice %arg13[%add3A_178, %dma_wait3A_222] : memref<10112x64xf32, #tpu.memory_space<vmem_shared>> -> memref<128x64xf32, #tpu.memory_space<vmem_shared>>
      tpu.wait_dma2 semaphore(%run_scoped3A_199 : memref<!tpu.dma_semaphore, #tpu.memory_space<semaphore_mem>>) src(%dma_wait3A_223 : memref<128x64xf32, #tpu.memory_space<vmem_shared>>) dst(%dma_wait3A_221 : memref<128x64xf32, #tpu.memory_space<vmem>>)
      tpu.yield
    }) : () -> ()
    %run_scoped3A_180 = arith.constant 0 : i32
    "tpu.region"() ({
      %run_scoped3A_199 = tpu.sem_alloc : memref<!tpu.dma_semaphore, #tpu.memory_space<semaphore_mem>>
      %dma_start3A_200 = arith.constant 0 : i32
      %dma_start3A_201 = arith.constant 0 : i32
      %dma_start3A_202 = tpu.memref_slice %arg9[%run_scoped3A_180, %dma_start3A_200, %dma_start3A_201] : memref<4x128x64xf32, #tpu.memory_space<vmem>> -> memref<1x128x64xf32, #tpu.memory_space<vmem>>
      %dma_start3A_203 = tpu.memref_squeeze %dma_start3A_202 : memref<1x128x64xf32, #tpu.memory_space<vmem>> -> memref<128x64xf32, #tpu.memory_space<vmem>>
      %dma_start3A_204 = arith.constant 0 : i32
      %dma_start3A_205 = tpu.memref_slice %arg5[%arg0, %add3A_178, %dma_start3A_204] : memref<2x10112x64xf32, #tpu.memory_space<hbm>> -> memref<1x128x64xf32, #tpu.memory_space<hbm>>
      %dma_start3A_206 = tpu.memref_squeeze %dma_start3A_205 : memref<1x128x64xf32, #tpu.memory_space<hbm>> -> memref<128x64xf32, #tpu.memory_space<hbm>>
      %dma_start3A_207 = arith.constant 0 : i32
      %dma_start3A_208 = tpu.memref_slice %arg5[%arg0, %add3A_178, %dma_start3A_207] : memref<2x10112x64xf32, #tpu.memory_space<hbm>> -> memref<1x128x64xf32, #tpu.memory_space<hbm>>
      %dma_start3A_209 = tpu.memref_squeeze %dma_start3A_208 : memref<1x128x64xf32, #tpu.memory_space<hbm>> -> memref<128x64xf32, #tpu.memory_space<hbm>>
      %dma_start3A_210 = arith.constant 0 : i32
      %dma_start3A_211 = arith.constant 0 : i32
      %dma_start3A_212 = tpu.memref_slice %arg9[%run_scoped3A_180, %dma_start3A_210, %dma_start3A_211] : memref<4x128x64xf32, #tpu.memory_space<vmem>> -> memref<1x128x64xf32, #tpu.memory_space<vmem>>
      %dma_start3A_213 = tpu.memref_squeeze %dma_start3A_212 : memref<1x128x64xf32, #tpu.memory_space<vmem>> -> memref<128x64xf32, #tpu.memory_space<vmem>>
      tpu.enqueue_dma source(%dma_start3A_213 : memref<128x64xf32, #tpu.memory_space<vmem>>) target(%dma_start3A_209 : memref<128x64xf32, #tpu.memory_space<hbm>>) target_semaphore(%run_scoped3A_199 : memref<!tpu.dma_semaphore, #tpu.memory_space<semaphore_mem>>)
      %dma_wait3A_214 = arith.constant 0 : i32
      %dma_wait3A_215 = arith.constant 0 : i32
      %dma_wait3A_216 = tpu.memref_slice %arg9[%run_scoped3A_180, %dma_wait3A_214, %dma_wait3A_215] : memref<4x128x64xf32, #tpu.memory_space<vmem>> -> memref<1x128x64xf32, #tpu.memory_space<vmem>>
      %dma_wait3A_217 = tpu.memref_squeeze %dma_wait3A_216 : memref<1x128x64xf32, #tpu.memory_space<vmem>> -> memref<128x64xf32, #tpu.memory_space<vmem>>
      %dma_wait3A_218 = arith.constant 0 : i32
      %dma_wait3A_219 = tpu.memref_slice %arg5[%arg0, %add3A_178, %dma_wait3A_218] : memref<2x10112x64xf32, #tpu.memory_space<hbm>> -> memref<1x128x64xf32, #tpu.memory_space<hbm>>
      %dma_wait3A_220 = tpu.memref_squeeze %dma_wait3A_219 : memref<1x128x64xf32, #tpu.memory_space<hbm>> -> memref<128x64xf32, #tpu.memory_space<hbm>>
      %dma_wait3A_221 = arith.constant 0 : i32
      %dma_wait3A_222 = tpu.memref_slice %arg5[%arg0, %add3A_178, %dma_wait3A_221] : memref<2x10112x64xf32, #tpu.memory_space<hbm>> -> memref<1x128x64xf32, #tpu.memory_space<hbm>>
      %dma_wait3A_223 = tpu.memref_squeeze %dma_wait3A_222 : memref<1x128x64xf32, #tpu.memory_space<hbm>> -> memref<128x64xf32, #tpu.memory_space<hbm>>
      %dma_wait3A_224 = arith.constant 0 : i32
      %dma_wait3A_225 = arith.constant 0 : i32
      %dma_wait3A_226 = tpu.memref_slice %arg9[%run_scoped3A_180, %dma_wait3A_224, %dma_wait3A_225] : memref<4x128x64xf32, #tpu.memory_space<vmem>> -> memref<1x128x64xf32, #tpu.memory_space<vmem>>
      %dma_wait3A_227 = tpu.memref_squeeze %dma_wait3A_226 : memref<1x128x64xf32, #tpu.memory_space<vmem>> -> memref<128x64xf32, #tpu.memory_space<vmem>>
      tpu.wait_dma2 semaphore(%run_scoped3A_199 : memref<!tpu.dma_semaphore, #tpu.memory_space<semaphore_mem>>) src(%dma_wait3A_227 : memref<128x64xf32, #tpu.memory_space<vmem>>) dst(%dma_wait3A_223 : memref<128x64xf32, #tpu.memory_space<hbm>>)
      tpu.yield
    }) : () -> ()
    %add3A_181 = arith.constant 128 : i32
    %add3A_182 = arith.addi %mul3A_0, %add3A_181 : i32
    %run_scoped3A_183 = arith.constant 0 : i32
    "tpu.region"() ({
      %run_scoped3A_199 = tpu.sem_alloc : memref<!tpu.dma_semaphore, #tpu.memory_space<semaphore_mem>>
      %dma_start3A_200 = arith.constant 0 : i32
      %dma_start3A_201 = arith.constant 0 : i32
      %dma_start3A_202 = tpu.memref_slice %arg9[%run_scoped3A_183, %dma_start3A_200, %dma_start3A_201] : memref<4x128x64xf32, #tpu.memory_space<vmem>> -> memref<1x128x64xf32, #tpu.memory_space<vmem>>
      %dma_start3A_203 = tpu.memref_squeeze %dma_start3A_202 : memref<1x128x64xf32, #tpu.memory_space<vmem>> -> memref<128x64xf32, #tpu.memory_space<vmem>>
      %dma_start3A_204 = arith.constant 0 : i32
      %dma_start3A_205 = tpu.memref_slice %arg13[%add3A_182, %dma_start3A_204] : memref<10112x64xf32, #tpu.memory_space<vmem_shared>> -> memref<128x64xf32, #tpu.memory_space<vmem_shared>>
      %dma_start3A_206 = arith.constant 0 : i32
      %dma_start3A_207 = arith.constant 0 : i32
      %dma_start3A_208 = tpu.memref_slice %arg9[%run_scoped3A_183, %dma_start3A_206, %dma_start3A_207] : memref<4x128x64xf32, #tpu.memory_space<vmem>> -> memref<1x128x64xf32, #tpu.memory_space<vmem>>
      %dma_start3A_209 = tpu.memref_squeeze %dma_start3A_208 : memref<1x128x64xf32, #tpu.memory_space<vmem>> -> memref<128x64xf32, #tpu.memory_space<vmem>>
      %dma_start3A_210 = arith.constant 0 : i32
      %dma_start3A_211 = tpu.memref_slice %arg13[%add3A_182, %dma_start3A_210] : memref<10112x64xf32, #tpu.memory_space<vmem_shared>> -> memref<128x64xf32, #tpu.memory_space<vmem_shared>>
      tpu.enqueue_dma source(%dma_start3A_211 : memref<128x64xf32, #tpu.memory_space<vmem_shared>>) target(%dma_start3A_209 : memref<128x64xf32, #tpu.memory_space<vmem>>) target_semaphore(%run_scoped3A_199 : memref<!tpu.dma_semaphore, #tpu.memory_space<semaphore_mem>>)
      %dma_wait3A_212 = arith.constant 0 : i32
      %dma_wait3A_213 = arith.constant 0 : i32
      %dma_wait3A_214 = tpu.memref_slice %arg9[%run_scoped3A_183, %dma_wait3A_212, %dma_wait3A_213] : memref<4x128x64xf32, #tpu.memory_space<vmem>> -> memref<1x128x64xf32, #tpu.memory_space<vmem>>
      %dma_wait3A_215 = tpu.memref_squeeze %dma_wait3A_214 : memref<1x128x64xf32, #tpu.memory_space<vmem>> -> memref<128x64xf32, #tpu.memory_space<vmem>>
      %dma_wait3A_216 = arith.constant 0 : i32
      %dma_wait3A_217 = tpu.memref_slice %arg13[%add3A_182, %dma_wait3A_216] : memref<10112x64xf32, #tpu.memory_space<vmem_shared>> -> memref<128x64xf32, #tpu.memory_space<vmem_shared>>
      %dma_wait3A_218 = arith.constant 0 : i32
      %dma_wait3A_219 = arith.constant 0 : i32
      %dma_wait3A_220 = tpu.memref_slice %arg9[%run_scoped3A_183, %dma_wait3A_218, %dma_wait3A_219] : memref<4x128x64xf32, #tpu.memory_space<vmem>> -> memref<1x128x64xf32, #tpu.memory_space<vmem>>
      %dma_wait3A_221 = tpu.memref_squeeze %dma_wait3A_220 : memref<1x128x64xf32, #tpu.memory_space<vmem>> -> memref<128x64xf32, #tpu.memory_space<vmem>>
      %dma_wait3A_222 = arith.constant 0 : i32
      %dma_wait3A_223 = tpu.memref_slice %arg13[%add3A_182, %dma_wait3A_222] : memref<10112x64xf32, #tpu.memory_space<vmem_shared>> -> memref<128x64xf32, #tpu.memory_space<vmem_shared>>
      tpu.wait_dma2 semaphore(%run_scoped3A_199 : memref<!tpu.dma_semaphore, #tpu.memory_space<semaphore_mem>>) src(%dma_wait3A_223 : memref<128x64xf32, #tpu.memory_space<vmem_shared>>) dst(%dma_wait3A_221 : memref<128x64xf32, #tpu.memory_space<vmem>>)
      tpu.yield
    }) : () -> ()
    %run_scoped3A_184 = arith.constant 0 : i32
    "tpu.region"() ({
      %run_scoped3A_199 = tpu.sem_alloc : memref<!tpu.dma_semaphore, #tpu.memory_space<semaphore_mem>>
      %dma_start3A_200 = arith.constant 0 : i32
      %dma_start3A_201 = arith.constant 0 : i32
      %dma_start3A_202 = tpu.memref_slice %arg9[%run_scoped3A_184, %dma_start3A_200, %dma_start3A_201] : memref<4x128x64xf32, #tpu.memory_space<vmem>> -> memref<1x128x64xf32, #tpu.memory_space<vmem>>
      %dma_start3A_203 = tpu.memref_squeeze %dma_start3A_202 : memref<1x128x64xf32, #tpu.memory_space<vmem>> -> memref<128x64xf32, #tpu.memory_space<vmem>>
      %dma_start3A_204 = arith.constant 0 : i32
      %dma_start3A_205 = tpu.memref_slice %arg5[%arg0, %add3A_182, %dma_start3A_204] : memref<2x10112x64xf32, #tpu.memory_space<hbm>> -> memref<1x128x64xf32, #tpu.memory_space<hbm>>
      %dma_start3A_206 = tpu.memref_squeeze %dma_start3A_205 : memref<1x128x64xf32, #tpu.memory_space<hbm>> -> memref<128x64xf32, #tpu.memory_space<hbm>>
      %dma_start3A_207 = arith.constant 0 : i32
      %dma_start3A_208 = tpu.memref_slice %arg5[%arg0, %add3A_182, %dma_start3A_207] : memref<2x10112x64xf32, #tpu.memory_space<hbm>> -> memref<1x128x64xf32, #tpu.memory_space<hbm>>
      %dma_start3A_209 = tpu.memref_squeeze %dma_start3A_208 : memref<1x128x64xf32, #tpu.memory_space<hbm>> -> memref<128x64xf32, #tpu.memory_space<hbm>>
      %dma_start3A_210 = arith.constant 0 : i32
      %dma_start3A_211 = arith.constant 0 : i32
      %dma_start3A_212 = tpu.memref_slice %arg9[%run_scoped3A_184, %dma_start3A_210, %dma_start3A_211] : memref<4x128x64xf32, #tpu.memory_space<vmem>> -> memref<1x128x64xf32, #tpu.memory_space<vmem>>
      %dma_start3A_213 = tpu.memref_squeeze %dma_start3A_212 : memref<1x128x64xf32, #tpu.memory_space<vmem>> -> memref<128x64xf32, #tpu.memory_space<vmem>>
      tpu.enqueue_dma source(%dma_start3A_213 : memref<128x64xf32, #tpu.memory_space<vmem>>) target(%dma_start3A_209 : memref<128x64xf32, #tpu.memory_space<hbm>>) target_semaphore(%run_scoped3A_199 : memref<!tpu.dma_semaphore, #tpu.memory_space<semaphore_mem>>)
      %dma_wait3A_214 = arith.constant 0 : i32
      %dma_wait3A_215 = arith.constant 0 : i32
      %dma_wait3A_216 = tpu.memref_slice %arg9[%run_scoped3A_184, %dma_wait3A_214, %dma_wait3A_215] : memref<4x128x64xf32, #tpu.memory_space<vmem>> -> memref<1x128x64xf32, #tpu.memory_space<vmem>>
      %dma_wait3A_217 = tpu.memref_squeeze %dma_wait3A_216 : memref<1x128x64xf32, #tpu.memory_space<vmem>> -> memref<128x64xf32, #tpu.memory_space<vmem>>
      %dma_wait3A_218 = arith.constant 0 : i32
      %dma_wait3A_219 = tpu.memref_slice %arg5[%arg0, %add3A_182, %dma_wait3A_218] : memref<2x10112x64xf32, #tpu.memory_space<hbm>> -> memref<1x128x64xf32, #tpu.memory_space<hbm>>
      %dma_wait3A_220 = tpu.memref_squeeze %dma_wait3A_219 : memref<1x128x64xf32, #tpu.memory_space<hbm>> -> memref<128x64xf32, #tpu.memory_space<hbm>>
      %dma_wait3A_221 = arith.constant 0 : i32
      %dma_wait3A_222 = tpu.memref_slice %arg5[%arg0, %add3A_182, %dma_wait3A_221] : memref<2x10112x64xf32, #tpu.memory_space<hbm>> -> memref<1x128x64xf32, #tpu.memory_space<hbm>>
      %dma_wait3A_223 = tpu.memref_squeeze %dma_wait3A_222 : memref<1x128x64xf32, #tpu.memory_space<hbm>> -> memref<128x64xf32, #tpu.memory_space<hbm>>
      %dma_wait3A_224 = arith.constant 0 : i32
      %dma_wait3A_225 = arith.constant 0 : i32
      %dma_wait3A_226 = tpu.memref_slice %arg9[%run_scoped3A_184, %dma_wait3A_224, %dma_wait3A_225] : memref<4x128x64xf32, #tpu.memory_space<vmem>> -> memref<1x128x64xf32, #tpu.memory_space<vmem>>
      %dma_wait3A_227 = tpu.memref_squeeze %dma_wait3A_226 : memref<1x128x64xf32, #tpu.memory_space<vmem>> -> memref<128x64xf32, #tpu.memory_space<vmem>>
      tpu.wait_dma2 semaphore(%run_scoped3A_199 : memref<!tpu.dma_semaphore, #tpu.memory_space<semaphore_mem>>) src(%dma_wait3A_227 : memref<128x64xf32, #tpu.memory_space<vmem>>) dst(%dma_wait3A_223 : memref<128x64xf32, #tpu.memory_space<hbm>>)
      tpu.yield
    }) : () -> ()
    %add3A_185 = arith.constant 256 : i32
    %add3A_186 = arith.addi %mul3A_0, %add3A_185 : i32
    %run_scoped3A_187 = arith.constant 0 : i32
    "tpu.region"() ({
      %run_scoped3A_199 = tpu.sem_alloc : memref<!tpu.dma_semaphore, #tpu.memory_space<semaphore_mem>>
      %dma_start3A_200 = arith.constant 0 : i32
      %dma_start3A_201 = arith.constant 0 : i32
      %dma_start3A_202 = tpu.memref_slice %arg9[%run_scoped3A_187, %dma_start3A_200, %dma_start3A_201] : memref<4x128x64xf32, #tpu.memory_space<vmem>> -> memref<1x128x64xf32, #tpu.memory_space<vmem>>
      %dma_start3A_203 = tpu.memref_squeeze %dma_start3A_202 : memref<1x128x64xf32, #tpu.memory_space<vmem>> -> memref<128x64xf32, #tpu.memory_space<vmem>>
      %dma_start3A_204 = arith.constant 0 : i32
      %dma_start3A_205 = tpu.memref_slice %arg13[%add3A_186, %dma_start3A_204] : memref<10112x64xf32, #tpu.memory_space<vmem_shared>> -> memref<128x64xf32, #tpu.memory_space<vmem_shared>>
      %dma_start3A_206 = arith.constant 0 : i32
      %dma_start3A_207 = arith.constant 0 : i32
      %dma_start3A_208 = tpu.memref_slice %arg9[%run_scoped3A_187, %dma_start3A_206, %dma_start3A_207] : memref<4x128x64xf32, #tpu.memory_space<vmem>> -> memref<1x128x64xf32, #tpu.memory_space<vmem>>
      %dma_start3A_209 = tpu.memref_squeeze %dma_start3A_208 : memref<1x128x64xf32, #tpu.memory_space<vmem>> -> memref<128x64xf32, #tpu.memory_space<vmem>>
      %dma_start3A_210 = arith.constant 0 : i32
      %dma_start3A_211 = tpu.memref_slice %arg13[%add3A_186, %dma_start3A_210] : memref<10112x64xf32, #tpu.memory_space<vmem_shared>> -> memref<128x64xf32, #tpu.memory_space<vmem_shared>>
      tpu.enqueue_dma source(%dma_start3A_211 : memref<128x64xf32, #tpu.memory_space<vmem_shared>>) target(%dma_start3A_209 : memref<128x64xf32, #tpu.memory_space<vmem>>) target_semaphore(%run_scoped3A_199 : memref<!tpu.dma_semaphore, #tpu.memory_space<semaphore_mem>>)
      %dma_wait3A_212 = arith.constant 0 : i32
      %dma_wait3A_213 = arith.constant 0 : i32
      %dma_wait3A_214 = tpu.memref_slice %arg9[%run_scoped3A_187, %dma_wait3A_212, %dma_wait3A_213] : memref<4x128x64xf32, #tpu.memory_space<vmem>> -> memref<1x128x64xf32, #tpu.memory_space<vmem>>
      %dma_wait3A_215 = tpu.memref_squeeze %dma_wait3A_214 : memref<1x128x64xf32, #tpu.memory_space<vmem>> -> memref<128x64xf32, #tpu.memory_space<vmem>>
      %dma_wait3A_216 = arith.constant 0 : i32
      %dma_wait3A_217 = tpu.memref_slice %arg13[%add3A_186, %dma_wait3A_216] : memref<10112x64xf32, #tpu.memory_space<vmem_shared>> -> memref<128x64xf32, #tpu.memory_space<vmem_shared>>
      %dma_wait3A_218 = arith.constant 0 : i32
      %dma_wait3A_219 = arith.constant 0 : i32
      %dma_wait3A_220 = tpu.memref_slice %arg9[%run_scoped3A_187, %dma_wait3A_218, %dma_wait3A_219] : memref<4x128x64xf32, #tpu.memory_space<vmem>> -> memref<1x128x64xf32, #tpu.memory_space<vmem>>
      %dma_wait3A_221 = tpu.memref_squeeze %dma_wait3A_220 : memref<1x128x64xf32, #tpu.memory_space<vmem>> -> memref<128x64xf32, #tpu.memory_space<vmem>>
      %dma_wait3A_222 = arith.constant 0 : i32
      %dma_wait3A_223 = tpu.memref_slice %arg13[%add3A_186, %dma_wait3A_222] : memref<10112x64xf32, #tpu.memory_space<vmem_shared>> -> memref<128x64xf32, #tpu.memory_space<vmem_shared>>
      tpu.wait_dma2 semaphore(%run_scoped3A_199 : memref<!tpu.dma_semaphore, #tpu.memory_space<semaphore_mem>>) src(%dma_wait3A_223 : memref<128x64xf32, #tpu.memory_space<vmem_shared>>) dst(%dma_wait3A_221 : memref<128x64xf32, #tpu.memory_space<vmem>>)
      tpu.yield
    }) : () -> ()
    %run_scoped3A_188 = arith.constant 0 : i32
    "tpu.region"() ({
      %run_scoped3A_199 = tpu.sem_alloc : memref<!tpu.dma_semaphore, #tpu.memory_space<semaphore_mem>>
      %dma_start3A_200 = arith.constant 0 : i32
      %dma_start3A_201 = arith.constant 0 : i32
      %dma_start3A_202 = tpu.memref_slice %arg9[%run_scoped3A_188, %dma_start3A_200, %dma_start3A_201] : memref<4x128x64xf32, #tpu.memory_space<vmem>> -> memref<1x128x64xf32, #tpu.memory_space<vmem>>
      %dma_start3A_203 = tpu.memref_squeeze %dma_start3A_202 : memref<1x128x64xf32, #tpu.memory_space<vmem>> -> memref<128x64xf32, #tpu.memory_space<vmem>>
      %dma_start3A_204 = arith.constant 0 : i32
      %dma_start3A_205 = tpu.memref_slice %arg5[%arg0, %add3A_186, %dma_start3A_204] : memref<2x10112x64xf32, #tpu.memory_space<hbm>> -> memref<1x128x64xf32, #tpu.memory_space<hbm>>
      %dma_start3A_206 = tpu.memref_squeeze %dma_start3A_205 : memref<1x128x64xf32, #tpu.memory_space<hbm>> -> memref<128x64xf32, #tpu.memory_space<hbm>>
      %dma_start3A_207 = arith.constant 0 : i32
      %dma_start3A_208 = tpu.memref_slice %arg5[%arg0, %add3A_186, %dma_start3A_207] : memref<2x10112x64xf32, #tpu.memory_space<hbm>> -> memref<1x128x64xf32, #tpu.memory_space<hbm>>
      %dma_start3A_209 = tpu.memref_squeeze %dma_start3A_208 : memref<1x128x64xf32, #tpu.memory_space<hbm>> -> memref<128x64xf32, #tpu.memory_space<hbm>>
      %dma_start3A_210 = arith.constant 0 : i32
      %dma_start3A_211 = arith.constant 0 : i32
      %dma_start3A_212 = tpu.memref_slice %arg9[%run_scoped3A_188, %dma_start3A_210, %dma_start3A_211] : memref<4x128x64xf32, #tpu.memory_space<vmem>> -> memref<1x128x64xf32, #tpu.memory_space<vmem>>
      %dma_start3A_213 = tpu.memref_squeeze %dma_start3A_212 : memref<1x128x64xf32, #tpu.memory_space<vmem>> -> memref<128x64xf32, #tpu.memory_space<vmem>>
      tpu.enqueue_dma source(%dma_start3A_213 : memref<128x64xf32, #tpu.memory_space<vmem>>) target(%dma_start3A_209 : memref<128x64xf32, #tpu.memory_space<hbm>>) target_semaphore(%run_scoped3A_199 : memref<!tpu.dma_semaphore, #tpu.memory_space<semaphore_mem>>)
      %dma_wait3A_214 = arith.constant 0 : i32
      %dma_wait3A_215 = arith.constant 0 : i32
      %dma_wait3A_216 = tpu.memref_slice %arg9[%run_scoped3A_188, %dma_wait3A_214, %dma_wait3A_215] : memref<4x128x64xf32, #tpu.memory_space<vmem>> -> memref<1x128x64xf32, #tpu.memory_space<vmem>>
      %dma_wait3A_217 = tpu.memref_squeeze %dma_wait3A_216 : memref<1x128x64xf32, #tpu.memory_space<vmem>> -> memref<128x64xf32, #tpu.memory_space<vmem>>
      %dma_wait3A_218 = arith.constant 0 : i32
      %dma_wait3A_219 = tpu.memref_slice %arg5[%arg0, %add3A_186, %dma_wait3A_218] : memref<2x10112x64xf32, #tpu.memory_space<hbm>> -> memref<1x128x64xf32, #tpu.memory_space<hbm>>
      %dma_wait3A_220 = tpu.memref_squeeze %dma_wait3A_219 : memref<1x128x64xf32, #tpu.memory_space<hbm>> -> memref<128x64xf32, #tpu.memory_space<hbm>>
      %dma_wait3A_221 = arith.constant 0 : i32
      %dma_wait3A_222 = tpu.memref_slice %arg5[%arg0, %add3A_186, %dma_wait3A_221] : memref<2x10112x64xf32, #tpu.memory_space<hbm>> -> memref<1x128x64xf32, #tpu.memory_space<hbm>>
      %dma_wait3A_223 = tpu.memref_squeeze %dma_wait3A_222 : memref<1x128x64xf32, #tpu.memory_space<hbm>> -> memref<128x64xf32, #tpu.memory_space<hbm>>
      %dma_wait3A_224 = arith.constant 0 : i32
      %dma_wait3A_225 = arith.constant 0 : i32
      %dma_wait3A_226 = tpu.memref_slice %arg9[%run_scoped3A_188, %dma_wait3A_224, %dma_wait3A_225] : memref<4x128x64xf32, #tpu.memory_space<vmem>> -> memref<1x128x64xf32, #tpu.memory_space<vmem>>
      %dma_wait3A_227 = tpu.memref_squeeze %dma_wait3A_226 : memref<1x128x64xf32, #tpu.memory_space<vmem>> -> memref<128x64xf32, #tpu.memory_space<vmem>>
      tpu.wait_dma2 semaphore(%run_scoped3A_199 : memref<!tpu.dma_semaphore, #tpu.memory_space<semaphore_mem>>) src(%dma_wait3A_227 : memref<128x64xf32, #tpu.memory_space<vmem>>) dst(%dma_wait3A_223 : memref<128x64xf32, #tpu.memory_space<hbm>>)
      tpu.yield
    }) : () -> ()
    %add3A_189 = arith.constant 384 : i32
    %add3A_190 = arith.addi %mul3A_0, %add3A_189 : i32
    %run_scoped3A_191 = arith.constant 0 : i32
    "tpu.region"() ({
      %run_scoped3A_199 = tpu.sem_alloc : memref<!tpu.dma_semaphore, #tpu.memory_space<semaphore_mem>>
      %dma_start3A_200 = arith.constant 0 : i32
      %dma_start3A_201 = arith.constant 0 : i32
      %dma_start3A_202 = tpu.memref_slice %arg9[%run_scoped3A_191, %dma_start3A_200, %dma_start3A_201] : memref<4x128x64xf32, #tpu.memory_space<vmem>> -> memref<1x128x64xf32, #tpu.memory_space<vmem>>
      %dma_start3A_203 = tpu.memref_squeeze %dma_start3A_202 : memref<1x128x64xf32, #tpu.memory_space<vmem>> -> memref<128x64xf32, #tpu.memory_space<vmem>>
      %dma_start3A_204 = arith.constant 0 : i32
      %dma_start3A_205 = tpu.memref_slice %arg13[%add3A_190, %dma_start3A_204] : memref<10112x64xf32, #tpu.memory_space<vmem_shared>> -> memref<128x64xf32, #tpu.memory_space<vmem_shared>>
      %dma_start3A_206 = arith.constant 0 : i32
      %dma_start3A_207 = arith.constant 0 : i32
      %dma_start3A_208 = tpu.memref_slice %arg9[%run_scoped3A_191, %dma_start3A_206, %dma_start3A_207] : memref<4x128x64xf32, #tpu.memory_space<vmem>> -> memref<1x128x64xf32, #tpu.memory_space<vmem>>
      %dma_start3A_209 = tpu.memref_squeeze %dma_start3A_208 : memref<1x128x64xf32, #tpu.memory_space<vmem>> -> memref<128x64xf32, #tpu.memory_space<vmem>>
      %dma_start3A_210 = arith.constant 0 : i32
      %dma_start3A_211 = tpu.memref_slice %arg13[%add3A_190, %dma_start3A_210] : memref<10112x64xf32, #tpu.memory_space<vmem_shared>> -> memref<128x64xf32, #tpu.memory_space<vmem_shared>>
      tpu.enqueue_dma source(%dma_start3A_211 : memref<128x64xf32, #tpu.memory_space<vmem_shared>>) target(%dma_start3A_209 : memref<128x64xf32, #tpu.memory_space<vmem>>) target_semaphore(%run_scoped3A_199 : memref<!tpu.dma_semaphore, #tpu.memory_space<semaphore_mem>>)
      %dma_wait3A_212 = arith.constant 0 : i32
      %dma_wait3A_213 = arith.constant 0 : i32
      %dma_wait3A_214 = tpu.memref_slice %arg9[%run_scoped3A_191, %dma_wait3A_212, %dma_wait3A_213] : memref<4x128x64xf32, #tpu.memory_space<vmem>> -> memref<1x128x64xf32, #tpu.memory_space<vmem>>
      %dma_wait3A_215 = tpu.memref_squeeze %dma_wait3A_214 : memref<1x128x64xf32, #tpu.memory_space<vmem>> -> memref<128x64xf32, #tpu.memory_space<vmem>>
      %dma_wait3A_216 = arith.constant 0 : i32
      %dma_wait3A_217 = tpu.memref_slice %arg13[%add3A_190, %dma_wait3A_216] : memref<10112x64xf32, #tpu.memory_space<vmem_shared>> -> memref<128x64xf32, #tpu.memory_space<vmem_shared>>
      %dma_wait3A_218 = arith.constant 0 : i32
      %dma_wait3A_219 = arith.constant 0 : i32
      %dma_wait3A_220 = tpu.memref_slice %arg9[%run_scoped3A_191, %dma_wait3A_218, %dma_wait3A_219] : memref<4x128x64xf32, #tpu.memory_space<vmem>> -> memref<1x128x64xf32, #tpu.memory_space<vmem>>
      %dma_wait3A_221 = tpu.memref_squeeze %dma_wait3A_220 : memref<1x128x64xf32, #tpu.memory_space<vmem>> -> memref<128x64xf32, #tpu.memory_space<vmem>>
      %dma_wait3A_222 = arith.constant 0 : i32
      %dma_wait3A_223 = tpu.memref_slice %arg13[%add3A_190, %dma_wait3A_222] : memref<10112x64xf32, #tpu.memory_space<vmem_shared>> -> memref<128x64xf32, #tpu.memory_space<vmem_shared>>
      tpu.wait_dma2 semaphore(%run_scoped3A_199 : memref<!tpu.dma_semaphore, #tpu.memory_space<semaphore_mem>>) src(%dma_wait3A_223 : memref<128x64xf32, #tpu.memory_space<vmem_shared>>) dst(%dma_wait3A_221 : memref<128x64xf32, #tpu.memory_space<vmem>>)
      tpu.yield
    }) : () -> ()
    %run_scoped3A_192 = arith.constant 0 : i32
    "tpu.region"() ({
      %run_scoped3A_199 = tpu.sem_alloc : memref<!tpu.dma_semaphore, #tpu.memory_space<semaphore_mem>>
      %dma_start3A_200 = arith.constant 0 : i32
      %dma_start3A_201 = arith.constant 0 : i32
      %dma_start3A_202 = tpu.memref_slice %arg9[%run_scoped3A_192, %dma_start3A_200, %dma_start3A_201] : memref<4x128x64xf32, #tpu.memory_space<vmem>> -> memref<1x128x64xf32, #tpu.memory_space<vmem>>
      %dma_start3A_203 = tpu.memref_squeeze %dma_start3A_202 : memref<1x128x64xf32, #tpu.memory_space<vmem>> -> memref<128x64xf32, #tpu.memory_space<vmem>>
      %dma_start3A_204 = arith.constant 0 : i32
      %dma_start3A_205 = tpu.memref_slice %arg5[%arg0, %add3A_190, %dma_start3A_204] : memref<2x10112x64xf32, #tpu.memory_space<hbm>> -> memref<1x128x64xf32, #tpu.memory_space<hbm>>
      %dma_start3A_206 = tpu.memref_squeeze %dma_start3A_205 : memref<1x128x64xf32, #tpu.memory_space<hbm>> -> memref<128x64xf32, #tpu.memory_space<hbm>>
      %dma_start3A_207 = arith.constant 0 : i32
      %dma_start3A_208 = tpu.memref_slice %arg5[%arg0, %add3A_190, %dma_start3A_207] : memref<2x10112x64xf32, #tpu.memory_space<hbm>> -> memref<1x128x64xf32, #tpu.memory_space<hbm>>
      %dma_start3A_209 = tpu.memref_squeeze %dma_start3A_208 : memref<1x128x64xf32, #tpu.memory_space<hbm>> -> memref<128x64xf32, #tpu.memory_space<hbm>>
      %dma_start3A_210 = arith.constant 0 : i32
      %dma_start3A_211 = arith.constant 0 : i32
      %dma_start3A_212 = tpu.memref_slice %arg9[%run_scoped3A_192, %dma_start3A_210, %dma_start3A_211] : memref<4x128x64xf32, #tpu.memory_space<vmem>> -> memref<1x128x64xf32, #tpu.memory_space<vmem>>
      %dma_start3A_213 = tpu.memref_squeeze %dma_start3A_212 : memref<1x128x64xf32, #tpu.memory_space<vmem>> -> memref<128x64xf32, #tpu.memory_space<vmem>>
      tpu.enqueue_dma source(%dma_start3A_213 : memref<128x64xf32, #tpu.memory_space<vmem>>) target(%dma_start3A_209 : memref<128x64xf32, #tpu.memory_space<hbm>>) target_semaphore(%run_scoped3A_199 : memref<!tpu.dma_semaphore, #tpu.memory_space<semaphore_mem>>)
      %dma_wait3A_214 = arith.constant 0 : i32
      %dma_wait3A_215 = arith.constant 0 : i32
      %dma_wait3A_216 = tpu.memref_slice %arg9[%run_scoped3A_192, %dma_wait3A_214, %dma_wait3A_215] : memref<4x128x64xf32, #tpu.memory_space<vmem>> -> memref<1x128x64xf32, #tpu.memory_space<vmem>>
      %dma_wait3A_217 = tpu.memref_squeeze %dma_wait3A_216 : memref<1x128x64xf32, #tpu.memory_space<vmem>> -> memref<128x64xf32, #tpu.memory_space<vmem>>
      %dma_wait3A_218 = arith.constant 0 : i32
      %dma_wait3A_219 = tpu.memref_slice %arg5[%arg0, %add3A_190, %dma_wait3A_218] : memref<2x10112x64xf32, #tpu.memory_space<hbm>> -> memref<1x128x64xf32, #tpu.memory_space<hbm>>
      %dma_wait3A_220 = tpu.memref_squeeze %dma_wait3A_219 : memref<1x128x64xf32, #tpu.memory_space<hbm>> -> memref<128x64xf32, #tpu.memory_space<hbm>>
      %dma_wait3A_221 = arith.constant 0 : i32
      %dma_wait3A_222 = tpu.memref_slice %arg5[%arg0, %add3A_190, %dma_wait3A_221] : memref<2x10112x64xf32, #tpu.memory_space<hbm>> -> memref<1x128x64xf32, #tpu.memory_space<hbm>>
      %dma_wait3A_223 = tpu.memref_squeeze %dma_wait3A_222 : memref<1x128x64xf32, #tpu.memory_space<hbm>> -> memref<128x64xf32, #tpu.memory_space<hbm>>
      %dma_wait3A_224 = arith.constant 0 : i32
      %dma_wait3A_225 = arith.constant 0 : i32
      %dma_wait3A_226 = tpu.memref_slice %arg9[%run_scoped3A_192, %dma_wait3A_224, %dma_wait3A_225] : memref<4x128x64xf32, #tpu.memory_space<vmem>> -> memref<1x128x64xf32, #tpu.memory_space<vmem>>
      %dma_wait3A_227 = tpu.memref_squeeze %dma_wait3A_226 : memref<1x128x64xf32, #tpu.memory_space<vmem>> -> memref<128x64xf32, #tpu.memory_space<vmem>>
      tpu.wait_dma2 semaphore(%run_scoped3A_199 : memref<!tpu.dma_semaphore, #tpu.memory_space<semaphore_mem>>) src(%dma_wait3A_227 : memref<128x64xf32, #tpu.memory_space<vmem>>) dst(%dma_wait3A_223 : memref<128x64xf32, #tpu.memory_space<hbm>>)
      tpu.yield
    }) : () -> ()
    %add3A_193 = arith.constant 504 : i32
    %add3A_194 = arith.addi %mul3A_0, %add3A_193 : i32
    %run_scoped3A_195 = arith.constant 0 : i32
    "tpu.region"() ({
      %run_scoped3A_199 = tpu.sem_alloc : memref<!tpu.dma_semaphore, #tpu.memory_space<semaphore_mem>>
      %dma_start3A_200 = arith.constant 0 : i32
      %dma_start3A_201 = arith.constant 0 : i32
      %dma_start3A_202 = tpu.memref_slice %arg9[%run_scoped3A_195, %dma_start3A_200, %dma_start3A_201] : memref<4x128x64xf32, #tpu.memory_space<vmem>> -> memref<1x128x64xf32, #tpu.memory_space<vmem>>
      %dma_start3A_203 = tpu.memref_squeeze %dma_start3A_202 : memref<1x128x64xf32, #tpu.memory_space<vmem>> -> memref<128x64xf32, #tpu.memory_space<vmem>>
      %dma_start3A_204 = arith.constant 0 : i32
      %dma_start3A_205 = tpu.memref_slice %arg13[%add3A_194, %dma_start3A_204] : memref<10112x64xf32, #tpu.memory_space<vmem_shared>> -> memref<128x64xf32, #tpu.memory_space<vmem_shared>>
      %dma_start3A_206 = arith.constant 0 : i32
      %dma_start3A_207 = arith.constant 0 : i32
      %dma_start3A_208 = tpu.memref_slice %arg9[%run_scoped3A_195, %dma_start3A_206, %dma_start3A_207] : memref<4x128x64xf32, #tpu.memory_space<vmem>> -> memref<1x128x64xf32, #tpu.memory_space<vmem>>
      %dma_start3A_209 = tpu.memref_squeeze %dma_start3A_208 : memref<1x128x64xf32, #tpu.memory_space<vmem>> -> memref<128x64xf32, #tpu.memory_space<vmem>>
      %dma_start3A_210 = arith.constant 0 : i32
      %dma_start3A_211 = tpu.memref_slice %arg13[%add3A_194, %dma_start3A_210] : memref<10112x64xf32, #tpu.memory_space<vmem_shared>> -> memref<128x64xf32, #tpu.memory_space<vmem_shared>>
      tpu.enqueue_dma source(%dma_start3A_211 : memref<128x64xf32, #tpu.memory_space<vmem_shared>>) target(%dma_start3A_209 : memref<128x64xf32, #tpu.memory_space<vmem>>) target_semaphore(%run_scoped3A_199 : memref<!tpu.dma_semaphore, #tpu.memory_space<semaphore_mem>>)
      %dma_wait3A_212 = arith.constant 0 : i32
      %dma_wait3A_213 = arith.constant 0 : i32
      %dma_wait3A_214 = tpu.memref_slice %arg9[%run_scoped3A_195, %dma_wait3A_212, %dma_wait3A_213] : memref<4x128x64xf32, #tpu.memory_space<vmem>> -> memref<1x128x64xf32, #tpu.memory_space<vmem>>
      %dma_wait3A_215 = tpu.memref_squeeze %dma_wait3A_214 : memref<1x128x64xf32, #tpu.memory_space<vmem>> -> memref<128x64xf32, #tpu.memory_space<vmem>>
      %dma_wait3A_216 = arith.constant 0 : i32
      %dma_wait3A_217 = tpu.memref_slice %arg13[%add3A_194, %dma_wait3A_216] : memref<10112x64xf32, #tpu.memory_space<vmem_shared>> -> memref<128x64xf32, #tpu.memory_space<vmem_shared>>
      %dma_wait3A_218 = arith.constant 0 : i32
      %dma_wait3A_219 = arith.constant 0 : i32
      %dma_wait3A_220 = tpu.memref_slice %arg9[%run_scoped3A_195, %dma_wait3A_218, %dma_wait3A_219] : memref<4x128x64xf32, #tpu.memory_space<vmem>> -> memref<1x128x64xf32, #tpu.memory_space<vmem>>
      %dma_wait3A_221 = tpu.memref_squeeze %dma_wait3A_220 : memref<1x128x64xf32, #tpu.memory_space<vmem>> -> memref<128x64xf32, #tpu.memory_space<vmem>>
      %dma_wait3A_222 = arith.constant 0 : i32
      %dma_wait3A_223 = tpu.memref_slice %arg13[%add3A_194, %dma_wait3A_222] : memref<10112x64xf32, #tpu.memory_space<vmem_shared>> -> memref<128x64xf32, #tpu.memory_space<vmem_shared>>
      tpu.wait_dma2 semaphore(%run_scoped3A_199 : memref<!tpu.dma_semaphore, #tpu.memory_space<semaphore_mem>>) src(%dma_wait3A_223 : memref<128x64xf32, #tpu.memory_space<vmem_shared>>) dst(%dma_wait3A_221 : memref<128x64xf32, #tpu.memory_space<vmem>>)
      tpu.yield
    }) : () -> ()
    %run_scoped3A_196 = arith.constant 0 : i32
    "tpu.region"() ({
      %run_scoped3A_199 = tpu.sem_alloc : memref<!tpu.dma_semaphore, #tpu.memory_space<semaphore_mem>>
      %dma_start3A_200 = arith.constant 0 : i32
      %dma_start3A_201 = arith.constant 0 : i32
      %dma_start3A_202 = tpu.memref_slice %arg9[%run_scoped3A_196, %dma_start3A_200, %dma_start3A_201] : memref<4x128x64xf32, #tpu.memory_space<vmem>> -> memref<1x128x64xf32, #tpu.memory_space<vmem>>
      %dma_start3A_203 = tpu.memref_squeeze %dma_start3A_202 : memref<1x128x64xf32, #tpu.memory_space<vmem>> -> memref<128x64xf32, #tpu.memory_space<vmem>>
      %dma_start3A_204 = arith.constant 0 : i32
      %dma_start3A_205 = tpu.memref_slice %arg5[%arg0, %add3A_194, %dma_start3A_204] : memref<2x10112x64xf32, #tpu.memory_space<hbm>> -> memref<1x128x64xf32, #tpu.memory_space<hbm>>
      %dma_start3A_206 = tpu.memref_squeeze %dma_start3A_205 : memref<1x128x64xf32, #tpu.memory_space<hbm>> -> memref<128x64xf32, #tpu.memory_space<hbm>>
      %dma_start3A_207 = arith.constant 0 : i32
      %dma_start3A_208 = tpu.memref_slice %arg5[%arg0, %add3A_194, %dma_start3A_207] : memref<2x10112x64xf32, #tpu.memory_space<hbm>> -> memref<1x128x64xf32, #tpu.memory_space<hbm>>
      %dma_start3A_209 = tpu.memref_squeeze %dma_start3A_208 : memref<1x128x64xf32, #tpu.memory_space<hbm>> -> memref<128x64xf32, #tpu.memory_space<hbm>>
      %dma_start3A_210 = arith.constant 0 : i32
      %dma_start3A_211 = arith.constant 0 : i32
      %dma_start3A_212 = tpu.memref_slice %arg9[%run_scoped3A_196, %dma_start3A_210, %dma_start3A_211] : memref<4x128x64xf32, #tpu.memory_space<vmem>> -> memref<1x128x64xf32, #tpu.memory_space<vmem>>
      %dma_start3A_213 = tpu.memref_squeeze %dma_start3A_212 : memref<1x128x64xf32, #tpu.memory_space<vmem>> -> memref<128x64xf32, #tpu.memory_space<vmem>>
      tpu.enqueue_dma source(%dma_start3A_213 : memref<128x64xf32, #tpu.memory_space<vmem>>) target(%dma_start3A_209 : memref<128x64xf32, #tpu.memory_space<hbm>>) target_semaphore(%run_scoped3A_199 : memref<!tpu.dma_semaphore, #tpu.memory_space<semaphore_mem>>)
      %dma_wait3A_214 = arith.constant 0 : i32
      %dma_wait3A_215 = arith.constant 0 : i32
      %dma_wait3A_216 = tpu.memref_slice %arg9[%run_scoped3A_196, %dma_wait3A_214, %dma_wait3A_215] : memref<4x128x64xf32, #tpu.memory_space<vmem>> -> memref<1x128x64xf32, #tpu.memory_space<vmem>>
      %dma_wait3A_217 = tpu.memref_squeeze %dma_wait3A_216 : memref<1x128x64xf32, #tpu.memory_space<vmem>> -> memref<128x64xf32, #tpu.memory_space<vmem>>
      %dma_wait3A_218 = arith.constant 0 : i32
      %dma_wait3A_219 = tpu.memref_slice %arg5[%arg0, %add3A_194, %dma_wait3A_218] : memref<2x10112x64xf32, #tpu.memory_space<hbm>> -> memref<1x128x64xf32, #tpu.memory_space<hbm>>
      %dma_wait3A_220 = tpu.memref_squeeze %dma_wait3A_219 : memref<1x128x64xf32, #tpu.memory_space<hbm>> -> memref<128x64xf32, #tpu.memory_space<hbm>>
      %dma_wait3A_221 = arith.constant 0 : i32
      %dma_wait3A_222 = tpu.memref_slice %arg5[%arg0, %add3A_194, %dma_wait3A_221] : memref<2x10112x64xf32, #tpu.memory_space<hbm>> -> memref<1x128x64xf32, #tpu.memory_space<hbm>>
      %dma_wait3A_223 = tpu.memref_squeeze %dma_wait3A_222 : memref<1x128x64xf32, #tpu.memory_space<hbm>> -> memref<128x64xf32, #tpu.memory_space<hbm>>
      %dma_wait3A_224 = arith.constant 0 : i32
      %dma_wait3A_225 = arith.constant 0 : i32
      %dma_wait3A_226 = tpu.memref_slice %arg9[%run_scoped3A_196, %dma_wait3A_224, %dma_wait3A_225] : memref<4x128x64xf32, #tpu.memory_space<vmem>> -> memref<1x128x64xf32, #tpu.memory_space<vmem>>
      %dma_wait3A_227 = tpu.memref_squeeze %dma_wait3A_226 : memref<1x128x64xf32, #tpu.memory_space<vmem>> -> memref<128x64xf32, #tpu.memory_space<vmem>>
      tpu.wait_dma2 semaphore(%run_scoped3A_199 : memref<!tpu.dma_semaphore, #tpu.memory_space<semaphore_mem>>) src(%dma_wait3A_227 : memref<128x64xf32, #tpu.memory_space<vmem>>) dst(%dma_wait3A_223 : memref<128x64xf32, #tpu.memory_space<hbm>>)
      tpu.yield
    }) : () -> ()
    %eq3A = arith.constant 0 : i32
    %eq3A_197 = arith.cmpi eq, %arg1, %eq3A : i32
    %convert_element_type3A = arith.extui %eq3A_197 : i1 to i32
    %cond3A = arith.constant 0 : i32
    %cond3A_198 = arith.cmpi ne, %convert_element_type3A, %cond3A : i32
    scf.if %cond3A_198 {
      "tpu.region"() ({
        %run_scoped3A_199 = tpu.sem_alloc : memref<!tpu.dma_semaphore, #tpu.memory_space<semaphore_mem>>
        tpu.enqueue_dma source(%arg14 : memref<80x128xf32, #tpu.memory_space<vmem_shared>>) target(%arg10 : memref<80x128xf32, #tpu.memory_space<vmem>>) target_semaphore(%run_scoped3A_199 : memref<!tpu.dma_semaphore, #tpu.memory_space<semaphore_mem>>)
        tpu.wait_dma2 semaphore(%run_scoped3A_199 : memref<!tpu.dma_semaphore, #tpu.memory_space<semaphore_mem>>) src(%arg14 : memref<80x128xf32, #tpu.memory_space<vmem_shared>>) dst(%arg10 : memref<80x128xf32, #tpu.memory_space<vmem>>)
        tpu.yield
      }) : () -> ()
      "tpu.region"() ({
        %run_scoped3A_199 = tpu.sem_alloc : memref<!tpu.dma_semaphore, #tpu.memory_space<semaphore_mem>>
        %dma_start3A_200 = arith.constant 0 : i32
        %dma_start3A_201 = arith.constant 0 : i32
        %dma_start3A_202 = tpu.memref_slice %arg6[%arg0, %dma_start3A_200, %dma_start3A_201] : memref<2x80x128xf32, #tpu.memory_space<hbm>> -> memref<1x80x128xf32, #tpu.memory_space<hbm>>
        %dma_start3A_203 = tpu.memref_squeeze %dma_start3A_202 : memref<1x80x128xf32, #tpu.memory_space<hbm>> -> memref<80x128xf32, #tpu.memory_space<hbm>>
        %dma_start3A_204 = arith.constant 0 : i32
        %dma_start3A_205 = arith.constant 0 : i32
        %dma_start3A_206 = tpu.memref_slice %arg6[%arg0, %dma_start3A_204, %dma_start3A_205] : memref<2x80x128xf32, #tpu.memory_space<hbm>> -> memref<1x80x128xf32, #tpu.memory_space<hbm>>
        %dma_start3A_207 = tpu.memref_squeeze %dma_start3A_206 : memref<1x80x128xf32, #tpu.memory_space<hbm>> -> memref<80x128xf32, #tpu.memory_space<hbm>>
        tpu.enqueue_dma source(%arg10 : memref<80x128xf32, #tpu.memory_space<vmem>>) target(%dma_start3A_207 : memref<80x128xf32, #tpu.memory_space<hbm>>) target_semaphore(%run_scoped3A_199 : memref<!tpu.dma_semaphore, #tpu.memory_space<semaphore_mem>>)
        %dma_wait3A_208 = arith.constant 0 : i32
        %dma_wait3A_209 = arith.constant 0 : i32
        %dma_wait3A_210 = tpu.memref_slice %arg6[%arg0, %dma_wait3A_208, %dma_wait3A_209] : memref<2x80x128xf32, #tpu.memory_space<hbm>> -> memref<1x80x128xf32, #tpu.memory_space<hbm>>
        %dma_wait3A_211 = tpu.memref_squeeze %dma_wait3A_210 : memref<1x80x128xf32, #tpu.memory_space<hbm>> -> memref<80x128xf32, #tpu.memory_space<hbm>>
        %dma_wait3A_212 = arith.constant 0 : i32
        %dma_wait3A_213 = arith.constant 0 : i32
        %dma_wait3A_214 = tpu.memref_slice %arg6[%arg0, %dma_wait3A_212, %dma_wait3A_213] : memref<2x80x128xf32, #tpu.memory_space<hbm>> -> memref<1x80x128xf32, #tpu.memory_space<hbm>>
        %dma_wait3A_215 = tpu.memref_squeeze %dma_wait3A_214 : memref<1x80x128xf32, #tpu.memory_space<hbm>> -> memref<80x128xf32, #tpu.memory_space<hbm>>
        tpu.wait_dma2 semaphore(%run_scoped3A_199 : memref<!tpu.dma_semaphore, #tpu.memory_space<semaphore_mem>>) src(%arg10 : memref<80x128xf32, #tpu.memory_space<vmem>>) dst(%dma_wait3A_215 : memref<80x128xf32, #tpu.memory_space<hbm>>)
        tpu.yield
      }) : () -> ()
    } else {
    }
    return
  }
}

module attributes {stable_mosaic.version = 14 : i64} {
  func.func @_tc_finish_body(%arg0: i32, %arg1: memref<2x128x64xf32, #tpu.memory_space<vmem>>, %arg2: memref<2x128xf32, #tpu.memory_space<vmem>>, %arg3: memref<128x128xf32, #tpu.memory_space<vmem>>, %arg4: memref<128x128xf32, #tpu.memory_space<vmem>>, %arg5: memref<128x128xf32, #tpu.memory_space<vmem>>) attributes {dimension_semantics = [#tpu.dimension_semantics<arbitrary>], iteration_bounds = array<i64: 79>, scalar_prefetch = 0 : i64, scratch_operands = 0 : i64, tpu.core_type = #tpu.core_type<tc>, window_params = [{transform_indices = @transform_0, window_bounds = array<i64: 2, 128, 64>}, {transform_indices = @transform_1, window_bounds = array<i64: 2, 128>}, {transform_indices = @transform_2, window_bounds = array<i64: 128, 128>}, {pipeline_mode = #tpu.pipeline_mode<synchronous>, transform_indices = @transform_3, window_bounds = array<i64: 128, 128>}, {transform_indices = @transform_4, window_bounds = array<i64: 128, 128>}]} {
    %get3A = arith.constant 0 : index
    %get3A_0 = arith.constant 0 : index
    %get3A_1 = vector.load %arg2[%get3A, %get3A_0] : memref<2x128xf32, #tpu.memory_space<vmem>>, vector<1x128xf32>
    %get3A_2 = vector.shape_cast %get3A_1 : vector<1x128xf32> to vector<128xf32>
    %get3A_3 = arith.constant 1 : index
    %get3A_4 = arith.constant 0 : index
    %get3A_5 = vector.load %arg2[%get3A_3, %get3A_4] : memref<2x128xf32, #tpu.memory_space<vmem>>, vector<1x128xf32>
    %get3A_6 = vector.shape_cast %get3A_5 : vector<1x128xf32> to vector<128xf32>
    %add3A = arith.addf %get3A_2, %get3A_6 : vector<128xf32>
    %max3A = arith.constant 1.000000e+00 : f32
    %max3A_7 = vector.broadcast %max3A : f32 to vector<128xf32>
    %max3A_8 = arith.maximumf %add3A, %max3A_7 : vector<128xf32>
    %div3A = arith.constant 1.000000e+00 : f32
    %div3A_9 = vector.broadcast %div3A : f32 to vector<128xf32>
    %div3A_10 = arith.divf %div3A_9, %max3A_8 : vector<128xf32>
    %reshape3A = vector.shape_cast %div3A_10 : vector<128xf32> to vector<128x1xf32>
    %get3A_11 = arith.constant 0 : index
    %get3A_12 = arith.constant 0 : index
    %get3A_13 = arith.constant 0 : index
    %get3A_14 = vector.load %arg1[%get3A_11, %get3A_12, %get3A_13] : memref<2x128x64xf32, #tpu.memory_space<vmem>>, vector<1x128x64xf32>
    %get3A_15 = vector.shape_cast %get3A_14 : vector<1x128x64xf32> to vector<128x64xf32>
    %mul3A = vector.broadcast %reshape3A : vector<128x1xf32> to vector<128x64xf32>
    %mul3A_16 = arith.mulf %get3A_15, %mul3A : vector<128x64xf32>
    %get3A_17 = arith.constant 0 : index
    %get3A_18 = arith.constant 0 : index
    %get3A_19 = vector.load %arg3[%get3A_17, %get3A_18] : memref<128x128xf32, #tpu.memory_space<vmem>>, vector<128x64xf32>
    %add3A_20 = arith.addf %mul3A_16, %get3A_19 : vector<128x64xf32>
    %get3A_21 = arith.constant 1 : index
    %get3A_22 = arith.constant 0 : index
    %get3A_23 = arith.constant 0 : index
    %get3A_24 = vector.load %arg1[%get3A_21, %get3A_22, %get3A_23] : memref<2x128x64xf32, #tpu.memory_space<vmem>>, vector<1x128x64xf32>
    %get3A_25 = vector.shape_cast %get3A_24 : vector<1x128x64xf32> to vector<128x64xf32>
    %mul3A_26 = vector.broadcast %reshape3A : vector<128x1xf32> to vector<128x64xf32>
    %mul3A_27 = arith.mulf %get3A_25, %mul3A_26 : vector<128x64xf32>
    %get3A_28 = arith.constant 0 : index
    %get3A_29 = arith.constant 64 : index
    %get3A_30 = vector.load %arg3[%get3A_28, %get3A_29] : memref<128x128xf32, #tpu.memory_space<vmem>>, vector<128x64xf32>
    %add3A_31 = arith.addf %mul3A_27, %get3A_30 : vector<128x64xf32>
    %get3A_32 = arith.constant 0 : index
    %get3A_33 = arith.constant 0 : index
    %get3A_34 = vector.load %arg4[%get3A_32, %get3A_33] : memref<128x128xf32, #tpu.memory_space<vmem>>, vector<128x64xf32>
    %dot_general3A = arith.constant dense<0.000000e+00> : vector<128x128xf32>
    %dot_general3A_35 = tpu.matmul %add3A_20, %get3A_34, %dot_general3A {dimension_numbers = #tpu.dot_dimension_numbers<[1], [1], [0], [0], [0, 0, 1, 0], [], []>, transpose_lhs_hint = false} : vector<128x64xf32>, vector<128x64xf32>, vector<128x128xf32> -> vector<128x128xf32>
    %get3A_36 = arith.constant 0 : index
    %get3A_37 = arith.constant 64 : index
    %get3A_38 = vector.load %arg4[%get3A_36, %get3A_37] : memref<128x128xf32, #tpu.memory_space<vmem>>, vector<128x64xf32>
    %dot_general3A_39 = arith.constant dense<0.000000e+00> : vector<128x128xf32>
    %dot_general3A_40 = tpu.matmul %add3A_31, %get3A_38, %dot_general3A_39 {dimension_numbers = #tpu.dot_dimension_numbers<[1], [1], [0], [0], [0, 0, 1, 0], [], []>, transpose_lhs_hint = false} : vector<128x64xf32>, vector<128x64xf32>, vector<128x128xf32> -> vector<128x128xf32>
    %add3A_41 = arith.addf %dot_general3A_35, %dot_general3A_40 : vector<128x128xf32>
    %swap3A = arith.constant 0 : index
    %swap3A_42 = arith.constant 0 : index
    %swap3A_43 = vector.load %arg5[%swap3A, %swap3A_42] : memref<128x128xf32, #tpu.memory_space<vmem>>, vector<128x128xf32>
    tpu.vector_store %arg5[%swap3A, %swap3A_42], %add3A_41 {strides = array<i32>} : memref<128x128xf32, #tpu.memory_space<vmem>>, vector<128x128xf32>,
    return
  }
  func.func @transform_0(%arg0: i32) -> (i32, i32, i32) {
    %c0_i32 = arith.constant 0 : i32
    %c0_i32_0 = arith.constant 0 : i32
    %c0_i32_1 = arith.constant 0 : i32
    return %c0_i32, %arg0, %c0_i32_0 : i32, i32, i32
  }
  func.func @transform_1(%arg0: i32) -> (i32, i32) {
    %c0_i32 = arith.constant 0 : i32
    %c0_i32_0 = arith.constant 0 : i32
    return %c0_i32, %arg0 : i32, i32
  }
  func.func @transform_2(%arg0: i32) -> (i32, i32) {
    %c0_i32 = arith.constant 0 : i32
    %c0_i32_0 = arith.constant 0 : i32
    return %arg0, %c0_i32 : i32, i32
  }
  func.func @transform_3(%arg0: i32) -> (i32, i32) {
    %c0_i32 = arith.constant 0 : i32
    %c0_i32_0 = arith.constant 0 : i32
    %c0_i32_1 = arith.constant 0 : i32
    return %c0_i32, %c0_i32_0 : i32, i32
  }
  func.func @transform_4(%arg0: i32) -> (i32, i32) {
    %c0_i32 = arith.constant 0 : i32
    %c0_i32_0 = arith.constant 0 : i32
    return %arg0, %c0_i32 : i32, i32
  }
}

</mosaic_0001>

<sc_bundles>
// kernel: kernel.4.cloned.1.call-start
scs
__scs_entry_jumppad:
0x0: {  	(pc) =	sbr.rel $0x88, $3  }
0x1: {  	(tag) =	ssettag $0x0;
	lr =	simm.s32 $0x1  }
0x2: {  	[smem:$0x3F9E] =	sst lr;
	_ =	strace $0xD0000000  }
0x3: {  	_ = 	snop  }
0x4: {  	_ = 	snop  }
0x5: {  	_ = 	snop  }
0x6: {  	_ = 	snop  }
0x7: {  	_ = 	snop  }
__scs_overlays_trampoline_lowered:
0x8: {  	[smem:$0x3FAD] =	sst s0  }
0x9: {  	[smem:$0x3FAE] =	sst s1  }
0xa: {  	[smem:$0x3FAF] =	sst s2  }
0xb: {  	[smem:$0x3FB0] =	sst s3  }
0xc: {  	[smem:$0x3FB1] =	sst s4  }
0xd: {  	[smem:$0x3FB2] =	sst s5  }
0xe: {  	[smem:$0x3FB3] =	sst s6  }
0xf: {  	[smem:$0x3FB4] =	sst s7  }
0x10: {  	[smem:$0x3FB5] =	sst s8  }
0x11: {  	[smem:$0x3FB6] =	sst s9;
	s0 =	simm.s32 @!p0 $0x0  }
0x12: {  	s1 =	sld [smem:$0x3F9C];
	s0 =	simm.s32 @p0 $0x1  }
0x13: {  	[smem:$0x3FB7] =	sst s0;
	s0 =	simm.s32 @!p1 $0x0  }
0x14: {  	s2 =	sld [smem:$0x3F9B];
	s0 =	simm.s32 @p1 $0x1  }
0x15: {  	[smem:$0x3FB8] =	sst s0;
	s0 =	simm.s32 @!p2 $0x0  }
0x16: {  	s3 =	sld [smem:$0x3FDB];
	s0 =	simm.s32 @p2 $0x1  }
0x17: {  	s4 =	simm.s32 $0x1BF5;
	[smem:$0x3FBA] =	sst s0  }
0x18: {  	s0 =	sld [smem:$0x3F9D];
	_ =	swait.ge [sflag:s4], $0x0  }
0x19: {  	s7 =	sld [smem:$0x3F9E]  }
0x1a: {  	s8 =	sadd.s32 $0xFFFFE003, lr  }
0x1b: {  	s9 =	sadd.s32 $0xFFFFFEF7, lr;
	s5 =	simm.s32 $0xFFFFFFFF;
	p2 =	slt.u32 s8, $0xFFFFF086  }
0x1c: {  	p1 =	slt.u32 s9, $0xF7A;
	s5 =	simm.s32 @!p2 $0x0  }
0x1d: {  	s5 =	simm.s32 @p1 $0x1;
	p0 =	seq.s32 s7, s2  }
0x1e: {  	s7 =	smul.u32 @!p0 $0xF7A, s2;
	p2 =	seq.s32 @!p0 s5, $0x0  }
0x1f: {  	s9 =	smul.u32 $0xF7A, s1;
	s8 =	simm.s32 @!p0 $0x1BF5;
	p2 =	por !p2, p0  }
0x20: {  	[sflag:s8] =	ssyncset.s32 @!p0 $0xFFFFF086;
	s6 =	sadd.s32 @!p0 s3, s7;
	s7 =	simm.s32 @!p0 $0x108  }
0x21: {  	s3 =	sadd.s32 s3, s9;
	s6 =	sadd.s32 @!p0 $0x88, s6;
	s7 =	simm.s32 @p2 $0x1082  }
0x22: {  	[simem:s7], [sflag:s8] =	dma.local @!p0 [hbm:s6], $0xF7A  }
0x23: {  	s9 =	sor.u32 $0xD0000000, s2;
	s6 =	simm.s32 $0x108;
	_ =	swait.ge @!p0 [sflag:s8], $0x0  }
0x24: {  	s3 =	sadd.s32 $0x88, s3;
	s6 =	simm.s32 @!p1 $0x1082;
	[sflag:s4] =	ssyncset.s32 $0xFFFFF086  }
0x25: {  	[simem:s6], [sflag:s4] =	dma.local [hbm:s3], $0xF7A  }
0x26: {  	[smem:$0x3F9E] =	sst s1;
	(tag) =	ssettag s2;
	_ =	strace s9  }
0x27: {  	s1 =	sld [smem:$0x3FAE]  }
0x28: {  	s2 =	sld [smem:$0x3FAF]  }
0x29: {  	s4 =	sld [smem:$0x3FB1]  }
0x2a: {  	p0 =	seq.s32 s5, $0x0;
	s5 =	sld [smem:$0x3FB2]  }
0x2b: {  	s6 =	sld [smem:$0x3FB3]  }
0x2c: {  	s7 =	sld [smem:$0x3FB4]  }
0x2d: {  	s3 =	simm.s32 $0x108;
	s8 =	sld [smem:$0x3FB5]  }
0x2e: {  	s3 =	simm.s32 @!p0 $0x1082;
	s9 =	sld [smem:$0x3FB6]  }
0x2f: {  	lr =	sadd.s32 s0, s3;
	s0 =	sld [smem:$0x3FAD]  }
0x30: {  	s3 =	sld [smem:$0x3FB0]  }
0x31: {  	[smem:$0x3FB9] =	sst s10  }
0x32: {  	s10 =	sld [smem:$0x3FB7];
	_ =	sdelay $0x3  }
0x33: {  	p0 =	seq.s32 s10, $0x1;
	s10 =	sld [smem:$0x3FB9];
	_ =	sdelay $0x3  }
0x34: {  	[smem:$0x3FB9] =	sst s10  }
0x35: {  	s10 =	sld [smem:$0x3FB8];
	_ =	sdelay $0x3  }
0x36: {  	p1 =	seq.s32 s10, $0x1;
	s10 =	sld [smem:$0x3FB9];
	_ =	sdelay $0x3  }
0x37: {  	[smem:$0x3FB9] =	sst s10  }
0x38: {  	s10 =	sld [smem:$0x3FBA]  }
0x39: {  	_ = 	snop;
	(pc) =	sbr.ind lr, $3  }
0x3a: {  	_ = 	snop  }
0x3b: {  	_ = 	snop  }
0x3c: {  	p2 =	seq.s32 s10, $0x1;
	s10 =	sld [smem:$0x3FB9]  }
0x3d: {  	_ =	shalt  }
0x3e: {  	_ =	shalt  }
0x3f: {  	_ =	shalt  }
0x40: {  	_ =	shalt  }
0x41: {  	_ =	shalt  }
0x42: {  	_ =	shalt  }
0x43: {  	_ =	shalt  }
0x44: {  	_ =	shalt  }
0x45: {  	_ =	shalt  }
0x46: {  	_ =	shalt  }
0x47: {  	_ =	shalt  }
0x48: {  	_ =	shalt  }
0x49: {  	_ =	shalt  }
0x4a: {  	_ =	shalt  }
0x4b: {  	_ =	shalt  }
0x4c: {  	_ =	shalt  }
0x4d: {  	_ =	shalt  }
0x4e: {  	_ =	shalt  }
0x4f: {  	_ =	shalt  }
0x50: {  	_ =	shalt  }
0x51: {  	_ =	shalt  }
0x52: {  	_ =	shalt  }
0x53: {  	_ =	shalt  }
0x54: {  	_ =	shalt  }
0x55: {  	_ =	shalt  }
0x56: {  	_ =	shalt  }
0x57: {  	_ =	shalt  }
0x58: {  	_ =	shalt  }
0x59: {  	_ =	shalt  }
0x5a: {  	_ =	shalt  }
0x5b: {  	_ =	shalt  }
0x5c: {  	_ =	shalt  }
0x5d: {  	_ =	shalt  }
0x5e: {  	_ =	shalt  }
0x5f: {  	_ =	shalt  }
0x60: {  	_ =	shalt  }
0x61: {  	_ =	shalt  }
0x62: {  	_ =	shalt  }
0x63: {  	_ =	shalt  }
0x64: {  	_ =	shalt  }
0x65: {  	_ =	shalt  }
0x66: {  	_ =	shalt  }
0x67: {  	_ =	shalt  }
0x68: {  	_ =	shalt  }
0x69: {  	_ =	shalt  }
0x6a: {  	_ =	shalt  }
0x6b: {  	_ =	shalt  }
0x6c: {  	_ =	shalt  }
0x6d: {  	_ =	shalt  }
0x6e: {  	_ =	shalt  }
0x6f: {  	_ =	shalt  }
0x70: {  	_ =	shalt  }
0x71: {  	_ =	shalt  }
0x72: {  	_ =	shalt  }
0x73: {  	_ =	shalt  }
0x74: {  	_ =	shalt  }
0x75: {  	_ =	shalt  }
0x76: {  	_ =	shalt  }
0x77: {  	_ =	shalt  }
0x78: {  	_ =	shalt  }
0x79: {  	_ =	shalt  }
0x7a: {  	_ =	shalt  }
0x7b: {  	_ =	shalt  }
0x7c: {  	_ =	shalt  }
0x7d: {  	_ =	shalt  }
0x7e: {  	_ =	shalt  }
0x7f: {  	_ =	shalt  }
0x80: {  	_ =	shalt  }
0x81: {  	_ =	shalt  }
0x82: {  	_ =	shalt  }
0x83: {  	_ =	shalt  }
0x84: {  	_ =	shalt  }
0x85: {  	_ =	shalt  }
0x86: {  	_ =	shalt  }
0x87: {  	_ =	shalt  }
.Lfunc_end0:
.L_simem_size_0:
called_computation_lowered:
.L_overlay_start_0:
0x88: {  	s2 =	sld [smem:$0x3FD9]  }
0x89: {  	s3 =	sld [smem:$0x3FFE];
	_ =	sdelay $0x1  }
0x8a: {  	s1 =	srdreg.scid  }
0x8b: {  	s0 =	sand.u32 $0x1, s1  }
0x8c: {  	s17 =	sshll.u32 s0, $0xA;
	s2 =	sadd.s32 s3, s2  }
0x8d: {  	s2 =	sadd.s32 s2, s17  }
0x8e: {  	[smem:$0x3FC5] =	sst s2  }
0x8f: {  	_ = 	snop  }
0x90: {  	s2 =	sld [smem:$0x3FC9]  }
0x91: {  	s18 =	sld [smem:$0x3FD0];
	(tm) =	ssettm $0x1  }
0x92: {  	s4 =	sld [smem:$0x3FFB];
	_ =	sdelay $0x3  }
0x93: {  	_ =	strace s4  }
0x94: {  	s4 =	sld [smem:$0x3FFC];
	_ =	sdelay $0x3  }
0x95: {  	_ =	strace s4  }
0x96: {  	s4 =	sld [smem:$0x3FFD];
	_ =	sdelay $0x3  }
0x97: {  	_ =	strace s4  }
0x98: {  	_ =	strace $0x8FFFFFFF  }
0x99: {  	s19 =	sld [smem:$0x3FDB];
	_ =	sdelay $0x1  }
0x9a: {  	s5 =	simm.s32 $_scs_section_size  }
0x9b: {  	s6 =	simm.s32 $_size__tile_overlayer_lowered;
	s7 =	simm.s32 $_tile_overlayer_lowered  }
0x9c: {  	s22 =	simm.s32 $0x1BFF;
	s21 =	sshll.u32 s7, $0x1;
	s4 =	sadd.s32 s5, s19  }
0x9d: {  	s8 =	simm.s32 $0x0;
	s20 =	sshll.u32 s6, $0x1;
	s6 =	sadd.s32 s21, s4  }
0x9e: {  	[timem:s8], [sflag:s22] =	dma.local [hbm:s6], s20  }
0x9f: {  	_ =	swait.ge [sflag:s22], s20  }
0xa0: {  	s5 =	ssub.s32 $0x0, s20;
	[sflag:s22] =	ssyncset.done $0x0  }
0xa1: {  	[sflag:s22] =	ssyncadd.s32 s5;
	_ =	sdelay $0x1  }
0xa2: {  	s23 =	simm.s32 $0x1B8B  }
0xa3: {  	_ =	swait.ge [sflag:s23], $0x1  }
0xa4: {  	[sflag:s23] =	ssyncset.done $0x0  }
0xa5: {  	s25 =	simm.s32 $0x1B8E;
	s24 =	sld [smem:$0x3FFE];
	[sflag:s23] =	ssyncadd.s32 $0xFFFFFFFF  }
0xa6: {  	s26 =	simm.s32 $execute0_lowered;
	[smem:$0x3FD2] =	sst s25  }
0xa7: {  	s6 =	sshll.u32 s26, $0x1;
	_ =	strace $0x80000046;
	[dreg:$0x1] =	wrdreg $0xFFFFFFFF  }
0xa8: {  	s28 =	simm.s32 $_size_execute0_lowered;
	s4 =	sadd.s32 s4, s6;
	[dreg:$0x0] =	wrdreg $0x0  }
0xa9: {  	s6 =	sshll.u32 s28, $0x1;
	[dreg:$0x2] =	wrdreg s4  }
0xaa: {  	[dreg:$0x3] =	wrdreg s6  }
0xab: {  	[dreg:$0x4] =	wrdreg $0xC0  }
0xac: {  	_ =	task [dreg:s8], $0x5FFFF  }
0xad: {  	[dreg:$0x1] =	wrdreg $0xFFFFFFFF  }
0xae: {  	[dreg:$0x0] =	wrdreg $0x60  }
0xaf: {  	[dreg:$0x2] =	wrdreg s2  }
0xb0: {  	[dreg:$0x3] =	wrdreg s18  }
0xb1: {  	[dreg:$0x4] =	wrdreg s24  }
0xb2: {  	[dreg:$0x5] =	wrdreg $0x14C900  }
0xb3: {  	[dreg:$0x6] =	wrdreg $0x1EA900  }
0xb4: {  	[dreg:$0x7] =	wrdreg $0xB0500  }
0xb5: {  	[dreg:$0x8] =	wrdreg $0x9  }
0xb6: {  	_ =	task.clear_ibuf [dreg:s8], $0x9FFFF;
	_ =	strace $0x90000046  }
0xb7: {  	s29 =	simm.s32 $0x9;
	_ =	strace $0x80000048  }
0xb8: {  	_ =	swait.ge [sflag:s29], $0x1  }
0xb9: {  	[sflag:s29] =	ssyncadd.s32 $0xFFFFFFFF  }
0xba: {  	_ =	strace $0x90000048  }
0xbb: {  	_ =	sfence  }
0xbc: {  	s30 =	sld [smem:$0x0];
	_ =	sdelay $0x2  }
0xbd: {  	s31 =	sshll.u32 s1, $0xD;
	s1 =	sshrl.u32 s1, $0x2  }
0xbe: {  	s3 =	sand.u32 $0x4000, s31;
	s1 =	sadd.s32 s1, s30  }
0xbf: {  	s0 =	sor.u32 s3, s0;
	s1 =	sshll.u32 s1, $0x11  }
0xc0: {  	s0 =	sor.u32 s1, s0  }
0xc1: {  	s0 =	sadd.s32 $0x8F2B, s0  }
0xc2: {  	[sflag:s0] =	ssyncadd.remote.s32 $0x1  }
0xc3: {  	_ =	sfence.sel $0xFFFF  }
0xc4: {  	[dreg:$0x0] =	wrdreg $0xFFFFFFFF;
	(pc) =	sbr.abs _section_cstart, $3  }
0xc5: {  	[dreg:$0x1] =	wrdreg $0xFFFFFFFF  }
0xc6: {  	_ =	task.clear_ibuf [dreg:s8], $0x2FFFF;
	_ =	strace $0x9FFFFFFF  }
0xc7: {  	(tm) =	ssettm $0x7FFFFFFF  }
tec
execute0_lowered:
.L_overlay_start_1:
0x0: {  	(tag) =	ssettag $0x1  }
0x1: {  	s0 =	rddreg [dreg:$0x0]  }
0x2: {  	s2 =	rddreg [dreg:$0x1]  }
0x3: {  	s4 =	rddreg [dreg:$0x2]  }
0x4: {  	s1 =	rddreg [dreg:$0x3]  }
0x5: {  	s23 =	rddreg [dreg:$0x4]  }
0x6: {  	s3 =	rddreg [dreg:$0x5];
	s25 =	stileid.u32  }
0x7: {  	s6 =	srdreg.scid;
	s5 =	simm.s32 $0x0;
	s10 =	smul.u32 $0xA00, s25  }
0x8: {  	s28 =	simm.s32 $0x8800;
	s29 =	simm.s32 $0x1;
	s13 =	smul.u32 $0x9E00, s25  }
0x9: {  	s30 =	simm.s32 $0x8;
	s31 =	simm.s32 $0x80;
	s12 =	smul.u32 $0x13880, s25  }
0xa: {  	s11 =	sand.u32 $0x1, s6;
	[smem:$0x7FF] =	sst s5;
	s21 =	smul.u32 $0x27100, s25  }
0xb: {  	s15 =	sadd.s32 $0xB400, s4;
	p0 =	sne.s32 s25, $0x0;
	s6 =	smul.u32 $0x500, s11  }
0xc: {  	_ =	strace $0x80000047;
	s7 =	ssub.s32 $0x2, s11;
	s20 =	sshll.u32 s11, $0x6  }
0xd: {  	p1 =	seq.s32 s11, $0x0;
	s14 =	sadd.s32 s10, s4;
	s8 =	sshrl.u32 s7, $0x1  }
0xe: {  	s17 =	sadd.s32 $0x2000, s13;
	s18 =	sadd.s32 $0x4000, s13;
	s19 =	sadd.s32 $0x6000, s13  }
0xf: {  	s12 =	sor.u32 s20, s12;
	s20 =	sadd.s32 $0x7E00, s13;
	s22 =	sshrl.u32 s10, $0x2  }
0x10: {  	s24 =	sadd.s32 s2, s10;
	s10 =	sshrl.u32 s21, $0x2;
	s4 =	sadd.s32 s6, s4  }
0x11: {  	s16 =	ssub.s32 s7, s8;
	s6 =	sadd.s32 s13, s1;
	s7 =	sadd.s32 s17, s1  }
0x12: {  	s8 =	sadd.s32 s18, s1;
	s9 =	sadd.s32 s19, s1;
	s12 =	sshrl.u32 s12, $0x3  }
0x13: {  	s26 =	sadd.s32 s22, s23;
	s2 =	sadd.s32 s10, s3;
	[dreg:$0x8] =	wrdreg s24  }
0x14: {  	s0 =	sadd.s32 s0, s12;
	s12 =	sadd.s32 s20, s1;
	[dreg:$0x9] =	wrdreg s26  }
0x15: {  	s26 =	sadd.s32 $0xA00, s14;
	[dreg:$0x7] =	wrdreg s0;
	s0 =	smul.u32 $0x9E000, s11  }
0x16: {  	[dreg:$0xa] =	wrdreg s26;
	s26 =	sshrl.u32 s2, $0x3;
	s2 =	simm.s32 $0x6800  }
0x17: {  	[dreg:$0x12] =	wrdreg s26;
	s26 =	simm.s32 $0xB;
	s13 =	sadd.s32 s13, s0  }
0x18: {  	s21 =	sadd.s32 s0, s17;
	s22 =	sadd.s32 s0, s18;
	s23 =	sadd.s32 s0, s19  }
0x19: {  	s0 =	sadd.s32 s0, s20;
	s17 =	simm.s32 $0x0;
	s10 =	sshrl.u32 s13, $0x3  }
0x1a: {  	s13 =	sshrl.u32 s21, $0x3;
	s19 =	sshrl.u32 s22, $0x3;
	s20 =	sshrl.u32 s23, $0x3  }
0x1b: {  	s0 =	sshrl.u32 s0, $0x3;
	s22 =	sadd.s32 $0xAA00, s4;
	s23 =	smax.u32 s16, $0x1  }
0x1c: {  	s4 =	simm.s32 $0x4800;
	s10 =	sadd.s32 s15, s10;
	[dreg:$0x10] =	wrdreg s22  }
0x1d: {  	s13 =	sadd.s32 s15, s13;
	s21 =	sadd.s32 s15, s20;
	[dreg:$0x11] =	wrdreg s23  }
.Ltmp0:
0x1e: {  	s0 =	sadd.s32 s15, s0;
	[dreg:$0xb] =	wrdreg s10;
	(pc) =	sbr.rel .LBB2_1-.Ltmp0, $4  }
0x1f: {  	s22 =	sadd.s32 $0xA40, s14;
	s23 =	sadd.s32 $0x40, s24;
	[dreg:$0xc] =	wrdreg s13  }
0x20: {  	v0 =	vlaneseq.u32;
	s24 =	simm.s32 $0x800;
	s14 =	simm.s32 $0x4;
	[dreg:$0xe] =	wrdreg s21  }
0x21: {  	v1 =	vimm.f32 $0.0e+00;
	v2 =	vor.u32 $0x10, v0;
	s10 =	sadd.s32 s15, s19;
	[dreg:$0xf] =	wrdreg s0;
	s0 =	simm.s32 $0x2800  }
0x22: {  	v3 =	vor.u32 $0x20, v0;
	v4 =	vor.u32 $0x30, v0;
	v5 =	vor.u32 $0x40, v0;
	s13 =	simm.s32 $0x3;
	[dreg:$0xd] =	wrdreg s10;
	s10 =	simm.s32 $0x2  }
.LBB2_9:
0x23: {  	s11 =	simm.s32 $0x5  }
0x24: {  	_ =	swait.ge [sflag:s11], $0x2000  }
0x25: {  	[sflag:s11] =	ssyncset.done $0x0  }
0x26: {  	s20 =	simm.s32 $0x6;
	[sflag:s11] =	ssyncadd.s32 $0xFFFFE000  }
0x27: {  	_ =	swait.ge [sflag:s20], $0x2000  }
0x28: {  	[sflag:s20] =	ssyncset.done $0x0  }
0x29: {  	s21 =	simm.s32 $0x7;
	[sflag:s20] =	ssyncadd.s32 $0xFFFFE000  }
0x2a: {  	_ =	swait.ge [sflag:s21], $0x2000  }
0x2b: {  	[sflag:s21] =	ssyncset.done $0x0  }
0x2c: {  	[sflag:s21] =	ssyncadd.s32 $0xFFFFE000  }
0x2d: {  	_ =	swait.ge [sflag:s30], $0x2000  }
0x2e: {  	[sflag:s30] =	ssyncset.done $0x0  }
0x2f: {  	[sflag:s30] =	ssyncadd.s32 $0xFFFFE000  }
0x30: {  	s25 =	simm.s32 $0x50;
	s16 =	simm.s32 $0xB000;
	s15 =	rddreg [dreg:$0x4]  }
0x31: {  	[spmem:s15] =	stream.indirect.scatter.add.f32 [tilespmem:s28], [sflag:$0xB], $0x80, s16, s25, $0xb8;
	[tilespmem:$0x1ED10] =	vst v63  }
0x32: {  	_ =	swait.ge [sflag:s26], $0x2800  }
0x33: {  	[sflag:s26] =	ssyncset.done $0x0  }
0x34: {  	[sflag:s26] =	ssyncadd.s32 $0xFFFFD800  }
0x35: {  	[bflag:$0x0] =	sbarrier.arrive $0xFFFF  }
0x36: {  	[tilespmem:s24], [sflag:$0xB] =	stream.linear.gather [spmem:s6], $0x2000, $0x38;
	[tilespmem:$0x1ED10] =	vst v63  }
0x37: {  	_ =	swait.ge [sflag:s26], $0x2000  }
0x38: {  	[sflag:s26] =	ssyncset.done $0x0  }
0x39: {  	s16 =	rddreg [dreg:$0xb];
	[sflag:s26] =	ssyncadd.s32 $0xFFFFE000  }
0x3a: {  	[hbm4b:s16+s5] =	stream.linear.scatter [tilespmem:s24], [sflag:$0xB], $0x2000, $0x38;
	[tilespmem:$0x1ED10] =	vst v63  }
0x3b: {  	_ =	swait.ge [sflag:s26], $0x2000  }
0x3c: {  	[sflag:s26] =	ssyncset.done $0x0  }
0x3d: {  	[sflag:s26] =	ssyncadd.s32 $0xFFFFE000  }
0x3e: {  	[tilespmem:s24], [sflag:$0xB] =	stream.linear.gather [spmem:s7], $0x2000, $0x38;
	[tilespmem:$0x1ED10] =	vst v63  }
0x3f: {  	_ =	swait.ge [sflag:s26], $0x2000  }
0x40: {  	[sflag:s26] =	ssyncset.done $0x0  }
0x41: {  	s18 =	rddreg [dreg:$0xc];
	[sflag:s26] =	ssyncadd.s32 $0xFFFFE000  }
0x42: {  	[hbm4b:s18+s5] =	stream.linear.scatter [tilespmem:s24], [sflag:$0xB], $0x2000, $0x38;
	[tilespmem:$0x1ED10] =	vst v63  }
0x43: {  	_ =	swait.ge [sflag:s26], $0x2000  }
0x44: {  	[sflag:s26] =	ssyncset.done $0x0  }
0x45: {  	[sflag:s26] =	ssyncadd.s32 $0xFFFFE000  }
0x46: {  	[tilespmem:s24], [sflag:$0xB] =	stream.linear.gather [spmem:s8], $0x2000, $0x38;
	[tilespmem:$0x1ED10] =	vst v63  }
0x47: {  	_ =	swait.ge [sflag:s26], $0x2000  }
0x48: {  	[sflag:s26] =	ssyncset.done $0x0  }
0x49: {  	s19 =	rddreg [dreg:$0xd];
	[sflag:s26] =	ssyncadd.s32 $0xFFFFE000  }
0x4a: {  	[hbm4b:s19+s5] =	stream.linear.scatter [tilespmem:s24], [sflag:$0xB], $0x2000, $0x38;
	[tilespmem:$0x1ED10] =	vst v63  }
0x4b: {  	_ =	swait.ge [sflag:s26], $0x2000  }
0x4c: {  	[sflag:s26] =	ssyncset.done $0x0  }
0x4d: {  	[sflag:s26] =	ssyncadd.s32 $0xFFFFE000  }
0x4e: {  	[tilespmem:s24], [sflag:$0xB] =	stream.linear.gather [spmem:s9], $0x2000, $0x38;
	[tilespmem:$0x1ED10] =	vst v63  }
0x4f: {  	_ =	swait.ge [sflag:s26], $0x2000  }
0x50: {  	[sflag:s26] =	ssyncset.done $0x0  }
0x51: {  	s20 =	rddreg [dreg:$0xe];
	[sflag:s26] =	ssyncadd.s32 $0xFFFFE000  }
0x52: {  	[hbm4b:s20+s5] =	stream.linear.scatter [tilespmem:s24], [sflag:$0xB], $0x2000, $0x38;
	[tilespmem:$0x1ED10] =	vst v63  }
0x53: {  	_ =	swait.ge [sflag:s26], $0x2000  }
0x54: {  	[sflag:s26] =	ssyncset.done $0x0  }
0x55: {  	[sflag:s26] =	ssyncadd.s32 $0xFFFFE000  }
0x56: {  	[tilespmem:s24], [sflag:$0xB] =	stream.linear.gather [spmem:s12], $0x2000, $0x38;
	[tilespmem:$0x1ED10] =	vst v63  }
0x57: {  	_ =	swait.ge [sflag:s26], $0x2000  }
0x58: {  	[sflag:s26] =	ssyncset.done $0x0  }
0x59: {  	s21 =	rddreg [dreg:$0xf];
	[sflag:s26] =	ssyncadd.s32 $0xFFFFE000  }
0x5a: {  	[hbm4b:s21+s5] =	stream.linear.scatter [tilespmem:s24], [sflag:$0xB], $0x2000, $0x38;
	[tilespmem:$0x1ED10] =	vst v63  }
0x5b: {  	_ =	swait.ge [sflag:s26], $0x2000  }
0x5c: {  	[sflag:s26] =	ssyncset.done $0x0  }
0x5d: {  	s11 =	simm.s32 @!p0 $0x8800;
	[sflag:s26] =	ssyncadd.s32 $0xFFFFE000  }
0x5e: {  	[tilespmem:s11], [sflag:$0xB] =	stream.linear.gather @!p0 [spmem:s15], $0x2800, $0x38;
	[tilespmem:$0x1ED10] =	vst v63  }
0x5f: {  	s15 =	simm.s32 @!p0 $0xB  }
0x60: {  	_ =	swait.ge @!p0 [sflag:s15], $0x2800  }
0x61: {  	[sflag:s15] =	ssyncset.done @!p0 $0x0  }
0x62: {  	s16 =	simm.s32 @!p0 $0x0;
	s18 =	rddreg [dreg:$0x10];
	[sflag:s15] =	ssyncadd.s32 @!p0 $0xFFFFD800  }
0x63: {  	[hbm4b:s18+s16] =	stream.linear.scatter @!p0 [tilespmem:s11], [sflag:$0xB], $0x2800, $0x38;
	[tilespmem:$0x1ED10] =	vst v63  }
0x64: {  	_ =	swait.ge @!p0 [sflag:s15], $0x2800  }
0x65: {  	s17 =	sadd.s32 $0x1, s17;
	s25 =	rddreg [dreg:$0x11]  }
0x66: {  	p2 =	sne.s32 s17, s25  }
.Ltmp1:
0x67: {  	_ = 	snop;
	(pc) =	sbr.rel @!p2 .LBB2_10-.Ltmp1, $3  }
0x68: {  	_ =	sdelay $0x1  }
0x69: {  	[sflag:s15] =	ssyncset.done @!p0 $0x0  }
0x6a: {  	[sflag:s15] =	ssyncadd.s32 @!p0 $0xFFFFD800  }
.LBB2_1:
0x6b: {  	s15 =	simm.s32 $0x0  }
.LBB2_2:
0x6c: {  	p2 =	sne.s32 s15, $0x7F00  }
.Ltmp2:
0x6d: {  	s18 =	sshra.s32 s15, $0x2;
	(pc) =	sbr.rel @p2 .LBB2_2-.Ltmp2, $4  }
0x6e: {  	[tilespmem:s18+$0x800] =	vst v1  }
0x6f: {  	[tilespmem:s18+$0x810] =	vst v1  }
0x70: {  	[tilespmem:s18+$0x820] =	vst v1  }
0x71: {  	s15 =	sadd.s32 $0x100, s15;
	[tilespmem:s18+$0x830] =	vst v1  }
0x72: {  	s15 =	simm.s32 $0x0;
	s18 =	simm.s32 $0x200  }
.LBB2_4:
0x73: {  	p2 =	sne.s32 s18, $0x9E00;
	[tilespmem:s15+$0x8870] =	vst v1  }
0x74: {  	[tilespmem:s15+$0x8800] =	vst v1  }
0x75: {  	[tilespmem:s15+$0x8810] =	vst v1  }
.Ltmp3:
0x76: {  	[tilespmem:s15+$0x8820] =	vst v1;
	(pc) =	sbr.rel @p2 .LBB2_4-.Ltmp3, $4  }
0x77: {  	[tilespmem:s15+$0x8830] =	vst v1  }
0x78: {  	[tilespmem:s15+$0x8840] =	vst v1  }
0x79: {  	[tilespmem:s15+$0x8850] =	vst v1  }
0x7a: {  	[tilespmem:s15+$0x8860] =	vst v1;
	s15 =	sshra.s32 s18, $0x2;
	s18 =	sadd.s32 $0x200, s18  }
0x7b: {  	[tilespmem:s15+$0x8870] =	vst v1  }
0x7c: {  	[tilespmem:s15+$0x8800] =	vst v1  }
0x7d: {  	[tilespmem:s15+$0x8810] =	vst v1  }
0x7e: {  	[tilespmem:s15+$0x8820] =	vst v1  }
0x7f: {  	[tilespmem:s15+$0x8830] =	vst v1  }
0x80: {  	[tilespmem:s15+$0x8840] =	vst v1  }
0x81: {  	[tilespmem:s15+$0x8850] =	vst v1  }
0x82: {  	[tilespmem:s15+$0x8860] =	vst v1  }
0x83: {  	[tilespmem:$0xB000] =	vst v0  }
0x84: {  	[tilespmem:$0xB010] =	vst v2  }
0x85: {  	[tilespmem:$0xB020] =	vst v3  }
0x86: {  	[tilespmem:$0xB030] =	vst v4  }
0x87: {  	[tilespmem:$0xB040] =	vst v5  }
0x88: {  	[spmem:s6] =	stream.linear.scatter [tilespmem:s24], [sflag:$0xB], $0x2000, $0x38;
	[tilespmem:$0x1ED10] =	vst v63  }
0x89: {  	_ =	swait.ge [sflag:s26], $0x2000  }
0x8a: {  	[sflag:s26] =	ssyncset.done $0x0  }
0x8b: {  	[sflag:s26] =	ssyncadd.s32 $0xFFFFE000  }
0x8c: {  	[spmem:s7] =	stream.linear.scatter [tilespmem:s24], [sflag:$0xB], $0x2000, $0x38;
	[tilespmem:$0x1ED10] =	vst v63  }
0x8d: {  	_ =	swait.ge [sflag:s26], $0x2000  }
0x8e: {  	[sflag:s26] =	ssyncset.done $0x0  }
0x8f: {  	[sflag:s26] =	ssyncadd.s32 $0xFFFFE000  }
0x90: {  	[spmem:s8] =	stream.linear.scatter [tilespmem:s24], [sflag:$0xB], $0x2000, $0x38;
	[tilespmem:$0x1ED10] =	vst v63  }
0x91: {  	_ =	swait.ge [sflag:s26], $0x2000  }
0x92: {  	[sflag:s26] =	ssyncset.done $0x0  }
0x93: {  	[sflag:s26] =	ssyncadd.s32 $0xFFFFE000  }
0x94: {  	[spmem:s9] =	stream.linear.scatter [tilespmem:s24], [sflag:$0xB], $0x2000, $0x38;
	[tilespmem:$0x1ED10] =	vst v63  }
0x95: {  	_ =	swait.ge [sflag:s26], $0x2000  }
0x96: {  	[sflag:s26] =	ssyncset.done $0x0  }
0x97: {  	[sflag:s26] =	ssyncadd.s32 $0xFFFFE000  }
0x98: {  	[spmem:s12] =	stream.linear.scatter [tilespmem:s24], [sflag:$0xB], $0x2000, $0x38;
	[tilespmem:$0x1ED10] =	vst v63  }
0x99: {  	_ =	swait.ge [sflag:s26], $0x2000  }
0x9a: {  	[sflag:s26] =	ssyncset.done $0x0  }
0x9b: {  	s16 =	stileid.u32;
	s11 =	rddreg [dreg:$0x9];
	[sflag:s26] =	ssyncadd.s32 $0xFFFFE000  }
0x9c: {  	[spmem:s11] =	stream.linear.scatter [tilespmem:s28], [sflag:$0xB], $0x280, $0x38;
	[tilespmem:$0x1ED10] =	vst v63  }
0x9d: {  	s18 =	sshll.u32 s16, $0x6;
	_ =	swait.ge [sflag:s26], $0x280  }
0x9e: {  	s15 =	sor.u32 $0x1C0B, s18;
	[sflag:s26] =	ssyncset.done $0x0;
	s19 =	rddreg [dreg:$0x7]  }
0x9f: {  	s18 =	simm.s32 $0x10;
	s16 =	rddreg [dreg:$0x12];
	[sflag:s26] =	ssyncadd.s32 $0xFFFFFD80  }
0xa0: {  	[spmem:s16@s30], [sflag:s15] =	dma.strided [hbm:s19@s18], $0x1388, s29, $0x8   }
0xa1: {  	_ =	swait.ge [sflag:s26], $0x1388  }
0xa2: {  	[sflag:s26] =	ssyncset.done $0x0  }
0xa3: {  	[sflag:s26] =	ssyncadd.s32 $0xFFFFEC78  }
.Ltmp4:
0xa4: {  	[bflag:$0x0] =	sbarrier.arrive $0xFFFF;
	(pc) =	sbr.rel .LBB2_6-.Ltmp4, $4  }
0xa5: {  	s18 =	simm.s32 $0x0;
	s20 =	rddreg [dreg:$0x8]  }
0xa6: {  	[tilespmem:s18], [sflag:$0x9] =	stream.linear.gather [hbm4b:s20+s18], $0x200, $0x38;
	[tilespmem:$0x1ED10] =	vst v63  }
0xa7: {  	s25 =	simm.s32 $0x400;
	s19 =	simm.s32 $0x0;
	s21 =	rddreg [dreg:$0xa]  }
0xa8: {  	[tilespmem:s25], [sflag:$0x9] =	stream.linear.gather [hbm4b:s21+s18], $0x200, $0x38;
	[tilespmem:$0x1ED10] =	vst v63  }
.LBB2_8:
0xa9: {  	s18 =	sadd.s32 $0x40, s18  }
0xaa: {  	p2 =	sne.s32 s18, $0xA00  }
.Ltmp5:
0xab: {  	_ = 	snop;
	(pc) =	sbr.rel @!p2 .LBB2_9-.Ltmp5, $2  }
0xac: {  	_ =	sdelay $0x2  }
0xad: {  	s19 =	sadd.s32 $0x1, s19  }
.LBB2_6:
0xae: {  	p2 =	seq.s32 s18, $0x0  }
0xaf: {  	s15 =	simm.s32 @!p2 $0x5  }
0xb0: {  	_ =	swait.ge @!p2 [sflag:s15], $0x2000  }
0xb1: {  	[sflag:s15] =	ssyncset.done @!p2 $0x0  }
0xb2: {  	[sflag:s15] =	ssyncadd.s32 @!p2 $0xFFFFE000;
	s15 =	simm.s32 @!p2 $0x6  }
0xb3: {  	_ =	swait.ge @!p2 [sflag:s15], $0x2000  }
0xb4: {  	[sflag:s15] =	ssyncset.done @!p2 $0x0  }
0xb5: {  	[sflag:s15] =	ssyncadd.s32 @!p2 $0xFFFFE000;
	s15 =	simm.s32 @!p2 $0x7  }
0xb6: {  	_ =	swait.ge @!p2 [sflag:s15], $0x2000  }
0xb7: {  	[sflag:s15] =	ssyncset.done @!p2 $0x0  }
0xb8: {  	[sflag:s15] =	ssyncadd.s32 @!p2 $0xFFFFE000;
	s15 =	simm.s32 @!p2 $0x8  }
0xb9: {  	_ =	swait.ge @!p2 [sflag:s15], $0x2000  }
0xba: {  	s20 =	sand.u32 $0x1, s19;
	[sflag:s15] =	ssyncset.done @!p2 $0x0  }
0xbb: {  	s11 =	sadd.s32 $0x9, s20;
	[sflag:s15] =	ssyncadd.s32 @!p2 $0xFFFFE000  }
0xbc: {  	_ =	swait.ge [sflag:s11], $0x200  }
0xbd: {  	[sflag:s11] =	ssyncset.done $0x0  }
0xbe: {  	p2 =	seq.s32 s18, $0x9C0;
	[sflag:s11] =	ssyncadd.s32 $0xFFFFFE00  }
0xbf: {  	s21 =	sxor.u32 @!p2 $0x1, s20;
	_ =	swait.ge [sflag:s11], $0x200  }
0xc0: {  	s25 =	sadd.s32 @!p2 s18, s23;
	s15 =	sadd.s32 @!p2 $0x9, s21;
	[sflag:s11] =	ssyncset.done $0x0  }
0xc1: {  	s21 =	sshll.u32 @!p2 s21, $0x9;
	[sflag:s11] =	ssyncadd.s32 $0xFFFFFE00;
	s11 =	simm.s32 @!p2 $0x0  }
0xc2: {  	[tilespmem:s21], [sflag:s15] =	stream.linear.gather @!p2 [hbm4b:s25+s11], $0x200, $0x38;
	[tilespmem:$0x1ED10] =	vst v63  }
0xc3: {  	s21 =	sor.u32 @!p2 $0x400, s21;
	s25 =	sadd.s32 @!p2 s18, s22  }
0xc4: {  	[tilespmem:s21], [sflag:s15] =	stream.linear.gather @!p2 [hbm4b:s25+s11], $0x200, $0x38;
	[tilespmem:$0x1ED10] =	vst v63  }
0xc5: {  	s20 =	sshll.u32 s20, $0x9  }
0xc6: {  	[tilespmem:s24], [sflag:$0x1] =	stream.indirect.gather [spmem:s3], $0x40, s20, s31, $0xb8;
	[tilespmem:$0x1ED10] =	vst v63  }
0xc7: {  	s15 =	sor.u32 $0x80, s20  }
0xc8: {  	[tilespmem:s0], [sflag:$0x2] =	stream.indirect.gather [spmem:s3], $0x40, s15, s31, $0xb8;
	[tilespmem:$0x1ED10] =	vst v63  }
0xc9: {  	s25 =	sor.u32 $0x100, s20  }
0xca: {  	[tilespmem:s4], [sflag:$0x3] =	stream.indirect.gather [spmem:s3], $0x40, s25, s31, $0xb8;
	[tilespmem:$0x1ED10] =	vst v63  }
0xcb: {  	s21 =	sor.u32 $0x180, s20  }
0xcc: {  	[tilespmem:s2], [sflag:$0x4] =	stream.indirect.gather [spmem:s3], $0x40, s21, s31, $0xb8;
	[tilespmem:$0x1ED10] =	vst v63  }
0xcd: {  	_ =	swait.ge [sflag:s29], $0x2000  }
0xce: {  	[sflag:s29] =	ssyncset.done $0x0  }
0xcf: {  	s16 =	sor.u32 $0x400, s20;
	[sflag:s29] =	ssyncadd.s32 $0xFFFFE000  }
0xd0: {  	[spmem:s1] =	stream.indirect.scatter.add.f32 [tilespmem:s24], [sflag:$0x5], $0x40, s16, s31, $0xb8;
	[tilespmem:$0x1ED10] =	vst v63  }
0xd1: {  	_ =	swait.ge [sflag:s10], $0x2000  }
0xd2: {  	[sflag:s10] =	ssyncset.done $0x0  }
0xd3: {  	s16 =	sor.u32 $0x480, s20;
	[sflag:s10] =	ssyncadd.s32 $0xFFFFE000  }
0xd4: {  	[spmem:s1] =	stream.indirect.scatter.add.f32 [tilespmem:s0], [sflag:$0x6], $0x40, s16, s31, $0xb8;
	[tilespmem:$0x1ED10] =	vst v63  }
0xd5: {  	_ =	swait.ge [sflag:s13], $0x2000  }
0xd6: {  	[sflag:s13] =	ssyncset.done $0x0  }
0xd7: {  	s16 =	sor.u32 $0x500, s20;
	[sflag:s13] =	ssyncadd.s32 $0xFFFFE000  }
0xd8: {  	[spmem:s1] =	stream.indirect.scatter.add.f32 [tilespmem:s4], [sflag:$0x7], $0x40, s16, s31, $0xb8;
	[tilespmem:$0x1ED10] =	vst v63  }
0xd9: {  	_ =	swait.ge [sflag:s14], $0x2000  }
0xda: {  	[sflag:s14] =	ssyncset.done $0x0  }
0xdb: {  	s16 =	sor.u32 $0x580, s20;
	[sflag:s14] =	ssyncadd.s32 $0xFFFFE000  }
0xdc: {  	[spmem:s1] =	stream.indirect.scatter.add.f32 [tilespmem:s2], [sflag:$0x8], $0x40, s16, s31, $0xb8;
	[tilespmem:$0x1ED10] =	vst v63  }
0xdd: {  	p2 =	sgt.u32 s19, $0x13;
	s11 =	simm.s32 $0x1;
	s16 =	simm.s32 $0x1  }
0xde: {  	s11 =	simm.s32 @!p2 $0x0;
	s16 =	simm.s32 @!p1 $0x0  }
0xdf: {  	p2 =	seq.s32 s16, s11  }
.Ltmp6:
0xe0: {  	_ = 	snop;
	(pc) =	sbr.rel @p2 .LBB2_8-.Ltmp6, $1  }
0xe1: {  	_ =	sdelay $0x3  }
0xe2: {  	v6 =	vld [tilespmem:s20+$0x400];
	_ =	sdelay $0x4  }
0xe3: {  	(xrf1) =	vunique.msk.u32 $0xffff, v6;
	_ =	sdelay $0xd  }
0xe4: {  	_, v7, vm0 =	vpop (xrf1);
	_ =	sdelay $0x3  }
0xe5: {  	v7 =	vcvt.s32.f32 v7;
	_ =	sdelay $0x1  }
0xe6: {  	[tilespmem:v6+s28+$0x0] =	vst.idx.add.f32.msk vm0, v7  }
0xe7: {  	v6 =	vld [tilespmem:s20+$0x410];
	_ =	sdelay $0x4  }
0xe8: {  	(xrf1) =	vunique.msk.u32 $0xffff, v6;
	_ =	sdelay $0xd  }
0xe9: {  	_, v7, vm0 =	vpop (xrf1);
	_ =	sdelay $0x3  }
0xea: {  	v7 =	vcvt.s32.f32 v7;
	_ =	sdelay $0x1  }
0xeb: {  	[tilespmem:v6+s28+$0x0] =	vst.idx.add.f32.msk vm0, v7  }
0xec: {  	v6 =	vld [tilespmem:s20+$0x420];
	_ =	sdelay $0x4  }
0xed: {  	(xrf1) =	vunique.msk.u32 $0xffff, v6;
	_ =	sdelay $0xd  }
0xee: {  	_, v7, vm0 =	vpop (xrf1);
	_ =	sdelay $0x3  }
0xef: {  	v7 =	vcvt.s32.f32 v7;
	_ =	sdelay $0x1  }
0xf0: {  	[tilespmem:v6+s28+$0x0] =	vst.idx.add.f32.msk vm0, v7  }
0xf1: {  	v6 =	vld [tilespmem:s20+$0x430];
	_ =	sdelay $0x4  }
0xf2: {  	(xrf1) =	vunique.msk.u32 $0xffff, v6;
	_ =	sdelay $0xd  }
0xf3: {  	_, v7, vm0 =	vpop (xrf1);
	_ =	sdelay $0x3  }
0xf4: {  	v7 =	vcvt.s32.f32 v7;
	_ =	sdelay $0x1  }
0xf5: {  	[tilespmem:v6+s28+$0x0] =	vst.idx.add.f32.msk vm0, v7  }
0xf6: {  	v6 =	vld [tilespmem:s20+$0x440];
	_ =	sdelay $0x4  }
0xf7: {  	(xrf1) =	vunique.msk.u32 $0xffff, v6;
	_ =	sdelay $0xd  }
0xf8: {  	_, v7, vm0 =	vpop (xrf1);
	_ =	sdelay $0x3  }
0xf9: {  	v7 =	vcvt.s32.f32 v7;
	_ =	sdelay $0x1  }
0xfa: {  	[tilespmem:v6+s28+$0x0] =	vst.idx.add.f32.msk vm0, v7  }
0xfb: {  	v6 =	vld [tilespmem:s20+$0x450];
	_ =	sdelay $0x4  }
0xfc: {  	(xrf1) =	vunique.msk.u32 $0xffff, v6;
	_ =	sdelay $0xd  }
0xfd: {  	_, v7, vm0 =	vpop (xrf1);
	_ =	sdelay $0x3  }
0xfe: {  	v7 =	vcvt.s32.f32 v7;
	_ =	sdelay $0x1  }
0xff: {  	[tilespmem:v6+s28+$0x0] =	vst.idx.add.f32.msk vm0, v7  }
0x100: {  	v6 =	vld [tilespmem:s20+$0x460];
	_ =	sdelay $0x4  }
0x101: {  	(xrf1) =	vunique.msk.u32 $0xffff, v6;
	_ =	sdelay $0xd  }
0x102: {  	_, v7, vm0 =	vpop (xrf1);
	_ =	sdelay $0x3  }
0x103: {  	v7 =	vcvt.s32.f32 v7;
	_ =	sdelay $0x1  }
0x104: {  	[tilespmem:v6+s28+$0x0] =	vst.idx.add.f32.msk vm0, v7  }
0x105: {  	v6 =	vld [tilespmem:s20+$0x470];
	_ =	sdelay $0x4  }
0x106: {  	(xrf1) =	vunique.msk.u32 $0xffff, v6;
	_ =	sdelay $0xd  }
0x107: {  	_, v7, vm0 =	vpop (xrf1);
	_ =	sdelay $0x3  }
0x108: {  	v7 =	vcvt.s32.f32 v7;
	_ =	sdelay $0x1  }
0x109: {  	[tilespmem:v6+s28+$0x0] =	vst.idx.add.f32.msk vm0, v7  }
0x10a: {  	v6 =	vld [tilespmem:s15+$0x400];
	_ =	sdelay $0x4  }
0x10b: {  	(xrf1) =	vunique.msk.u32 $0xffff, v6;
	_ =	sdelay $0xd  }
0x10c: {  	_, v7, vm0 =	vpop (xrf1);
	_ =	sdelay $0x3  }
0x10d: {  	v7 =	vcvt.s32.f32 v7;
	_ =	sdelay $0x1  }
0x10e: {  	[tilespmem:v6+s28+$0x0] =	vst.idx.add.f32.msk vm0, v7  }
0x10f: {  	v6 =	vld [tilespmem:s20+$0x490];
	_ =	sdelay $0x4  }
0x110: {  	(xrf1) =	vunique.msk.u32 $0xffff, v6;
	_ =	sdelay $0xd  }
0x111: {  	_, v7, vm0 =	vpop (xrf1);
	_ =	sdelay $0x3  }
0x112: {  	v7 =	vcvt.s32.f32 v7;
	_ =	sdelay $0x1  }
0x113: {  	[tilespmem:v6+s28+$0x0] =	vst.idx.add.f32.msk vm0, v7  }
0x114: {  	v6 =	vld [tilespmem:s20+$0x4A0];
	_ =	sdelay $0x4  }
0x115: {  	(xrf1) =	vunique.msk.u32 $0xffff, v6;
	_ =	sdelay $0xd  }
0x116: {  	_, v7, vm0 =	vpop (xrf1);
	_ =	sdelay $0x3  }
0x117: {  	v7 =	vcvt.s32.f32 v7;
	_ =	sdelay $0x1  }
0x118: {  	[tilespmem:v6+s28+$0x0] =	vst.idx.add.f32.msk vm0, v7  }
0x119: {  	v6 =	vld [tilespmem:s20+$0x4B0];
	_ =	sdelay $0x4  }
0x11a: {  	(xrf1) =	vunique.msk.u32 $0xffff, v6;
	_ =	sdelay $0xd  }
0x11b: {  	_, v7, vm0 =	vpop (xrf1);
	_ =	sdelay $0x3  }
0x11c: {  	v7 =	vcvt.s32.f32 v7;
	_ =	sdelay $0x1  }
0x11d: {  	[tilespmem:v6+s28+$0x0] =	vst.idx.add.f32.msk vm0, v7  }
0x11e: {  	v6 =	vld [tilespmem:s20+$0x4C0];
	_ =	sdelay $0x4  }
0x11f: {  	(xrf1) =	vunique.msk.u32 $0xffff, v6;
	_ =	sdelay $0xd  }
0x120: {  	_, v7, vm0 =	vpop (xrf1);
	_ =	sdelay $0x3  }
0x121: {  	v7 =	vcvt.s32.f32 v7;
	_ =	sdelay $0x1  }
0x122: {  	[tilespmem:v6+s28+$0x0] =	vst.idx.add.f32.msk vm0, v7  }
0x123: {  	v6 =	vld [tilespmem:s20+$0x4D0];
	_ =	sdelay $0x4  }
0x124: {  	(xrf1) =	vunique.msk.u32 $0xffff, v6;
	_ =	sdelay $0xd  }
0x125: {  	_, v7, vm0 =	vpop (xrf1);
	_ =	sdelay $0x3  }
0x126: {  	v7 =	vcvt.s32.f32 v7;
	_ =	sdelay $0x1  }
0x127: {  	[tilespmem:v6+s28+$0x0] =	vst.idx.add.f32.msk vm0, v7  }
0x128: {  	v6 =	vld [tilespmem:s20+$0x4E0];
	_ =	sdelay $0x4  }
0x129: {  	(xrf1) =	vunique.msk.u32 $0xffff, v6;
	_ =	sdelay $0xd  }
0x12a: {  	_, v7, vm0 =	vpop (xrf1);
	_ =	sdelay $0x3  }
0x12b: {  	v7 =	vcvt.s32.f32 v7;
	_ =	sdelay $0x1  }
0x12c: {  	[tilespmem:v6+s28+$0x0] =	vst.idx.add.f32.msk vm0, v7  }
0x12d: {  	v6 =	vld [tilespmem:s20+$0x4F0];
	_ =	sdelay $0x4  }
0x12e: {  	(xrf1) =	vunique.msk.u32 $0xffff, v6;
	_ =	sdelay $0xd  }
0x12f: {  	_, v7, vm0 =	vpop (xrf1);
	_ =	sdelay $0x3  }
0x130: {  	v7 =	vcvt.s32.f32 v7;
	_ =	sdelay $0x1  }
0x131: {  	[tilespmem:v6+s28+$0x0] =	vst.idx.add.f32.msk vm0, v7  }
0x132: {  	v6 =	vld [tilespmem:s25+$0x400];
	_ =	sdelay $0x4  }
0x133: {  	(xrf1) =	vunique.msk.u32 $0xffff, v6;
	_ =	sdelay $0xd  }
0x134: {  	_, v7, vm0 =	vpop (xrf1);
	_ =	sdelay $0x3  }
0x135: {  	v7 =	vcvt.s32.f32 v7;
	_ =	sdelay $0x1  }
0x136: {  	[tilespmem:v6+s28+$0x0] =	vst.idx.add.f32.msk vm0, v7  }
0x137: {  	v6 =	vld [tilespmem:s20+$0x510];
	_ =	sdelay $0x4  }
0x138: {  	(xrf1) =	vunique.msk.u32 $0xffff, v6;
	_ =	sdelay $0xd  }
0x139: {  	_, v7, vm0 =	vpop (xrf1);
	_ =	sdelay $0x3  }
0x13a: {  	v7 =	vcvt.s32.f32 v7;
	_ =	sdelay $0x1  }
0x13b: {  	[tilespmem:v6+s28+$0x0] =	vst.idx.add.f32.msk vm0, v7  }
0x13c: {  	v6 =	vld [tilespmem:s20+$0x520];
	_ =	sdelay $0x4  }
0x13d: {  	(xrf1) =	vunique.msk.u32 $0xffff, v6;
	_ =	sdelay $0xd  }
0x13e: {  	_, v7, vm0 =	vpop (xrf1);
	_ =	sdelay $0x3  }
0x13f: {  	v7 =	vcvt.s32.f32 v7;
	_ =	sdelay $0x1  }
0x140: {  	[tilespmem:v6+s28+$0x0] =	vst.idx.add.f32.msk vm0, v7  }
0x141: {  	v6 =	vld [tilespmem:s20+$0x530];
	_ =	sdelay $0x4  }
0x142: {  	(xrf1) =	vunique.msk.u32 $0xffff, v6;
	_ =	sdelay $0xd  }
0x143: {  	_, v7, vm0 =	vpop (xrf1);
	_ =	sdelay $0x3  }
0x144: {  	v7 =	vcvt.s32.f32 v7;
	_ =	sdelay $0x1  }
0x145: {  	[tilespmem:v6+s28+$0x0] =	vst.idx.add.f32.msk vm0, v7  }
0x146: {  	v6 =	vld [tilespmem:s20+$0x540];
	_ =	sdelay $0x4  }
0x147: {  	(xrf1) =	vunique.msk.u32 $0xffff, v6;
	_ =	sdelay $0xd  }
0x148: {  	_, v7, vm0 =	vpop (xrf1);
	_ =	sdelay $0x3  }
0x149: {  	v7 =	vcvt.s32.f32 v7;
	_ =	sdelay $0x1  }
0x14a: {  	[tilespmem:v6+s28+$0x0] =	vst.idx.add.f32.msk vm0, v7  }
0x14b: {  	v6 =	vld [tilespmem:s20+$0x550];
	_ =	sdelay $0x4  }
0x14c: {  	(xrf1) =	vunique.msk.u32 $0xffff, v6;
	_ =	sdelay $0xd  }
0x14d: {  	_, v7, vm0 =	vpop (xrf1);
	_ =	sdelay $0x3  }
0x14e: {  	v7 =	vcvt.s32.f32 v7;
	_ =	sdelay $0x1  }
0x14f: {  	[tilespmem:v6+s28+$0x0] =	vst.idx.add.f32.msk vm0, v7  }
0x150: {  	v6 =	vld [tilespmem:s20+$0x560];
	_ =	sdelay $0x4  }
0x151: {  	(xrf1) =	vunique.msk.u32 $0xffff, v6;
	_ =	sdelay $0xd  }
0x152: {  	_, v7, vm0 =	vpop (xrf1);
	_ =	sdelay $0x3  }
0x153: {  	v7 =	vcvt.s32.f32 v7;
	_ =	sdelay $0x1  }
0x154: {  	[tilespmem:v6+s28+$0x0] =	vst.idx.add.f32.msk vm0, v7  }
0x155: {  	v6 =	vld [tilespmem:s20+$0x570];
	_ =	sdelay $0x4  }
0x156: {  	(xrf1) =	vunique.msk.u32 $0xffff, v6;
	_ =	sdelay $0xd  }
0x157: {  	_, v7, vm0 =	vpop (xrf1);
	_ =	sdelay $0x3  }
0x158: {  	v7 =	vcvt.s32.f32 v7;
	_ =	sdelay $0x1  }
0x159: {  	[tilespmem:v6+s28+$0x0] =	vst.idx.add.f32.msk vm0, v7  }
0x15a: {  	v6 =	vld [tilespmem:s21+$0x400];
	_ =	sdelay $0x4  }
0x15b: {  	(xrf1) =	vunique.msk.u32 $0xffff, v6;
	_ =	sdelay $0xd  }
0x15c: {  	_, v7, vm0 =	vpop (xrf1);
	_ =	sdelay $0x3  }
0x15d: {  	v7 =	vcvt.s32.f32 v7;
	_ =	sdelay $0x1  }
0x15e: {  	[tilespmem:v6+s28+$0x0] =	vst.idx.add.f32.msk vm0, v7  }
0x15f: {  	v6 =	vld [tilespmem:s20+$0x590];
	_ =	sdelay $0x4  }
0x160: {  	(xrf1) =	vunique.msk.u32 $0xffff, v6;
	_ =	sdelay $0xd  }
0x161: {  	_, v7, vm0 =	vpop (xrf1);
	_ =	sdelay $0x3  }
0x162: {  	v7 =	vcvt.s32.f32 v7;
	_ =	sdelay $0x1  }
0x163: {  	[tilespmem:v6+s28+$0x0] =	vst.idx.add.f32.msk vm0, v7  }
0x164: {  	v6 =	vld [tilespmem:s20+$0x5A0];
	_ =	sdelay $0x4  }
0x165: {  	(xrf1) =	vunique.msk.u32 $0xffff, v6;
	_ =	sdelay $0xd  }
0x166: {  	_, v7, vm0 =	vpop (xrf1);
	_ =	sdelay $0x3  }
0x167: {  	v7 =	vcvt.s32.f32 v7;
	_ =	sdelay $0x1  }
0x168: {  	[tilespmem:v6+s28+$0x0] =	vst.idx.add.f32.msk vm0, v7  }
0x169: {  	v6 =	vld [tilespmem:s20+$0x5B0];
	_ =	sdelay $0x4  }
0x16a: {  	(xrf1) =	vunique.msk.u32 $0xffff, v6;
	_ =	sdelay $0xd  }
0x16b: {  	_, v7, vm0 =	vpop (xrf1);
	_ =	sdelay $0x3  }
0x16c: {  	v7 =	vcvt.s32.f32 v7;
	_ =	sdelay $0x1  }
0x16d: {  	[tilespmem:v6+s28+$0x0] =	vst.idx.add.f32.msk vm0, v7  }
0x16e: {  	v6 =	vld [tilespmem:s20+$0x5C0];
	_ =	sdelay $0x4  }
0x16f: {  	(xrf1) =	vunique.msk.u32 $0xffff, v6;
	_ =	sdelay $0xd  }
0x170: {  	_, v7, vm0 =	vpop (xrf1);
	_ =	sdelay $0x3  }
0x171: {  	v7 =	vcvt.s32.f32 v7;
	_ =	sdelay $0x1  }
0x172: {  	[tilespmem:v6+s28+$0x0] =	vst.idx.add.f32.msk vm0, v7  }
0x173: {  	v6 =	vld [tilespmem:s20+$0x5D0];
	_ =	sdelay $0x4  }
0x174: {  	(xrf1) =	vunique.msk.u32 $0xffff, v6;
	_ =	sdelay $0xd  }
0x175: {  	_, v7, vm0 =	vpop (xrf1);
	_ =	sdelay $0x3  }
0x176: {  	v7 =	vcvt.s32.f32 v7;
	_ =	sdelay $0x1  }
0x177: {  	[tilespmem:v6+s28+$0x0] =	vst.idx.add.f32.msk vm0, v7  }
0x178: {  	v6 =	vld [tilespmem:s20+$0x5E0];
	_ =	sdelay $0x4  }
0x179: {  	(xrf1) =	vunique.msk.u32 $0xffff, v6;
	_ =	sdelay $0xd  }
0x17a: {  	_, v7, vm0 =	vpop (xrf1);
	_ =	sdelay $0x3  }
0x17b: {  	v7 =	vcvt.s32.f32 v7;
	_ =	sdelay $0x1  }
0x17c: {  	[tilespmem:v6+s28+$0x0] =	vst.idx.add.f32.msk vm0, v7  }
0x17d: {  	v6 =	vld [tilespmem:s20+$0x5F0];
	_ =	sdelay $0x4  }
0x17e: {  	(xrf1) =	vunique.msk.u32 $0xffff, v6;
	_ =	sdelay $0xd  }
0x17f: {  	_, v7, vm0 =	vpop (xrf1);
	_ =	sdelay $0x1  }
.Ltmp7:
0x180: {  	_ = 	snop;
	(pc) =	sbr.rel .LBB2_8-.Ltmp7, $3  }
0x181: {  	_ = 	snop  }
0x182: {  	v7 =	vcvt.s32.f32 v7;
	_ =	sdelay $0x1  }
0x183: {  	[tilespmem:v6+s28+$0x0] =	vst.idx.add.f32.msk vm0, v7  }
.LBB2_10:
0x184: {  	_ =	sfence.sel $0x180000  }
0x185: {  	[bflag:$0x0] =	sbarrier.arrive $0xFFFF  }
0x186: {  	_ =	strace $0x90000047  }
0x187: {  	[bflag:$0x2] =	sbarrier.arrive $0xFFFF  }
0x188: {  	s0 =	rddreg [dreg:$0x6]  }
0x189: {  	s0 =	sadd.s32 @!p0 $0x100000, s0  }
0x18a: {  	[sflag:s0] =	ssyncadd.tile.s32 @!p0 $0x1;
	_ =	shalt  }
.Lfunc_end2:
_tile_overlayer_lowered:
.L_overlay_start_2:
0x18b: {  	(tag) =	ssettag $0x2  }
0x18c: {  	s0 =	rddreg [dreg:$0x0];
	s2 =	stileid.u32  }
0x18d: {  	s1 =	rddreg [dreg:$0x1];
	p0 =	sne.s32 s2, $0x0  }
0x18e: {  	s3 =	rddreg [dreg:$0x2];
	[bflag:$0x3] =	sbarrier.arrive $0xFFFF;
	s2 =	simm.s32 @!p0 $0x1C0B  }
0x18f: {  	[timem:s3], [sflag:s2] =	dma.local @!p0 [hbm:s0], s1  }
0x190: {  	s0 =	simm.s32 @!p0 $0xB  }
0x191: {  	_ =	swait.ge @!p0 [sflag:s0], s1  }
0x192: {  	s1 =	ssub.s32 @!p0 $0x0, s1;
	[sflag:s0] =	ssyncset.done @!p0 $0x0  }
0x193: {  	[sflag:s0] =	ssyncadd.s32 @!p0 s1  }
0x194: {  	[bflag:$0x3] =	sbarrier.arrive $0xFFFF  }
0x195: {  	_ =	shalt  }

</sc_bundles>
